<compile_context>
chip_gen: v7x
topology: tpu7x:2x2x1
jax: 0.10.2.dev20260603
libtpu: 0.0.44.dev20260713+nightly
codegen_flags: <defaults>
</compile_context>

<pallas_src>
import functools

import jax
import jax.numpy as jnp
from jax import lax
from jax.experimental import pallas as pl
from jax.experimental.pallas import tpu as pltpu
from jax.experimental.pallas import tpu_sc as plsc

NC = 2
NS = 16
NW = NC * NS
CH = 128
NEG = -1e30


def _tc_project(x_pad, W, attn_l, attn_r, n_valid):
    npad, d_in = x_pad.shape
    hout = W.shape[1]
    h, dh = attn_l.shape
    blk = 256
    grid = npad // blk

    def body(x_ref, w_ref, al_ref, ar_ref, feat_ref, er_ref):
        i = pl.program_id(0)
        f = jnp.dot(x_ref[...], w_ref[...], preferred_element_type=jnp.float32)
        f3 = f.reshape(blk, h, dh)
        el = jnp.sum(f3 * al_ref[...][None], axis=-1)
        er = jnp.sum(f3 * ar_ref[...][None], axis=-1)
        zpad = jnp.zeros((blk, 16 - h), jnp.float32)
        el16 = jnp.concatenate([el, zpad], axis=1)
        er16 = jnp.concatenate([er, zpad], axis=1)
        rows = i * blk + lax.broadcasted_iota(jnp.int32, (blk, 1), 0)
        el16 = jnp.where(rows >= n_valid, NEG, el16)
        feat_ref[...] = jnp.concatenate([f, el16], axis=1)
        er_ref[...] = er16

    return pl.pallas_call(
        body,
        grid=(grid,),
        in_specs=[
            pl.BlockSpec((blk, d_in), lambda i: (i, 0)),
            pl.BlockSpec((d_in, hout), lambda i: (0, 0)),
            pl.BlockSpec((h, dh), lambda i: (0, 0)),
            pl.BlockSpec((h, dh), lambda i: (0, 0)),
        ],
        out_specs=[
            pl.BlockSpec((blk, hout + 16), lambda i: (i, 0)),
            pl.BlockSpec((blk, 16), lambda i: (i, 0)),
        ],
        out_shape=[
            jax.ShapeDtypeStruct((npad, hout + 16), jnp.float32),
            jax.ShapeDtypeStruct((npad, 16), jnp.float32),
        ],
    )(x_pad, W, attn_l, attn_r)


def _sc_edge_pass(srcs, dsts, er16, feat, nacc):
    e_pad = srcs.shape[0] * srcs.shape[1]
    hacc = feat.shape[1]
    hout = hacc - 16
    cpt = e_pad // (NW * CH)
    nh = hout // 16
    mesh = plsc.VectorSubcoreMesh(
        core_axis_name="c", subcore_axis_name="s", num_cores=NC,
        num_subcores=NS)

    rpt = nacc // NS
    nfull = rpt // CH
    ntail = rpt - nfull * CH

    @functools.partial(
        pl.kernel,
        mesh=mesh,
        out_type=[
            jax.ShapeDtypeStruct((NC, nacc, hacc), jnp.float32),
        ],
        scratch_types=[
            pltpu.VMEM((CH,), jnp.int32),
            pltpu.VMEM((CH,), jnp.int32),
            pltpu.VMEM((CH,), jnp.int32),
            pltpu.VMEM((CH, 16), jnp.float32),
            pltpu.VMEM((CH, hacc), jnp.float32),
            pltpu.VMEM((CH, hacc), jnp.float32),
            pltpu.VMEM_SHARED((nacc, hacc), jnp.float32),
            pltpu.SemaphoreType.DMA,
        ],
        compiler_params=pltpu.CompilerParams(use_tc_tiling_on_sc=False),
    )
    def k(src_hbm, dst_hbm, er_hbm, feat_hbm, out_hbm,
          si0, di0, di1, rbuf, fb0, fb1, out_sh, sem):
        c = lax.axis_index("c")
        s = lax.axis_index("s")
        wid = s * NC + c
        didx = (di0, di1)
        fbufs = (fb0, fb1)

        zrow = jnp.zeros((16,), jnp.float32)

        @plsc.parallel_loop(0, CH, unroll=8)
        def _(i):
            for hh in range(hacc // 16):
                fb0[i, pl.ds(hh * 16, 16)] = zrow

        for j in range(nfull):
            pltpu.sync_copy(fb0, out_sh.at[pl.ds(s * rpt + j * CH, CH)])
        if ntail:
            pltpu.sync_copy(
                fb0.at[pl.ds(0, ntail)],
                out_sh.at[pl.ds(s * rpt + nfull * CH, ntail)])
        plsc.subcore_barrier()

        def stage(j, bx):
            row = wid * cpt + j
            pltpu.sync_copy(src_hbm.at[row], si0)
            pltpu.sync_copy(dst_hbm.at[row], didx[bx])
            pltpu.async_copy(feat_hbm.at[si0], fbufs[bx], sem)

        def drain(bx):
            pltpu.make_async_copy(
                feat_hbm.at[pl.ds(0, CH)], fbufs[bx], sem).wait()

        def load_er(bx):
            pltpu.async_copy(er_hbm.at[didx[bx]], rbuf, sem).wait()

        def compute(bx):
            fb = fbufs[bx]

            @plsc.parallel_loop(0, CH, unroll=4)
            def _(kk):
                z = fb[kk, pl.ds(hout, 16)] + rbuf[kk, :]
                sv = jnp.exp(jnp.maximum(z, 0.2 * z))
                fb[kk, pl.ds(hout, 16)] = sv
                for hh in range(nh):
                    fb[kk, pl.ds(hh * 16, 16)] = (
                        fb[kk, pl.ds(hh * 16, 16)] * sv[hh % 8])

        def scatter(bx):
            pltpu.sync_copy(fbufs[bx], out_sh.at[didx[bx]], add=True)

        stage(0, 0)
        drain(0)
        load_er(0)
        stage(1, 1)
        compute(0)

        def pair(t, _):
            for j, bx, nbx in ((2 * t + 1, 1, 0), (2 * t + 2, 0, 1)):
                drain(bx)
                load_er(bx)
                scatter(nbx)
                stage(j + 1, nbx)
                compute(bx)
            return 0
        lax.fori_loop(0, (cpt - 3) // 2, pair, 0)

        drain(1)
        load_er(1)
        scatter(0)
        stage(cpt - 1, 0)
        compute(1)
        drain(0)
        load_er(0)
        scatter(1)
        compute(0)
        scatter(0)

        plsc.subcore_barrier()
        pltpu.sync_copy(out_sh.at[pl.ds(s * rpt, rpt)],
                        out_hbm.at[c, pl.ds(s * rpt, rpt)])

    return k(srcs, dsts, er16, feat)[0]


def _tc_normalize(outp, n):
    _, npad, hacc = outp.shape
    hout = hacc - 16
    h = 8
    dh = hout // h
    blk = 400
    grid = n // blk

    def body(op_ref, out_ref):
        o = op_ref[0] + op_ref[1]
        d8 = o[:, hout:hout + h].reshape(blk, h, 1)
        den = jnp.broadcast_to(d8, (blk, h, dh)).reshape(blk, hout)
        out_ref[...] = o[:, :hout] / den

    return pl.pallas_call(
        body,
        grid=(grid,),
        in_specs=[
            pl.BlockSpec((2, blk, hacc), lambda i: (0, i, 0)),
        ],
        out_specs=pl.BlockSpec((blk, hout), lambda i: (i, 0)),
        out_shape=jax.ShapeDtypeStruct((n, hout), jnp.float32),
    )(outp)


def kernel(x, edge_index, W, attn_l, attn_r):
    n, d_in = x.shape
    e = edge_index.shape[1]

    npad = -(-n // (NS * CH)) * (NS * CH)
    e_tot = e + n
    grain = NW * CH * 9
    e_pad = -(-e_tot // grain) * grain

    x_pad = jnp.pad(x, ((0, npad - n), (0, 0)))
    self_loop = jnp.arange(n, dtype=jnp.int32)
    srcs = jnp.concatenate([
        edge_index[0].astype(jnp.int32), self_loop,
        jnp.full((e_pad - e_tot,), n, jnp.int32)])
    dsts = jnp.concatenate([
        edge_index[1].astype(jnp.int32), self_loop,
        jnp.zeros((e_pad - e_tot,), jnp.int32)])

    feat, er16 = _tc_project(x_pad, W, attn_l, attn_r, n)
    src2 = srcs.reshape(e_pad // CH, CH)
    dst2 = dsts.reshape(e_pad // CH, CH)
    nacc = -(-n // NS) * NS
    outp = _sc_edge_pass(src2, dst2, er16, feat, nacc)
    return _tc_normalize(outp, n)

# --- scband reference (transcript-rebuilt; emitter-appended) ---
"""Pipeline reference for scband-contrast-layer-2911987826805 (READ-ONLY COPY).

The authoritative reference and input builder live on the scoring server;
editing this copy changes nothing except your own understanding.
"""

import jax, jax.numpy as jnp
import numpy as np

N_NODES = 10000
N_EDGES = 320000
D_IN = 128
N_HEADS = 8
D_HEAD = 16


def setup_inputs(seed: int = 0) -> dict:
    key = jax.random.key(seed)
    k1, k2, k3, k4, k5 = jax.random.split(key, 5)
    x = jax.random.normal(k1, (N_NODES, D_IN), dtype=jnp.float32)
    edge_index = jax.random.randint(k2, (2, N_EDGES), 0, N_NODES, dtype=jnp.int64)
    W = jax.random.normal(k3, (D_IN, N_HEADS * D_HEAD), dtype=jnp.float32) * 0.1
    attn_l = jax.random.normal(k4, (N_HEADS, D_HEAD), dtype=jnp.float32) * 0.1
    attn_r = jax.random.normal(k5, (N_HEADS, D_HEAD), dtype=jnp.float32) * 0.1
    return {"x": x, "edge_index": edge_index, "W": W, "attn_l": attn_l, "attn_r": attn_r}


def reference(x, edge_index, W, attn_l, attn_r):
    # BiGraphContrastLayer: to_homogeneous + add_self_loop + GATConv(in, hid//8, 8) + flatten heads
    N = x.shape[0]
    H, D = attn_l.shape
    self_loop = jnp.arange(N, dtype=edge_index.dtype)
    src = jnp.concatenate([edge_index[0], self_loop])
    dst = jnp.concatenate([edge_index[1], self_loop])
    # linear projection into H heads
    feat = (x @ W).reshape(N, H, D)
    # per-node attention logits (DGL GATConv style)
    el = (feat * attn_l[None, :, :]).sum(axis=-1)  # [N, H]
    er = (feat * attn_r[None, :, :]).sum(axis=-1)  # [N, H]
    e = jax.nn.leaky_relu(el[src] + er[dst], negative_slope=0.2)  # [E, H]
    # numerically-stable edge softmax over destination nodes
    emax = jax.ops.segment_max(e, dst, num_segments=N)  # [N, H]
    e_exp = jnp.exp(e - emax[dst])
    denom = jax.ops.segment_sum(e_exp, dst, num_segments=N)  # [N, H]
    alpha = e_exp / (denom[dst] + 1e-9)  # [E, H]
    # weighted message aggregation (attn_drop=0 in eval)
    msg = feat[src] * alpha[:, :, None]  # [E, H, D]
    out = jax.ops.segment_sum(msg, dst, num_segments=N)  # [N, H, D]
    return out.reshape(N, H * D)

if __name__ == "__main__":
    import jax
    _d = setup_inputs()
    print(jax.jit(kernel)(*tuple(_d.values())))

</pallas_src>

<mosaic_0001>
#map = affine_map<(d0, d1) -> (0, 0)>
#map1 = affine_map<(d0, d1) -> (0, 0, 0)>
module attributes {stable_mosaic.version = 14 : i64} {
  func.func @k(%arg0: i32, %arg1: i32, %arg2: memref<2592x128xi32, #tpu.memory_space<hbm>>, %arg3: memref<2592x128xi32, #tpu.memory_space<hbm>>, %arg4: memref<10240x16xf32, #tpu.memory_space<hbm>>, %arg5: memref<10240x144xf32, #tpu.memory_space<hbm>>, %arg6: memref<2x10000x144xf32, #tpu.memory_space<hbm>>, %arg7: memref<128xi32, #tpu.memory_space<vmem>>, %arg8: memref<128xi32, #tpu.memory_space<vmem>>, %arg9: memref<128xi32, #tpu.memory_space<vmem>>, %arg10: memref<128x16xf32, #tpu.memory_space<vmem>>, %arg11: memref<128x144xf32, #tpu.memory_space<vmem>>, %arg12: memref<128x144xf32, #tpu.memory_space<vmem>>, %arg13: memref<10000x144xf32, #tpu.memory_space<vmem_shared>>, %arg14: memref<!tpu.dma_semaphore, #tpu.memory_space<semaphore_mem>>) attributes {dimension_semantics = [#tpu.dimension_semantics<core_parallel>, #tpu.dimension_semantics<subcore_parallel>], iteration_bounds = array<i64: 2, 16>, scalar_prefetch = 0 : i64, scratch_operands = 8 : i64, tpu.core_type = #tpu.core_type<sc_vector_subcore>, window_params = [{transform_indices = #map}, {transform_indices = #map}, {transform_indices = #map}, {transform_indices = #map}, {transform_indices = #map1}]} {
    %mul3A = arith.constant 2 : i32
    %mul3A_0 = arith.muli %arg1, %mul3A : i32
    %add3A = arith.addi %mul3A_0, %arg0 : i32
    %broadcast_in_dim3A = arith.constant 0.000000e+00 : f32
    %broadcast_in_dim3A_1 = vector.broadcast %broadcast_in_dim3A : f32 to vector<16xf32>
    %parallel_loop3A = arith.constant 0 : i32
    %parallel_loop3A_2 = arith.constant 128 : i32
    %parallel_loop3A_3 = arith.constant 1 : i32
    scf.for %parallel_loop3A_99 = %parallel_loop3A to %parallel_loop3A_2 step %parallel_loop3A_3  : i32 {
      %parallel_loop3A_100 = arith.index_cast %parallel_loop3A_99 : i32 to index
      %parallel_loop3A_101 = arith.constant 0 : index
      %parallel_loop3A_102 = tpu.vector_load %arg11[%parallel_loop3A_100, %parallel_loop3A_101] {strides = array<i32>} : memref<128x144xf32, #tpu.memory_space<vmem>>, vector<1x16xf32>,
      %parallel_loop3A_103 = vector.shape_cast %parallel_loop3A_102 : vector<1x16xf32> to vector<16xf32>
      %parallel_loop3A_104 = vector.shape_cast %broadcast_in_dim3A_1 : vector<16xf32> to vector<1x16xf32>
      tpu.vector_store %arg11[%parallel_loop3A_100, %parallel_loop3A_101], %parallel_loop3A_104 {strides = array<i32>} : memref<128x144xf32, #tpu.memory_space<vmem>>, vector<1x16xf32>,
      %parallel_loop3A_105 = arith.index_cast %parallel_loop3A_99 : i32 to index
      %parallel_loop3A_106 = arith.constant 16 : index
      %parallel_loop3A_107 = tpu.vector_load %arg11[%parallel_loop3A_105, %parallel_loop3A_106] {strides = array<i32>} : memref<128x144xf32, #tpu.memory_space<vmem>>, vector<1x16xf32>,
      %parallel_loop3A_108 = vector.shape_cast %parallel_loop3A_107 : vector<1x16xf32> to vector<16xf32>
      %parallel_loop3A_109 = vector.shape_cast %broadcast_in_dim3A_1 : vector<16xf32> to vector<1x16xf32>
      tpu.vector_store %arg11[%parallel_loop3A_105, %parallel_loop3A_106], %parallel_loop3A_109 {strides = array<i32>} : memref<128x144xf32, #tpu.memory_space<vmem>>, vector<1x16xf32>,
      %parallel_loop3A_110 = arith.index_cast %parallel_loop3A_99 : i32 to index
      %parallel_loop3A_111 = arith.constant 32 : index
      %parallel_loop3A_112 = tpu.vector_load %arg11[%parallel_loop3A_110, %parallel_loop3A_111] {strides = array<i32>} : memref<128x144xf32, #tpu.memory_space<vmem>>, vector<1x16xf32>,
      %parallel_loop3A_113 = vector.shape_cast %parallel_loop3A_112 : vector<1x16xf32> to vector<16xf32>
      %parallel_loop3A_114 = vector.shape_cast %broadcast_in_dim3A_1 : vector<16xf32> to vector<1x16xf32>
      tpu.vector_store %arg11[%parallel_loop3A_110, %parallel_loop3A_111], %parallel_loop3A_114 {strides = array<i32>} : memref<128x144xf32, #tpu.memory_space<vmem>>, vector<1x16xf32>,
      %parallel_loop3A_115 = arith.index_cast %parallel_loop3A_99 : i32 to index
      %parallel_loop3A_116 = arith.constant 48 : index
      %parallel_loop3A_117 = tpu.vector_load %arg11[%parallel_loop3A_115, %parallel_loop3A_116] {strides = array<i32>} : memref<128x144xf32, #tpu.memory_space<vmem>>, vector<1x16xf32>,
      %parallel_loop3A_118 = vector.shape_cast %parallel_loop3A_117 : vector<1x16xf32> to vector<16xf32>
      %parallel_loop3A_119 = vector.shape_cast %broadcast_in_dim3A_1 : vector<16xf32> to vector<1x16xf32>
      tpu.vector_store %arg11[%parallel_loop3A_115, %parallel_loop3A_116], %parallel_loop3A_119 {strides = array<i32>} : memref<128x144xf32, #tpu.memory_space<vmem>>, vector<1x16xf32>,
      %parallel_loop3A_120 = arith.index_cast %parallel_loop3A_99 : i32 to index
      %parallel_loop3A_121 = arith.constant 64 : index
      %parallel_loop3A_122 = tpu.vector_load %arg11[%parallel_loop3A_120, %parallel_loop3A_121] {strides = array<i32>} : memref<128x144xf32, #tpu.memory_space<vmem>>, vector<1x16xf32>,
      %parallel_loop3A_123 = vector.shape_cast %parallel_loop3A_122 : vector<1x16xf32> to vector<16xf32>
      %parallel_loop3A_124 = vector.shape_cast %broadcast_in_dim3A_1 : vector<16xf32> to vector<1x16xf32>
      tpu.vector_store %arg11[%parallel_loop3A_120, %parallel_loop3A_121], %parallel_loop3A_124 {strides = array<i32>} : memref<128x144xf32, #tpu.memory_space<vmem>>, vector<1x16xf32>,
      %parallel_loop3A_125 = arith.index_cast %parallel_loop3A_99 : i32 to index
      %parallel_loop3A_126 = arith.constant 80 : index
      %parallel_loop3A_127 = tpu.vector_load %arg11[%parallel_loop3A_125, %parallel_loop3A_126] {strides = array<i32>} : memref<128x144xf32, #tpu.memory_space<vmem>>, vector<1x16xf32>,
      %parallel_loop3A_128 = vector.shape_cast %parallel_loop3A_127 : vector<1x16xf32> to vector<16xf32>
      %parallel_loop3A_129 = vector.shape_cast %broadcast_in_dim3A_1 : vector<16xf32> to vector<1x16xf32>
      tpu.vector_store %arg11[%parallel_loop3A_125, %parallel_loop3A_126], %parallel_loop3A_129 {strides = array<i32>} : memref<128x144xf32, #tpu.memory_space<vmem>>, vector<1x16xf32>,
      %parallel_loop3A_130 = arith.index_cast %parallel_loop3A_99 : i32 to index
      %parallel_loop3A_131 = arith.constant 96 : index
      %parallel_loop3A_132 = tpu.vector_load %arg11[%parallel_loop3A_130, %parallel_loop3A_131] {strides = array<i32>} : memref<128x144xf32, #tpu.memory_space<vmem>>, vector<1x16xf32>,
      %parallel_loop3A_133 = vector.shape_cast %parallel_loop3A_132 : vector<1x16xf32> to vector<16xf32>
      %parallel_loop3A_134 = vector.shape_cast %broadcast_in_dim3A_1 : vector<16xf32> to vector<1x16xf32>
      tpu.vector_store %arg11[%parallel_loop3A_130, %parallel_loop3A_131], %parallel_loop3A_134 {strides = array<i32>} : memref<128x144xf32, #tpu.memory_space<vmem>>, vector<1x16xf32>,
      %parallel_loop3A_135 = arith.index_cast %parallel_loop3A_99 : i32 to index
      %parallel_loop3A_136 = arith.constant 112 : index
      %parallel_loop3A_137 = tpu.vector_load %arg11[%parallel_loop3A_135, %parallel_loop3A_136] {strides = array<i32>} : memref<128x144xf32, #tpu.memory_space<vmem>>, vector<1x16xf32>,
      %parallel_loop3A_138 = vector.shape_cast %parallel_loop3A_137 : vector<1x16xf32> to vector<16xf32>
      %parallel_loop3A_139 = vector.shape_cast %broadcast_in_dim3A_1 : vector<16xf32> to vector<1x16xf32>
      tpu.vector_store %arg11[%parallel_loop3A_135, %parallel_loop3A_136], %parallel_loop3A_139 {strides = array<i32>} : memref<128x144xf32, #tpu.memory_space<vmem>>, vector<1x16xf32>,
      %parallel_loop3A_140 = arith.index_cast %parallel_loop3A_99 : i32 to index
      %parallel_loop3A_141 = arith.constant 128 : index
      %parallel_loop3A_142 = tpu.vector_load %arg11[%parallel_loop3A_140, %parallel_loop3A_141] {strides = array<i32>} : memref<128x144xf32, #tpu.memory_space<vmem>>, vector<1x16xf32>,
      %parallel_loop3A_143 = vector.shape_cast %parallel_loop3A_142 : vector<1x16xf32> to vector<16xf32>
      %parallel_loop3A_144 = vector.shape_cast %broadcast_in_dim3A_1 : vector<16xf32> to vector<1x16xf32>
      tpu.vector_store %arg11[%parallel_loop3A_140, %parallel_loop3A_141], %parallel_loop3A_144 {strides = array<i32>} : memref<128x144xf32, #tpu.memory_space<vmem>>, vector<1x16xf32>,
    } {sc.loop_unroll_factor = 8 : i64, sc.parallel_access}
    %mul3A_4 = arith.constant 625 : i32
    %mul3A_5 = arith.muli %arg1, %mul3A_4 : i32
    %add3A_6 = arith.constant 0 : i32
    %add3A_7 = arith.addi %mul3A_5, %add3A_6 : i32
    "tpu.region"() ({
      %run_scoped3A = tpu.sem_alloc : memref<!tpu.dma_semaphore, #tpu.memory_space<semaphore_mem>>
      %dma_start3A_99 = arith.constant 0 : i32
      %dma_start3A_100 = tpu.memref_slice %arg13[%add3A_7, %dma_start3A_99] : memref<10000x144xf32, #tpu.memory_space<vmem_shared>> -> memref<128x144xf32, #tpu.memory_space<vmem_shared>>
      %dma_start3A_101 = arith.constant 0 : i32
      %dma_start3A_102 = tpu.memref_slice %arg13[%add3A_7, %dma_start3A_101] : memref<10000x144xf32, #tpu.memory_space<vmem_shared>> -> memref<128x144xf32, #tpu.memory_space<vmem_shared>>
      tpu.enqueue_dma source(%arg11 : memref<128x144xf32, #tpu.memory_space<vmem>>) target(%dma_start3A_102 : memref<128x144xf32, #tpu.memory_space<vmem_shared>>) target_semaphore(%run_scoped3A : memref<!tpu.dma_semaphore, #tpu.memory_space<semaphore_mem>>)
      %dma_wait3A_103 = arith.constant 0 : i32
      %dma_wait3A_104 = tpu.memref_slice %arg13[%add3A_7, %dma_wait3A_103] : memref<10000x144xf32, #tpu.memory_space<vmem_shared>> -> memref<128x144xf32, #tpu.memory_space<vmem_shared>>
      %dma_wait3A_105 = arith.constant 0 : i32
      %dma_wait3A_106 = tpu.memref_slice %arg13[%add3A_7, %dma_wait3A_105] : memref<10000x144xf32, #tpu.memory_space<vmem_shared>> -> memref<128x144xf32, #tpu.memory_space<vmem_shared>>
      tpu.wait_dma2 semaphore(%run_scoped3A : memref<!tpu.dma_semaphore, #tpu.memory_space<semaphore_mem>>) src(%arg11 : memref<128x144xf32, #tpu.memory_space<vmem>>) dst(%dma_wait3A_106 : memref<128x144xf32, #tpu.memory_space<vmem_shared>>)
      tpu.yield
    }) : () -> ()
    %mul3A_8 = arith.constant 625 : i32
    %mul3A_9 = arith.muli %arg1, %mul3A_8 : i32
    %add3A_10 = arith.constant 128 : i32
    %add3A_11 = arith.addi %mul3A_9, %add3A_10 : i32
    "tpu.region"() ({
      %run_scoped3A = tpu.sem_alloc : memref<!tpu.dma_semaphore, #tpu.memory_space<semaphore_mem>>
      %dma_start3A_99 = arith.constant 0 : i32
      %dma_start3A_100 = tpu.memref_slice %arg13[%add3A_11, %dma_start3A_99] : memref<10000x144xf32, #tpu.memory_space<vmem_shared>> -> memref<128x144xf32, #tpu.memory_space<vmem_shared>>
      %dma_start3A_101 = arith.constant 0 : i32
      %dma_start3A_102 = tpu.memref_slice %arg13[%add3A_11, %dma_start3A_101] : memref<10000x144xf32, #tpu.memory_space<vmem_shared>> -> memref<128x144xf32, #tpu.memory_space<vmem_shared>>
      tpu.enqueue_dma source(%arg11 : memref<128x144xf32, #tpu.memory_space<vmem>>) target(%dma_start3A_102 : memref<128x144xf32, #tpu.memory_space<vmem_shared>>) target_semaphore(%run_scoped3A : memref<!tpu.dma_semaphore, #tpu.memory_space<semaphore_mem>>)
      %dma_wait3A_103 = arith.constant 0 : i32
      %dma_wait3A_104 = tpu.memref_slice %arg13[%add3A_11, %dma_wait3A_103] : memref<10000x144xf32, #tpu.memory_space<vmem_shared>> -> memref<128x144xf32, #tpu.memory_space<vmem_shared>>
      %dma_wait3A_105 = arith.constant 0 : i32
      %dma_wait3A_106 = tpu.memref_slice %arg13[%add3A_11, %dma_wait3A_105] : memref<10000x144xf32, #tpu.memory_space<vmem_shared>> -> memref<128x144xf32, #tpu.memory_space<vmem_shared>>
      tpu.wait_dma2 semaphore(%run_scoped3A : memref<!tpu.dma_semaphore, #tpu.memory_space<semaphore_mem>>) src(%arg11 : memref<128x144xf32, #tpu.memory_space<vmem>>) dst(%dma_wait3A_106 : memref<128x144xf32, #tpu.memory_space<vmem_shared>>)
      tpu.yield
    }) : () -> ()
    %mul3A_12 = arith.constant 625 : i32
    %mul3A_13 = arith.muli %arg1, %mul3A_12 : i32
    %add3A_14 = arith.constant 256 : i32
    %add3A_15 = arith.addi %mul3A_13, %add3A_14 : i32
    "tpu.region"() ({
      %run_scoped3A = tpu.sem_alloc : memref<!tpu.dma_semaphore, #tpu.memory_space<semaphore_mem>>
      %dma_start3A_99 = arith.constant 0 : i32
      %dma_start3A_100 = tpu.memref_slice %arg13[%add3A_15, %dma_start3A_99] : memref<10000x144xf32, #tpu.memory_space<vmem_shared>> -> memref<128x144xf32, #tpu.memory_space<vmem_shared>>
      %dma_start3A_101 = arith.constant 0 : i32
      %dma_start3A_102 = tpu.memref_slice %arg13[%add3A_15, %dma_start3A_101] : memref<10000x144xf32, #tpu.memory_space<vmem_shared>> -> memref<128x144xf32, #tpu.memory_space<vmem_shared>>
      tpu.enqueue_dma source(%arg11 : memref<128x144xf32, #tpu.memory_space<vmem>>) target(%dma_start3A_102 : memref<128x144xf32, #tpu.memory_space<vmem_shared>>) target_semaphore(%run_scoped3A : memref<!tpu.dma_semaphore, #tpu.memory_space<semaphore_mem>>)
      %dma_wait3A_103 = arith.constant 0 : i32
      %dma_wait3A_104 = tpu.memref_slice %arg13[%add3A_15, %dma_wait3A_103] : memref<10000x144xf32, #tpu.memory_space<vmem_shared>> -> memref<128x144xf32, #tpu.memory_space<vmem_shared>>
      %dma_wait3A_105 = arith.constant 0 : i32
      %dma_wait3A_106 = tpu.memref_slice %arg13[%add3A_15, %dma_wait3A_105] : memref<10000x144xf32, #tpu.memory_space<vmem_shared>> -> memref<128x144xf32, #tpu.memory_space<vmem_shared>>
      tpu.wait_dma2 semaphore(%run_scoped3A : memref<!tpu.dma_semaphore, #tpu.memory_space<semaphore_mem>>) src(%arg11 : memref<128x144xf32, #tpu.memory_space<vmem>>) dst(%dma_wait3A_106 : memref<128x144xf32, #tpu.memory_space<vmem_shared>>)
      tpu.yield
    }) : () -> ()
    %mul3A_16 = arith.constant 625 : i32
    %mul3A_17 = arith.muli %arg1, %mul3A_16 : i32
    %add3A_18 = arith.constant 384 : i32
    %add3A_19 = arith.addi %mul3A_17, %add3A_18 : i32
    "tpu.region"() ({
      %run_scoped3A = tpu.sem_alloc : memref<!tpu.dma_semaphore, #tpu.memory_space<semaphore_mem>>
      %dma_start3A_99 = arith.constant 0 : i32
      %dma_start3A_100 = tpu.memref_slice %arg13[%add3A_19, %dma_start3A_99] : memref<10000x144xf32, #tpu.memory_space<vmem_shared>> -> memref<128x144xf32, #tpu.memory_space<vmem_shared>>
      %dma_start3A_101 = arith.constant 0 : i32
      %dma_start3A_102 = tpu.memref_slice %arg13[%add3A_19, %dma_start3A_101] : memref<10000x144xf32, #tpu.memory_space<vmem_shared>> -> memref<128x144xf32, #tpu.memory_space<vmem_shared>>
      tpu.enqueue_dma source(%arg11 : memref<128x144xf32, #tpu.memory_space<vmem>>) target(%dma_start3A_102 : memref<128x144xf32, #tpu.memory_space<vmem_shared>>) target_semaphore(%run_scoped3A : memref<!tpu.dma_semaphore, #tpu.memory_space<semaphore_mem>>)
      %dma_wait3A_103 = arith.constant 0 : i32
      %dma_wait3A_104 = tpu.memref_slice %arg13[%add3A_19, %dma_wait3A_103] : memref<10000x144xf32, #tpu.memory_space<vmem_shared>> -> memref<128x144xf32, #tpu.memory_space<vmem_shared>>
      %dma_wait3A_105 = arith.constant 0 : i32
      %dma_wait3A_106 = tpu.memref_slice %arg13[%add3A_19, %dma_wait3A_105] : memref<10000x144xf32, #tpu.memory_space<vmem_shared>> -> memref<128x144xf32, #tpu.memory_space<vmem_shared>>
      tpu.wait_dma2 semaphore(%run_scoped3A : memref<!tpu.dma_semaphore, #tpu.memory_space<semaphore_mem>>) src(%arg11 : memref<128x144xf32, #tpu.memory_space<vmem>>) dst(%dma_wait3A_106 : memref<128x144xf32, #tpu.memory_space<vmem_shared>>)
      tpu.yield
    }) : () -> ()
    %mul3A_20 = arith.constant 625 : i32
    %mul3A_21 = arith.muli %arg1, %mul3A_20 : i32
    %add3A_22 = arith.constant 512 : i32
    %add3A_23 = arith.addi %mul3A_21, %add3A_22 : i32
    "tpu.region"() ({
      %run_scoped3A = tpu.sem_alloc : memref<!tpu.dma_semaphore, #tpu.memory_space<semaphore_mem>>
      %dma_start3A_99 = arith.constant 0 : i32
      %dma_start3A_100 = arith.constant 0 : i32
      %dma_start3A_101 = tpu.memref_slice %arg11[%dma_start3A_99, %dma_start3A_100] : memref<128x144xf32, #tpu.memory_space<vmem>> -> memref<113x144xf32, #tpu.memory_space<vmem>>
      %dma_start3A_102 = arith.constant 0 : i32
      %dma_start3A_103 = tpu.memref_slice %arg13[%add3A_23, %dma_start3A_102] : memref<10000x144xf32, #tpu.memory_space<vmem_shared>> -> memref<113x144xf32, #tpu.memory_space<vmem_shared>>
      %dma_start3A_104 = arith.constant 0 : i32
      %dma_start3A_105 = tpu.memref_slice %arg13[%add3A_23, %dma_start3A_104] : memref<10000x144xf32, #tpu.memory_space<vmem_shared>> -> memref<113x144xf32, #tpu.memory_space<vmem_shared>>
      %dma_start3A_106 = arith.constant 0 : i32
      %dma_start3A_107 = arith.constant 0 : i32
      %dma_start3A_108 = tpu.memref_slice %arg11[%dma_start3A_106, %dma_start3A_107] : memref<128x144xf32, #tpu.memory_space<vmem>> -> memref<113x144xf32, #tpu.memory_space<vmem>>
      tpu.enqueue_dma source(%dma_start3A_108 : memref<113x144xf32, #tpu.memory_space<vmem>>) target(%dma_start3A_105 : memref<113x144xf32, #tpu.memory_space<vmem_shared>>) target_semaphore(%run_scoped3A : memref<!tpu.dma_semaphore, #tpu.memory_space<semaphore_mem>>)
      %dma_wait3A_109 = arith.constant 0 : i32
      %dma_wait3A_110 = arith.constant 0 : i32
      %dma_wait3A_111 = tpu.memref_slice %arg11[%dma_wait3A_109, %dma_wait3A_110] : memref<128x144xf32, #tpu.memory_space<vmem>> -> memref<113x144xf32, #tpu.memory_space<vmem>>
      %dma_wait3A_112 = arith.constant 0 : i32
      %dma_wait3A_113 = tpu.memref_slice %arg13[%add3A_23, %dma_wait3A_112] : memref<10000x144xf32, #tpu.memory_space<vmem_shared>> -> memref<113x144xf32, #tpu.memory_space<vmem_shared>>
      %dma_wait3A_114 = arith.constant 0 : i32
      %dma_wait3A_115 = tpu.memref_slice %arg13[%add3A_23, %dma_wait3A_114] : memref<10000x144xf32, #tpu.memory_space<vmem_shared>> -> memref<113x144xf32, #tpu.memory_space<vmem_shared>>
      %dma_wait3A_116 = arith.constant 0 : i32
      %dma_wait3A_117 = arith.constant 0 : i32
      %dma_wait3A_118 = tpu.memref_slice %arg11[%dma_wait3A_116, %dma_wait3A_117] : memref<128x144xf32, #tpu.memory_space<vmem>> -> memref<113x144xf32, #tpu.memory_space<vmem>>
      tpu.wait_dma2 semaphore(%run_scoped3A : memref<!tpu.dma_semaphore, #tpu.memory_space<semaphore_mem>>) src(%dma_wait3A_118 : memref<113x144xf32, #tpu.memory_space<vmem>>) dst(%dma_wait3A_115 : memref<113x144xf32, #tpu.memory_space<vmem_shared>>)
      tpu.yield
    }) : () -> ()
    %barrier3A = arith.constant 0 : index
    tpu.barrier barrier_id(%barrier3A)
    %mul3A_24 = arith.constant 81 : i32
    %mul3A_25 = arith.muli %add3A, %mul3A_24 : i32
    %add3A_26 = arith.constant 0 : i32
    %add3A_27 = arith.addi %mul3A_25, %add3A_26 : i32
    "tpu.region"() ({
      %run_scoped3A = tpu.sem_alloc : memref<!tpu.dma_semaphore, #tpu.memory_space<semaphore_mem>>
      %dma_start3A_99 = arith.constant 0 : i32
      %dma_start3A_100 = tpu.memref_slice %arg2[%add3A_27, %dma_start3A_99] : memref<2592x128xi32, #tpu.memory_space<hbm>> -> memref<1x128xi32, #tpu.memory_space<hbm>>
      %dma_start3A_101 = tpu.memref_squeeze %dma_start3A_100 : memref<1x128xi32, #tpu.memory_space<hbm>> -> memref<128xi32, #tpu.memory_space<hbm>>
      %dma_start3A_102 = arith.constant 0 : i32
      %dma_start3A_103 = tpu.memref_slice %arg2[%add3A_27, %dma_start3A_102] : memref<2592x128xi32, #tpu.memory_space<hbm>> -> memref<1x128xi32, #tpu.memory_space<hbm>>
      %dma_start3A_104 = tpu.memref_squeeze %dma_start3A_103 : memref<1x128xi32, #tpu.memory_space<hbm>> -> memref<128xi32, #tpu.memory_space<hbm>>
      tpu.enqueue_dma source(%dma_start3A_104 : memref<128xi32, #tpu.memory_space<hbm>>) target(%arg7 : memref<128xi32, #tpu.memory_space<vmem>>) target_semaphore(%run_scoped3A : memref<!tpu.dma_semaphore, #tpu.memory_space<semaphore_mem>>)
      %dma_wait3A_105 = arith.constant 0 : i32
      %dma_wait3A_106 = tpu.memref_slice %arg2[%add3A_27, %dma_wait3A_105] : memref<2592x128xi32, #tpu.memory_space<hbm>> -> memref<1x128xi32, #tpu.memory_space<hbm>>
      %dma_wait3A_107 = tpu.memref_squeeze %dma_wait3A_106 : memref<1x128xi32, #tpu.memory_space<hbm>> -> memref<128xi32, #tpu.memory_space<hbm>>
      %dma_wait3A_108 = arith.constant 0 : i32
      %dma_wait3A_109 = tpu.memref_slice %arg2[%add3A_27, %dma_wait3A_108] : memref<2592x128xi32, #tpu.memory_space<hbm>> -> memref<1x128xi32, #tpu.memory_space<hbm>>
      %dma_wait3A_110 = tpu.memref_squeeze %dma_wait3A_109 : memref<1x128xi32, #tpu.memory_space<hbm>> -> memref<128xi32, #tpu.memory_space<hbm>>
      tpu.wait_dma2 semaphore(%run_scoped3A : memref<!tpu.dma_semaphore, #tpu.memory_space<semaphore_mem>>) src(%dma_wait3A_110 : memref<128xi32, #tpu.memory_space<hbm>>) dst(%arg7 : memref<128xi32, #tpu.memory_space<vmem>>)
      tpu.yield
    }) : () -> ()
    "tpu.region"() ({
      %run_scoped3A = tpu.sem_alloc : memref<!tpu.dma_semaphore, #tpu.memory_space<semaphore_mem>>
      %dma_start3A_99 = arith.constant 0 : i32
      %dma_start3A_100 = tpu.memref_slice %arg3[%add3A_27, %dma_start3A_99] : memref<2592x128xi32, #tpu.memory_space<hbm>> -> memref<1x128xi32, #tpu.memory_space<hbm>>
      %dma_start3A_101 = tpu.memref_squeeze %dma_start3A_100 : memref<1x128xi32, #tpu.memory_space<hbm>> -> memref<128xi32, #tpu.memory_space<hbm>>
      %dma_start3A_102 = arith.constant 0 : i32
      %dma_start3A_103 = tpu.memref_slice %arg3[%add3A_27, %dma_start3A_102] : memref<2592x128xi32, #tpu.memory_space<hbm>> -> memref<1x128xi32, #tpu.memory_space<hbm>>
      %dma_start3A_104 = tpu.memref_squeeze %dma_start3A_103 : memref<1x128xi32, #tpu.memory_space<hbm>> -> memref<128xi32, #tpu.memory_space<hbm>>
      tpu.enqueue_dma source(%dma_start3A_104 : memref<128xi32, #tpu.memory_space<hbm>>) target(%arg8 : memref<128xi32, #tpu.memory_space<vmem>>) target_semaphore(%run_scoped3A : memref<!tpu.dma_semaphore, #tpu.memory_space<semaphore_mem>>)
      %dma_wait3A_105 = arith.constant 0 : i32
      %dma_wait3A_106 = tpu.memref_slice %arg3[%add3A_27, %dma_wait3A_105] : memref<2592x128xi32, #tpu.memory_space<hbm>> -> memref<1x128xi32, #tpu.memory_space<hbm>>
      %dma_wait3A_107 = tpu.memref_squeeze %dma_wait3A_106 : memref<1x128xi32, #tpu.memory_space<hbm>> -> memref<128xi32, #tpu.memory_space<hbm>>
      %dma_wait3A_108 = arith.constant 0 : i32
      %dma_wait3A_109 = tpu.memref_slice %arg3[%add3A_27, %dma_wait3A_108] : memref<2592x128xi32, #tpu.memory_space<hbm>> -> memref<1x128xi32, #tpu.memory_space<hbm>>
      %dma_wait3A_110 = tpu.memref_squeeze %dma_wait3A_109 : memref<1x128xi32, #tpu.memory_space<hbm>> -> memref<128xi32, #tpu.memory_space<hbm>>
      tpu.wait_dma2 semaphore(%run_scoped3A : memref<!tpu.dma_semaphore, #tpu.memory_space<semaphore_mem>>) src(%dma_wait3A_110 : memref<128xi32, #tpu.memory_space<hbm>>) dst(%arg8 : memref<128xi32, #tpu.memory_space<vmem>>)
      tpu.yield
    }) : () -> ()
    %dma_start3A = arith.constant 0 : i32
    %dma_start3A_28 = arith.constant 0 : i32
    %dma_start3A_29 = tpu.memref_slice %arg5[%dma_start3A, %dma_start3A_28] : memref<10240x144xf32, #tpu.memory_space<hbm>> -> memref<10240x144xf32, #tpu.memory_space<hbm>>
    tpu.enqueue_indirect_dma source(%dma_start3A_29 : memref<10240x144xf32, #tpu.memory_space<hbm>>) target(%arg11 : memref<128x144xf32, #tpu.memory_space<vmem>>) offsets(%arg7 : memref<128xi32, #tpu.memory_space<vmem>>) semaphore(%arg14 : memref<!tpu.dma_semaphore, #tpu.memory_space<semaphore_mem>>)
    %dma_wait3A = arith.constant 0 : i32
    %dma_wait3A_30 = arith.constant 0 : i32
    %dma_wait3A_31 = tpu.memref_slice %arg5[%dma_wait3A, %dma_wait3A_30] : memref<10240x144xf32, #tpu.memory_space<hbm>> -> memref<128x144xf32, #tpu.memory_space<hbm>>
    %dma_wait3A_32 = arith.constant 0 : i32
    %dma_wait3A_33 = arith.constant 0 : i32
    %dma_wait3A_34 = tpu.memref_slice %arg5[%dma_wait3A_32, %dma_wait3A_33] : memref<10240x144xf32, #tpu.memory_space<hbm>> -> memref<128x144xf32, #tpu.memory_space<hbm>>
    tpu.wait_dma2 semaphore(%arg14 : memref<!tpu.dma_semaphore, #tpu.memory_space<semaphore_mem>>) src(%dma_wait3A_34 : memref<128x144xf32, #tpu.memory_space<hbm>>) dst(%arg11 : memref<128x144xf32, #tpu.memory_space<vmem>>)
    %dma_start3A_35 = arith.constant 0 : i32
    %dma_start3A_36 = arith.constant 0 : i32
    %dma_start3A_37 = tpu.memref_slice %arg4[%dma_start3A_35, %dma_start3A_36] : memref<10240x16xf32, #tpu.memory_space<hbm>> -> memref<10240x16xf32, #tpu.memory_space<hbm>>
    tpu.enqueue_indirect_dma source(%dma_start3A_37 : memref<10240x16xf32, #tpu.memory_space<hbm>>) target(%arg10 : memref<128x16xf32, #tpu.memory_space<vmem>>) offsets(%arg8 : memref<128xi32, #tpu.memory_space<vmem>>) semaphore(%arg14 : memref<!tpu.dma_semaphore, #tpu.memory_space<semaphore_mem>>)
    %dma_wait3A_38 = arith.constant 0 : i32
    %dma_wait3A_39 = arith.constant 0 : i32
    %dma_wait3A_40 = tpu.memref_slice %arg4[%dma_wait3A_38, %dma_wait3A_39] : memref<10240x16xf32, #tpu.memory_space<hbm>> -> memref<10240x16xf32, #tpu.memory_space<hbm>>
    tpu.wait_indirect_dma semaphore(%arg14 : memref<!tpu.dma_semaphore, #tpu.memory_space<semaphore_mem>>) src(%dma_wait3A_40 : memref<10240x16xf32, #tpu.memory_space<hbm>>) dst(%arg10 : memref<128x16xf32, #tpu.memory_space<vmem>>)
    %mul3A_41 = arith.constant 81 : i32
    %mul3A_42 = arith.muli %add3A, %mul3A_41 : i32
    %add3A_43 = arith.constant 1 : i32
    %add3A_44 = arith.addi %mul3A_42, %add3A_43 : i32
    "tpu.region"() ({
      %run_scoped3A = tpu.sem_alloc : memref<!tpu.dma_semaphore, #tpu.memory_space<semaphore_mem>>
      %dma_start3A_99 = arith.constant 0 : i32
      %dma_start3A_100 = tpu.memref_slice %arg2[%add3A_44, %dma_start3A_99] : memref<2592x128xi32, #tpu.memory_space<hbm>> -> memref<1x128xi32, #tpu.memory_space<hbm>>
      %dma_start3A_101 = tpu.memref_squeeze %dma_start3A_100 : memref<1x128xi32, #tpu.memory_space<hbm>> -> memref<128xi32, #tpu.memory_space<hbm>>
      %dma_start3A_102 = arith.constant 0 : i32
      %dma_start3A_103 = tpu.memref_slice %arg2[%add3A_44, %dma_start3A_102] : memref<2592x128xi32, #tpu.memory_space<hbm>> -> memref<1x128xi32, #tpu.memory_space<hbm>>
      %dma_start3A_104 = tpu.memref_squeeze %dma_start3A_103 : memref<1x128xi32, #tpu.memory_space<hbm>> -> memref<128xi32, #tpu.memory_space<hbm>>
      tpu.enqueue_dma source(%dma_start3A_104 : memref<128xi32, #tpu.memory_space<hbm>>) target(%arg7 : memref<128xi32, #tpu.memory_space<vmem>>) target_semaphore(%run_scoped3A : memref<!tpu.dma_semaphore, #tpu.memory_space<semaphore_mem>>)
      %dma_wait3A_105 = arith.constant 0 : i32
      %dma_wait3A_106 = tpu.memref_slice %arg2[%add3A_44, %dma_wait3A_105] : memref<2592x128xi32, #tpu.memory_space<hbm>> -> memref<1x128xi32, #tpu.memory_space<hbm>>
      %dma_wait3A_107 = tpu.memref_squeeze %dma_wait3A_106 : memref<1x128xi32, #tpu.memory_space<hbm>> -> memref<128xi32, #tpu.memory_space<hbm>>
      %dma_wait3A_108 = arith.constant 0 : i32
      %dma_wait3A_109 = tpu.memref_slice %arg2[%add3A_44, %dma_wait3A_108] : memref<2592x128xi32, #tpu.memory_space<hbm>> -> memref<1x128xi32, #tpu.memory_space<hbm>>
      %dma_wait3A_110 = tpu.memref_squeeze %dma_wait3A_109 : memref<1x128xi32, #tpu.memory_space<hbm>> -> memref<128xi32, #tpu.memory_space<hbm>>
      tpu.wait_dma2 semaphore(%run_scoped3A : memref<!tpu.dma_semaphore, #tpu.memory_space<semaphore_mem>>) src(%dma_wait3A_110 : memref<128xi32, #tpu.memory_space<hbm>>) dst(%arg7 : memref<128xi32, #tpu.memory_space<vmem>>)
      tpu.yield
    }) : () -> ()
    "tpu.region"() ({
      %run_scoped3A = tpu.sem_alloc : memref<!tpu.dma_semaphore, #tpu.memory_space<semaphore_mem>>
      %dma_start3A_99 = arith.constant 0 : i32
      %dma_start3A_100 = tpu.memref_slice %arg3[%add3A_44, %dma_start3A_99] : memref<2592x128xi32, #tpu.memory_space<hbm>> -> memref<1x128xi32, #tpu.memory_space<hbm>>
      %dma_start3A_101 = tpu.memref_squeeze %dma_start3A_100 : memref<1x128xi32, #tpu.memory_space<hbm>> -> memref<128xi32, #tpu.memory_space<hbm>>
      %dma_start3A_102 = arith.constant 0 : i32
      %dma_start3A_103 = tpu.memref_slice %arg3[%add3A_44, %dma_start3A_102] : memref<2592x128xi32, #tpu.memory_space<hbm>> -> memref<1x128xi32, #tpu.memory_space<hbm>>
      %dma_start3A_104 = tpu.memref_squeeze %dma_start3A_103 : memref<1x128xi32, #tpu.memory_space<hbm>> -> memref<128xi32, #tpu.memory_space<hbm>>
      tpu.enqueue_dma source(%dma_start3A_104 : memref<128xi32, #tpu.memory_space<hbm>>) target(%arg9 : memref<128xi32, #tpu.memory_space<vmem>>) target_semaphore(%run_scoped3A : memref<!tpu.dma_semaphore, #tpu.memory_space<semaphore_mem>>)
      %dma_wait3A_105 = arith.constant 0 : i32
      %dma_wait3A_106 = tpu.memref_slice %arg3[%add3A_44, %dma_wait3A_105] : memref<2592x128xi32, #tpu.memory_space<hbm>> -> memref<1x128xi32, #tpu.memory_space<hbm>>
      %dma_wait3A_107 = tpu.memref_squeeze %dma_wait3A_106 : memref<1x128xi32, #tpu.memory_space<hbm>> -> memref<128xi32, #tpu.memory_space<hbm>>
      %dma_wait3A_108 = arith.constant 0 : i32
      %dma_wait3A_109 = tpu.memref_slice %arg3[%add3A_44, %dma_wait3A_108] : memref<2592x128xi32, #tpu.memory_space<hbm>> -> memref<1x128xi32, #tpu.memory_space<hbm>>
      %dma_wait3A_110 = tpu.memref_squeeze %dma_wait3A_109 : memref<1x128xi32, #tpu.memory_space<hbm>> -> memref<128xi32, #tpu.memory_space<hbm>>
      tpu.wait_dma2 semaphore(%run_scoped3A : memref<!tpu.dma_semaphore, #tpu.memory_space<semaphore_mem>>) src(%dma_wait3A_110 : memref<128xi32, #tpu.memory_space<hbm>>) dst(%arg9 : memref<128xi32, #tpu.memory_space<vmem>>)
      tpu.yield
    }) : () -> ()
    %dma_start3A_45 = arith.constant 0 : i32
    %dma_start3A_46 = arith.constant 0 : i32
    %dma_start3A_47 = tpu.memref_slice %arg5[%dma_start3A_45, %dma_start3A_46] : memref<10240x144xf32, #tpu.memory_space<hbm>> -> memref<10240x144xf32, #tpu.memory_space<hbm>>
    tpu.enqueue_indirect_dma source(%dma_start3A_47 : memref<10240x144xf32, #tpu.memory_space<hbm>>) target(%arg12 : memref<128x144xf32, #tpu.memory_space<vmem>>) offsets(%arg7 : memref<128xi32, #tpu.memory_space<vmem>>) semaphore(%arg14 : memref<!tpu.dma_semaphore, #tpu.memory_space<semaphore_mem>>)
    %parallel_loop3A_48 = arith.constant 0 : i32
    %parallel_loop3A_49 = arith.constant 128 : i32
    %parallel_loop3A_50 = arith.constant 1 : i32
    scf.for %parallel_loop3A_99 = %parallel_loop3A_48 to %parallel_loop3A_49 step %parallel_loop3A_50  : i32 {
      %parallel_loop3A_100 = arith.index_cast %parallel_loop3A_99 : i32 to index
      %parallel_loop3A_101 = arith.constant 128 : index
      %parallel_loop3A_102 = tpu.vector_load %arg11[%parallel_loop3A_100, %parallel_loop3A_101] {strides = array<i32>} : memref<128x144xf32, #tpu.memory_space<vmem>>, vector<1x16xf32>,
      %parallel_loop3A_103 = vector.shape_cast %parallel_loop3A_102 : vector<1x16xf32> to vector<16xf32>
      %parallel_loop3A_104 = arith.index_cast %parallel_loop3A_99 : i32 to index
      %parallel_loop3A_105 = arith.constant 0 : index
      %parallel_loop3A_106 = tpu.vector_load %arg10[%parallel_loop3A_104, %parallel_loop3A_105] {strides = array<i32>} : memref<128x16xf32, #tpu.memory_space<vmem>>, vector<1x16xf32>,
      %parallel_loop3A_107 = vector.shape_cast %parallel_loop3A_106 : vector<1x16xf32> to vector<16xf32>
      %parallel_loop3A_108 = arith.addf %parallel_loop3A_103, %parallel_loop3A_107 : vector<16xf32>
      %parallel_loop3A_109 = arith.constant 2.000000e-01 : f32
      %parallel_loop3A_110 = vector.broadcast %parallel_loop3A_109 : f32 to vector<16xf32>
      %parallel_loop3A_111 = arith.mulf %parallel_loop3A_110, %parallel_loop3A_108 : vector<16xf32>
      %parallel_loop3A_112 = arith.maximumf %parallel_loop3A_108, %parallel_loop3A_111 : vector<16xf32>
      %parallel_loop3A_113 = math.exp %parallel_loop3A_112 : vector<16xf32>
      %parallel_loop3A_114 = arith.index_cast %parallel_loop3A_99 : i32 to index
      %parallel_loop3A_115 = arith.constant 128 : index
      %parallel_loop3A_116 = tpu.vector_load %arg11[%parallel_loop3A_114, %parallel_loop3A_115] {strides = array<i32>} : memref<128x144xf32, #tpu.memory_space<vmem>>, vector<1x16xf32>,
      %parallel_loop3A_117 = vector.shape_cast %parallel_loop3A_116 : vector<1x16xf32> to vector<16xf32>
      %parallel_loop3A_118 = vector.shape_cast %parallel_loop3A_113 : vector<16xf32> to vector<1x16xf32>
      tpu.vector_store %arg11[%parallel_loop3A_114, %parallel_loop3A_115], %parallel_loop3A_118 {strides = array<i32>} : memref<128x144xf32, #tpu.memory_space<vmem>>, vector<1x16xf32>,
      %parallel_loop3A_119 = arith.index_cast %parallel_loop3A_99 : i32 to index
      %parallel_loop3A_120 = arith.constant 0 : index
      %parallel_loop3A_121 = tpu.vector_load %arg11[%parallel_loop3A_119, %parallel_loop3A_120] {strides = array<i32>} : memref<128x144xf32, #tpu.memory_space<vmem>>, vector<1x16xf32>,
      %parallel_loop3A_122 = vector.shape_cast %parallel_loop3A_121 : vector<1x16xf32> to vector<16xf32>
      %parallel_loop3A_123 = vector.extract_strided_slice %parallel_loop3A_113 {offsets = [0], sizes = [1], strides = [1]} : vector<16xf32> to vector<1xf32>
      %parallel_loop3A_124 = vector.extract %parallel_loop3A_123[0] : f32 from vector<1xf32>
      %parallel_loop3A_125 = vector.broadcast %parallel_loop3A_124 : f32 to vector<16xf32>
      %parallel_loop3A_126 = arith.mulf %parallel_loop3A_122, %parallel_loop3A_125 : vector<16xf32>
      %parallel_loop3A_127 = arith.index_cast %parallel_loop3A_99 : i32 to index
      %parallel_loop3A_128 = arith.constant 0 : index
      %parallel_loop3A_129 = tpu.vector_load %arg11[%parallel_loop3A_127, %parallel_loop3A_128] {strides = array<i32>} : memref<128x144xf32, #tpu.memory_space<vmem>>, vector<1x16xf32>,
      %parallel_loop3A_130 = vector.shape_cast %parallel_loop3A_129 : vector<1x16xf32> to vector<16xf32>
      %parallel_loop3A_131 = vector.shape_cast %parallel_loop3A_126 : vector<16xf32> to vector<1x16xf32>
      tpu.vector_store %arg11[%parallel_loop3A_127, %parallel_loop3A_128], %parallel_loop3A_131 {strides = array<i32>} : memref<128x144xf32, #tpu.memory_space<vmem>>, vector<1x16xf32>,
      %parallel_loop3A_132 = arith.index_cast %parallel_loop3A_99 : i32 to index
      %parallel_loop3A_133 = arith.constant 16 : index
      %parallel_loop3A_134 = tpu.vector_load %arg11[%parallel_loop3A_132, %parallel_loop3A_133] {strides = array<i32>} : memref<128x144xf32, #tpu.memory_space<vmem>>, vector<1x16xf32>,
      %parallel_loop3A_135 = vector.shape_cast %parallel_loop3A_134 : vector<1x16xf32> to vector<16xf32>
      %parallel_loop3A_136 = vector.extract_strided_slice %parallel_loop3A_113 {offsets = [1], sizes = [1], strides = [1]} : vector<16xf32> to vector<1xf32>
      %parallel_loop3A_137 = vector.extract %parallel_loop3A_136[0] : f32 from vector<1xf32>
      %parallel_loop3A_138 = vector.broadcast %parallel_loop3A_137 : f32 to vector<16xf32>
      %parallel_loop3A_139 = arith.mulf %parallel_loop3A_135, %parallel_loop3A_138 : vector<16xf32>
      %parallel_loop3A_140 = arith.index_cast %parallel_loop3A_99 : i32 to index
      %parallel_loop3A_141 = arith.constant 16 : index
      %parallel_loop3A_142 = tpu.vector_load %arg11[%parallel_loop3A_140, %parallel_loop3A_141] {strides = array<i32>} : memref<128x144xf32, #tpu.memory_space<vmem>>, vector<1x16xf32>,
      %parallel_loop3A_143 = vector.shape_cast %parallel_loop3A_142 : vector<1x16xf32> to vector<16xf32>
      %parallel_loop3A_144 = vector.shape_cast %parallel_loop3A_139 : vector<16xf32> to vector<1x16xf32>
      tpu.vector_store %arg11[%parallel_loop3A_140, %parallel_loop3A_141], %parallel_loop3A_144 {strides = array<i32>} : memref<128x144xf32, #tpu.memory_space<vmem>>, vector<1x16xf32>,
      %parallel_loop3A_145 = arith.index_cast %parallel_loop3A_99 : i32 to index
      %parallel_loop3A_146 = arith.constant 32 : index
      %parallel_loop3A_147 = tpu.vector_load %arg11[%parallel_loop3A_145, %parallel_loop3A_146] {strides = array<i32>} : memref<128x144xf32, #tpu.memory_space<vmem>>, vector<1x16xf32>,
      %parallel_loop3A_148 = vector.shape_cast %parallel_loop3A_147 : vector<1x16xf32> to vector<16xf32>
      %parallel_loop3A_149 = vector.extract_strided_slice %parallel_loop3A_113 {offsets = [2], sizes = [1], strides = [1]} : vector<16xf32> to vector<1xf32>
      %parallel_loop3A_150 = vector.extract %parallel_loop3A_149[0] : f32 from vector<1xf32>
      %parallel_loop3A_151 = vector.broadcast %parallel_loop3A_150 : f32 to vector<16xf32>
      %parallel_loop3A_152 = arith.mulf %parallel_loop3A_148, %parallel_loop3A_151 : vector<16xf32>
      %parallel_loop3A_153 = arith.index_cast %parallel_loop3A_99 : i32 to index
      %parallel_loop3A_154 = arith.constant 32 : index
      %parallel_loop3A_155 = tpu.vector_load %arg11[%parallel_loop3A_153, %parallel_loop3A_154] {strides = array<i32>} : memref<128x144xf32, #tpu.memory_space<vmem>>, vector<1x16xf32>,
      %parallel_loop3A_156 = vector.shape_cast %parallel_loop3A_155 : vector<1x16xf32> to vector<16xf32>
      %parallel_loop3A_157 = vector.shape_cast %parallel_loop3A_152 : vector<16xf32> to vector<1x16xf32>
      tpu.vector_store %arg11[%parallel_loop3A_153, %parallel_loop3A_154], %parallel_loop3A_157 {strides = array<i32>} : memref<128x144xf32, #tpu.memory_space<vmem>>, vector<1x16xf32>,
      %parallel_loop3A_158 = arith.index_cast %parallel_loop3A_99 : i32 to index
      %parallel_loop3A_159 = arith.constant 48 : index
      %parallel_loop3A_160 = tpu.vector_load %arg11[%parallel_loop3A_158, %parallel_loop3A_159] {strides = array<i32>} : memref<128x144xf32, #tpu.memory_space<vmem>>, vector<1x16xf32>,
      %parallel_loop3A_161 = vector.shape_cast %parallel_loop3A_160 : vector<1x16xf32> to vector<16xf32>
      %parallel_loop3A_162 = vector.extract_strided_slice %parallel_loop3A_113 {offsets = [3], sizes = [1], strides = [1]} : vector<16xf32> to vector<1xf32>
      %parallel_loop3A_163 = vector.extract %parallel_loop3A_162[0] : f32 from vector<1xf32>
      %parallel_loop3A_164 = vector.broadcast %parallel_loop3A_163 : f32 to vector<16xf32>
      %parallel_loop3A_165 = arith.mulf %parallel_loop3A_161, %parallel_loop3A_164 : vector<16xf32>
      %parallel_loop3A_166 = arith.index_cast %parallel_loop3A_99 : i32 to index
      %parallel_loop3A_167 = arith.constant 48 : index
      %parallel_loop3A_168 = tpu.vector_load %arg11[%parallel_loop3A_166, %parallel_loop3A_167] {strides = array<i32>} : memref<128x144xf32, #tpu.memory_space<vmem>>, vector<1x16xf32>,
      %parallel_loop3A_169 = vector.shape_cast %parallel_loop3A_168 : vector<1x16xf32> to vector<16xf32>
      %parallel_loop3A_170 = vector.shape_cast %parallel_loop3A_165 : vector<16xf32> to vector<1x16xf32>
      tpu.vector_store %arg11[%parallel_loop3A_166, %parallel_loop3A_167], %parallel_loop3A_170 {strides = array<i32>} : memref<128x144xf32, #tpu.memory_space<vmem>>, vector<1x16xf32>,
      %parallel_loop3A_171 = arith.index_cast %parallel_loop3A_99 : i32 to index
      %parallel_loop3A_172 = arith.constant 64 : index
      %parallel_loop3A_173 = tpu.vector_load %arg11[%parallel_loop3A_171, %parallel_loop3A_172] {strides = array<i32>} : memref<128x144xf32, #tpu.memory_space<vmem>>, vector<1x16xf32>,
      %parallel_loop3A_174 = vector.shape_cast %parallel_loop3A_173 : vector<1x16xf32> to vector<16xf32>
      %parallel_loop3A_175 = vector.extract_strided_slice %parallel_loop3A_113 {offsets = [4], sizes = [1], strides = [1]} : vector<16xf32> to vector<1xf32>
      %parallel_loop3A_176 = vector.extract %parallel_loop3A_175[0] : f32 from vector<1xf32>
      %parallel_loop3A_177 = vector.broadcast %parallel_loop3A_176 : f32 to vector<16xf32>
      %parallel_loop3A_178 = arith.mulf %parallel_loop3A_174, %parallel_loop3A_177 : vector<16xf32>
      %parallel_loop3A_179 = arith.index_cast %parallel_loop3A_99 : i32 to index
      %parallel_loop3A_180 = arith.constant 64 : index
      %parallel_loop3A_181 = tpu.vector_load %arg11[%parallel_loop3A_179, %parallel_loop3A_180] {strides = array<i32>} : memref<128x144xf32, #tpu.memory_space<vmem>>, vector<1x16xf32>,
      %parallel_loop3A_182 = vector.shape_cast %parallel_loop3A_181 : vector<1x16xf32> to vector<16xf32>
      %parallel_loop3A_183 = vector.shape_cast %parallel_loop3A_178 : vector<16xf32> to vector<1x16xf32>
      tpu.vector_store %arg11[%parallel_loop3A_179, %parallel_loop3A_180], %parallel_loop3A_183 {strides = array<i32>} : memref<128x144xf32, #tpu.memory_space<vmem>>, vector<1x16xf32>,
      %parallel_loop3A_184 = arith.index_cast %parallel_loop3A_99 : i32 to index
      %parallel_loop3A_185 = arith.constant 80 : index
      %parallel_loop3A_186 = tpu.vector_load %arg11[%parallel_loop3A_184, %parallel_loop3A_185] {strides = array<i32>} : memref<128x144xf32, #tpu.memory_space<vmem>>, vector<1x16xf32>,
      %parallel_loop3A_187 = vector.shape_cast %parallel_loop3A_186 : vector<1x16xf32> to vector<16xf32>
      %parallel_loop3A_188 = vector.extract_strided_slice %parallel_loop3A_113 {offsets = [5], sizes = [1], strides = [1]} : vector<16xf32> to vector<1xf32>
      %parallel_loop3A_189 = vector.extract %parallel_loop3A_188[0] : f32 from vector<1xf32>
      %parallel_loop3A_190 = vector.broadcast %parallel_loop3A_189 : f32 to vector<16xf32>
      %parallel_loop3A_191 = arith.mulf %parallel_loop3A_187, %parallel_loop3A_190 : vector<16xf32>
      %parallel_loop3A_192 = arith.index_cast %parallel_loop3A_99 : i32 to index
      %parallel_loop3A_193 = arith.constant 80 : index
      %parallel_loop3A_194 = tpu.vector_load %arg11[%parallel_loop3A_192, %parallel_loop3A_193] {strides = array<i32>} : memref<128x144xf32, #tpu.memory_space<vmem>>, vector<1x16xf32>,
      %parallel_loop3A_195 = vector.shape_cast %parallel_loop3A_194 : vector<1x16xf32> to vector<16xf32>
      %parallel_loop3A_196 = vector.shape_cast %parallel_loop3A_191 : vector<16xf32> to vector<1x16xf32>
      tpu.vector_store %arg11[%parallel_loop3A_192, %parallel_loop3A_193], %parallel_loop3A_196 {strides = array<i32>} : memref<128x144xf32, #tpu.memory_space<vmem>>, vector<1x16xf32>,
      %parallel_loop3A_197 = arith.index_cast %parallel_loop3A_99 : i32 to index
      %parallel_loop3A_198 = arith.constant 96 : index
      %parallel_loop3A_199 = tpu.vector_load %arg11[%parallel_loop3A_197, %parallel_loop3A_198] {strides = array<i32>} : memref<128x144xf32, #tpu.memory_space<vmem>>, vector<1x16xf32>,
      %parallel_loop3A_200 = vector.shape_cast %parallel_loop3A_199 : vector<1x16xf32> to vector<16xf32>
      %parallel_loop3A_201 = vector.extract_strided_slice %parallel_loop3A_113 {offsets = [6], sizes = [1], strides = [1]} : vector<16xf32> to vector<1xf32>
      %parallel_loop3A_202 = vector.extract %parallel_loop3A_201[0] : f32 from vector<1xf32>
      %parallel_loop3A_203 = vector.broadcast %parallel_loop3A_202 : f32 to vector<16xf32>
      %parallel_loop3A_204 = arith.mulf %parallel_loop3A_200, %parallel_loop3A_203 : vector<16xf32>
      %parallel_loop3A_205 = arith.index_cast %parallel_loop3A_99 : i32 to index
      %parallel_loop3A_206 = arith.constant 96 : index
      %parallel_loop3A_207 = tpu.vector_load %arg11[%parallel_loop3A_205, %parallel_loop3A_206] {strides = array<i32>} : memref<128x144xf32, #tpu.memory_space<vmem>>, vector<1x16xf32>,
      %parallel_loop3A_208 = vector.shape_cast %parallel_loop3A_207 : vector<1x16xf32> to vector<16xf32>
      %parallel_loop3A_209 = vector.shape_cast %parallel_loop3A_204 : vector<16xf32> to vector<1x16xf32>
      tpu.vector_store %arg11[%parallel_loop3A_205, %parallel_loop3A_206], %parallel_loop3A_209 {strides = array<i32>} : memref<128x144xf32, #tpu.memory_space<vmem>>, vector<1x16xf32>,
      %parallel_loop3A_210 = arith.index_cast %parallel_loop3A_99 : i32 to index
      %parallel_loop3A_211 = arith.constant 112 : index
      %parallel_loop3A_212 = tpu.vector_load %arg11[%parallel_loop3A_210, %parallel_loop3A_211] {strides = array<i32>} : memref<128x144xf32, #tpu.memory_space<vmem>>, vector<1x16xf32>,
      %parallel_loop3A_213 = vector.shape_cast %parallel_loop3A_212 : vector<1x16xf32> to vector<16xf32>
      %parallel_loop3A_214 = vector.extract_strided_slice %parallel_loop3A_113 {offsets = [7], sizes = [1], strides = [1]} : vector<16xf32> to vector<1xf32>
      %parallel_loop3A_215 = vector.extract %parallel_loop3A_214[0] : f32 from vector<1xf32>
      %parallel_loop3A_216 = vector.broadcast %parallel_loop3A_215 : f32 to vector<16xf32>
      %parallel_loop3A_217 = arith.mulf %parallel_loop3A_213, %parallel_loop3A_216 : vector<16xf32>
      %parallel_loop3A_218 = arith.index_cast %parallel_loop3A_99 : i32 to index
      %parallel_loop3A_219 = arith.constant 112 : index
      %parallel_loop3A_220 = tpu.vector_load %arg11[%parallel_loop3A_218, %parallel_loop3A_219] {strides = array<i32>} : memref<128x144xf32, #tpu.memory_space<vmem>>, vector<1x16xf32>,
      %parallel_loop3A_221 = vector.shape_cast %parallel_loop3A_220 : vector<1x16xf32> to vector<16xf32>
      %parallel_loop3A_222 = vector.shape_cast %parallel_loop3A_217 : vector<16xf32> to vector<1x16xf32>
      tpu.vector_store %arg11[%parallel_loop3A_218, %parallel_loop3A_219], %parallel_loop3A_222 {strides = array<i32>} : memref<128x144xf32, #tpu.memory_space<vmem>>, vector<1x16xf32>,
    } {sc.loop_unroll_factor = 4 : i64, sc.parallel_access}
    %scan3A = arith.constant 0 : i32
    %scan3A_51 = arith.constant 0 : i32
    %scan3A_52 = arith.constant 39 : i32
    %scan3A_53 = arith.addi %scan3A_51, %scan3A_52 : i32
    %scan3A_54 = arith.constant 1 : i32
    %scan3A_55 = scf.for %scan3A_99 = %scan3A_51 to %scan3A_53 step %scan3A_54 iter_args(%scan3A_100 = %scan3A) -> (i32)  : i32 {
      %mul3A_101 = arith.constant 2 : i32
      %mul3A_102 = arith.muli %mul3A_101, %scan3A_99 : i32
      %add3A_103 = arith.constant 1 : i32
      %add3A_104 = arith.addi %mul3A_102, %add3A_103 : i32
      %mul3A_105 = arith.constant 2 : i32
      %mul3A_106 = arith.muli %mul3A_105, %scan3A_99 : i32
      %add3A_107 = arith.constant 2 : i32
      %add3A_108 = arith.addi %mul3A_106, %add3A_107 : i32
      %dma_wait3A_109 = arith.constant 0 : i32
      %dma_wait3A_110 = arith.constant 0 : i32
      %dma_wait3A_111 = tpu.memref_slice %arg5[%dma_wait3A_109, %dma_wait3A_110] : memref<10240x144xf32, #tpu.memory_space<hbm>> -> memref<128x144xf32, #tpu.memory_space<hbm>>
      %dma_wait3A_112 = arith.constant 0 : i32
      %dma_wait3A_113 = arith.constant 0 : i32
      %dma_wait3A_114 = tpu.memref_slice %arg5[%dma_wait3A_112, %dma_wait3A_113] : memref<10240x144xf32, #tpu.memory_space<hbm>> -> memref<128x144xf32, #tpu.memory_space<hbm>>
      tpu.wait_dma2 semaphore(%arg14 : memref<!tpu.dma_semaphore, #tpu.memory_space<semaphore_mem>>) src(%dma_wait3A_114 : memref<128x144xf32, #tpu.memory_space<hbm>>) dst(%arg12 : memref<128x144xf32, #tpu.memory_space<vmem>>)
      %dma_start3A_115 = arith.constant 0 : i32
      %dma_start3A_116 = arith.constant 0 : i32
      %dma_start3A_117 = tpu.memref_slice %arg4[%dma_start3A_115, %dma_start3A_116] : memref<10240x16xf32, #tpu.memory_space<hbm>> -> memref<10240x16xf32, #tpu.memory_space<hbm>>
      tpu.enqueue_indirect_dma source(%dma_start3A_117 : memref<10240x16xf32, #tpu.memory_space<hbm>>) target(%arg10 : memref<128x16xf32, #tpu.memory_space<vmem>>) offsets(%arg9 : memref<128xi32, #tpu.memory_space<vmem>>) semaphore(%arg14 : memref<!tpu.dma_semaphore, #tpu.memory_space<semaphore_mem>>)
      %dma_wait3A_118 = arith.constant 0 : i32
      %dma_wait3A_119 = arith.constant 0 : i32
      %dma_wait3A_120 = tpu.memref_slice %arg4[%dma_wait3A_118, %dma_wait3A_119] : memref<10240x16xf32, #tpu.memory_space<hbm>> -> memref<10240x16xf32, #tpu.memory_space<hbm>>
      tpu.wait_indirect_dma semaphore(%arg14 : memref<!tpu.dma_semaphore, #tpu.memory_space<semaphore_mem>>) src(%dma_wait3A_120 : memref<10240x16xf32, #tpu.memory_space<hbm>>) dst(%arg10 : memref<128x16xf32, #tpu.memory_space<vmem>>)
      "tpu.region"() ({
        %run_scoped3A = tpu.sem_alloc : memref<!tpu.dma_semaphore, #tpu.memory_space<semaphore_mem>>
        %dma_start3A_156 = arith.constant 0 : i32
        %dma_start3A_157 = arith.constant 0 : i32
        %dma_start3A_158 = tpu.memref_slice %arg13[%dma_start3A_156, %dma_start3A_157] : memref<10000x144xf32, #tpu.memory_space<vmem_shared>> -> memref<10000x144xf32, #tpu.memory_space<vmem_shared>>
        tpu.enqueue_indirect_dma source(%arg11 : memref<128x144xf32, #tpu.memory_space<vmem>>) target(%dma_start3A_158 : memref<10000x144xf32, #tpu.memory_space<vmem_shared>>) offsets(%arg8 : memref<128xi32, #tpu.memory_space<vmem>>) semaphore(%run_scoped3A : memref<!tpu.dma_semaphore, #tpu.memory_space<semaphore_mem>>) {add = true}
        %dma_wait3A_159 = arith.constant 0 : i32
        %dma_wait3A_160 = arith.constant 0 : i32
        %dma_wait3A_161 = tpu.memref_slice %arg13[%dma_wait3A_159, %dma_wait3A_160] : memref<10000x144xf32, #tpu.memory_space<vmem_shared>> -> memref<10000x144xf32, #tpu.memory_space<vmem_shared>>
        tpu.wait_indirect_dma semaphore(%run_scoped3A : memref<!tpu.dma_semaphore, #tpu.memory_space<semaphore_mem>>) src(%arg11 : memref<128x144xf32, #tpu.memory_space<vmem>>) dst(%dma_wait3A_161 : memref<10000x144xf32, #tpu.memory_space<vmem_shared>>)
        tpu.yield
      }) : () -> ()
      %add3A_121 = arith.constant 1 : i32
      %add3A_122 = arith.addi %add3A_104, %add3A_121 : i32
      %mul3A_123 = arith.constant 81 : i32
      %mul3A_124 = arith.muli %add3A, %mul3A_123 : i32
      %add3A_125 = arith.addi %mul3A_124, %add3A_122 : i32
      "tpu.region"() ({
        %run_scoped3A = tpu.sem_alloc : memref<!tpu.dma_semaphore, #tpu.memory_space<semaphore_mem>>
        %dma_start3A_156 = arith.constant 0 : i32
        %dma_start3A_157 = tpu.memref_slice %arg2[%add3A_125, %dma_start3A_156] : memref<2592x128xi32, #tpu.memory_space<hbm>> -> memref<1x128xi32, #tpu.memory_space<hbm>>
        %dma_start3A_158 = tpu.memref_squeeze %dma_start3A_157 : memref<1x128xi32, #tpu.memory_space<hbm>> -> memref<128xi32, #tpu.memory_space<hbm>>
        %dma_start3A_159 = arith.constant 0 : i32
        %dma_start3A_160 = tpu.memref_slice %arg2[%add3A_125, %dma_start3A_159] : memref<2592x128xi32, #tpu.memory_space<hbm>> -> memref<1x128xi32, #tpu.memory_space<hbm>>
        %dma_start3A_161 = tpu.memref_squeeze %dma_start3A_160 : memref<1x128xi32, #tpu.memory_space<hbm>> -> memref<128xi32, #tpu.memory_space<hbm>>
        tpu.enqueue_dma source(%dma_start3A_161 : memref<128xi32, #tpu.memory_space<hbm>>) target(%arg7 : memref<128xi32, #tpu.memory_space<vmem>>) target_semaphore(%run_scoped3A : memref<!tpu.dma_semaphore, #tpu.memory_space<semaphore_mem>>)
        %dma_wait3A_162 = arith.constant 0 : i32
        %dma_wait3A_163 = tpu.memref_slice %arg2[%add3A_125, %dma_wait3A_162] : memref<2592x128xi32, #tpu.memory_space<hbm>> -> memref<1x128xi32, #tpu.memory_space<hbm>>
        %dma_wait3A_164 = tpu.memref_squeeze %dma_wait3A_163 : memref<1x128xi32, #tpu.memory_space<hbm>> -> memref<128xi32, #tpu.memory_space<hbm>>
        %dma_wait3A_165 = arith.constant 0 : i32
        %dma_wait3A_166 = tpu.memref_slice %arg2[%add3A_125, %dma_wait3A_165] : memref<2592x128xi32, #tpu.memory_space<hbm>> -> memref<1x128xi32, #tpu.memory_space<hbm>>
        %dma_wait3A_167 = tpu.memref_squeeze %dma_wait3A_166 : memref<1x128xi32, #tpu.memory_space<hbm>> -> memref<128xi32, #tpu.memory_space<hbm>>
        tpu.wait_dma2 semaphore(%run_scoped3A : memref<!tpu.dma_semaphore, #tpu.memory_space<semaphore_mem>>) src(%dma_wait3A_167 : memref<128xi32, #tpu.memory_space<hbm>>) dst(%arg7 : memref<128xi32, #tpu.memory_space<vmem>>)
        tpu.yield
      }) : () -> ()
      "tpu.region"() ({
        %run_scoped3A = tpu.sem_alloc : memref<!tpu.dma_semaphore, #tpu.memory_space<semaphore_mem>>
        %dma_start3A_156 = arith.constant 0 : i32
        %dma_start3A_157 = tpu.memref_slice %arg3[%add3A_125, %dma_start3A_156] : memref<2592x128xi32, #tpu.memory_space<hbm>> -> memref<1x128xi32, #tpu.memory_space<hbm>>
        %dma_start3A_158 = tpu.memref_squeeze %dma_start3A_157 : memref<1x128xi32, #tpu.memory_space<hbm>> -> memref<128xi32, #tpu.memory_space<hbm>>
        %dma_start3A_159 = arith.constant 0 : i32
        %dma_start3A_160 = tpu.memref_slice %arg3[%add3A_125, %dma_start3A_159] : memref<2592x128xi32, #tpu.memory_space<hbm>> -> memref<1x128xi32, #tpu.memory_space<hbm>>
        %dma_start3A_161 = tpu.memref_squeeze %dma_start3A_160 : memref<1x128xi32, #tpu.memory_space<hbm>> -> memref<128xi32, #tpu.memory_space<hbm>>
        tpu.enqueue_dma source(%dma_start3A_161 : memref<128xi32, #tpu.memory_space<hbm>>) target(%arg8 : memref<128xi32, #tpu.memory_space<vmem>>) target_semaphore(%run_scoped3A : memref<!tpu.dma_semaphore, #tpu.memory_space<semaphore_mem>>)
        %dma_wait3A_162 = arith.constant 0 : i32
        %dma_wait3A_163 = tpu.memref_slice %arg3[%add3A_125, %dma_wait3A_162] : memref<2592x128xi32, #tpu.memory_space<hbm>> -> memref<1x128xi32, #tpu.memory_space<hbm>>
        %dma_wait3A_164 = tpu.memref_squeeze %dma_wait3A_163 : memref<1x128xi32, #tpu.memory_space<hbm>> -> memref<128xi32, #tpu.memory_space<hbm>>
        %dma_wait3A_165 = arith.constant 0 : i32
        %dma_wait3A_166 = tpu.memref_slice %arg3[%add3A_125, %dma_wait3A_165] : memref<2592x128xi32, #tpu.memory_space<hbm>> -> memref<1x128xi32, #tpu.memory_space<hbm>>
        %dma_wait3A_167 = tpu.memref_squeeze %dma_wait3A_166 : memref<1x128xi32, #tpu.memory_space<hbm>> -> memref<128xi32, #tpu.memory_space<hbm>>
        tpu.wait_dma2 semaphore(%run_scoped3A : memref<!tpu.dma_semaphore, #tpu.memory_space<semaphore_mem>>) src(%dma_wait3A_167 : memref<128xi32, #tpu.memory_space<hbm>>) dst(%arg8 : memref<128xi32, #tpu.memory_space<vmem>>)
        tpu.yield
      }) : () -> ()
      %dma_start3A_126 = arith.constant 0 : i32
      %dma_start3A_127 = arith.constant 0 : i32
      %dma_start3A_128 = tpu.memref_slice %arg5[%dma_start3A_126, %dma_start3A_127] : memref<10240x144xf32, #tpu.memory_space<hbm>> -> memref<10240x144xf32, #tpu.memory_space<hbm>>
      tpu.enqueue_indirect_dma source(%dma_start3A_128 : memref<10240x144xf32, #tpu.memory_space<hbm>>) target(%arg11 : memref<128x144xf32, #tpu.memory_space<vmem>>) offsets(%arg7 : memref<128xi32, #tpu.memory_space<vmem>>) semaphore(%arg14 : memref<!tpu.dma_semaphore, #tpu.memory_space<semaphore_mem>>)
      %parallel_loop3A_129 = arith.constant 0 : i32
      %parallel_loop3A_130 = arith.constant 128 : i32
      %parallel_loop3A_131 = arith.constant 1 : i32
      scf.for %parallel_loop3A_156 = %parallel_loop3A_129 to %parallel_loop3A_130 step %parallel_loop3A_131  : i32 {
        %parallel_loop3A_157 = arith.index_cast %parallel_loop3A_156 : i32 to index
        %parallel_loop3A_158 = arith.constant 128 : index
        %parallel_loop3A_159 = tpu.vector_load %arg12[%parallel_loop3A_157, %parallel_loop3A_158] {strides = array<i32>} : memref<128x144xf32, #tpu.memory_space<vmem>>, vector<1x16xf32>,
        %parallel_loop3A_160 = vector.shape_cast %parallel_loop3A_159 : vector<1x16xf32> to vector<16xf32>
        %parallel_loop3A_161 = arith.index_cast %parallel_loop3A_156 : i32 to index
        %parallel_loop3A_162 = arith.constant 0 : index
        %parallel_loop3A_163 = tpu.vector_load %arg10[%parallel_loop3A_161, %parallel_loop3A_162] {strides = array<i32>} : memref<128x16xf32, #tpu.memory_space<vmem>>, vector<1x16xf32>,
        %parallel_loop3A_164 = vector.shape_cast %parallel_loop3A_163 : vector<1x16xf32> to vector<16xf32>
        %parallel_loop3A_165 = arith.addf %parallel_loop3A_160, %parallel_loop3A_164 : vector<16xf32>
        %parallel_loop3A_166 = arith.constant 2.000000e-01 : f32
        %parallel_loop3A_167 = vector.broadcast %parallel_loop3A_166 : f32 to vector<16xf32>
        %parallel_loop3A_168 = arith.mulf %parallel_loop3A_167, %parallel_loop3A_165 : vector<16xf32>
        %parallel_loop3A_169 = arith.maximumf %parallel_loop3A_165, %parallel_loop3A_168 : vector<16xf32>
        %parallel_loop3A_170 = math.exp %parallel_loop3A_169 : vector<16xf32>
        %parallel_loop3A_171 = arith.index_cast %parallel_loop3A_156 : i32 to index
        %parallel_loop3A_172 = arith.constant 128 : index
        %parallel_loop3A_173 = tpu.vector_load %arg12[%parallel_loop3A_171, %parallel_loop3A_172] {strides = array<i32>} : memref<128x144xf32, #tpu.memory_space<vmem>>, vector<1x16xf32>,
        %parallel_loop3A_174 = vector.shape_cast %parallel_loop3A_173 : vector<1x16xf32> to vector<16xf32>
        %parallel_loop3A_175 = vector.shape_cast %parallel_loop3A_170 : vector<16xf32> to vector<1x16xf32>
        tpu.vector_store %arg12[%parallel_loop3A_171, %parallel_loop3A_172], %parallel_loop3A_175 {strides = array<i32>} : memref<128x144xf32, #tpu.memory_space<vmem>>, vector<1x16xf32>,
        %parallel_loop3A_176 = arith.index_cast %parallel_loop3A_156 : i32 to index
        %parallel_loop3A_177 = arith.constant 0 : index
        %parallel_loop3A_178 = tpu.vector_load %arg12[%parallel_loop3A_176, %parallel_loop3A_177] {strides = array<i32>} : memref<128x144xf32, #tpu.memory_space<vmem>>, vector<1x16xf32>,
        %parallel_loop3A_179 = vector.shape_cast %parallel_loop3A_178 : vector<1x16xf32> to vector<16xf32>
        %parallel_loop3A_180 = vector.extract_strided_slice %parallel_loop3A_170 {offsets = [0], sizes = [1], strides = [1]} : vector<16xf32> to vector<1xf32>
        %parallel_loop3A_181 = vector.extract %parallel_loop3A_180[0] : f32 from vector<1xf32>
        %parallel_loop3A_182 = vector.broadcast %parallel_loop3A_181 : f32 to vector<16xf32>
        %parallel_loop3A_183 = arith.mulf %parallel_loop3A_179, %parallel_loop3A_182 : vector<16xf32>
        %parallel_loop3A_184 = arith.index_cast %parallel_loop3A_156 : i32 to index
        %parallel_loop3A_185 = arith.constant 0 : index
        %parallel_loop3A_186 = tpu.vector_load %arg12[%parallel_loop3A_184, %parallel_loop3A_185] {strides = array<i32>} : memref<128x144xf32, #tpu.memory_space<vmem>>, vector<1x16xf32>,
        %parallel_loop3A_187 = vector.shape_cast %parallel_loop3A_186 : vector<1x16xf32> to vector<16xf32>
        %parallel_loop3A_188 = vector.shape_cast %parallel_loop3A_183 : vector<16xf32> to vector<1x16xf32>
        tpu.vector_store %arg12[%parallel_loop3A_184, %parallel_loop3A_185], %parallel_loop3A_188 {strides = array<i32>} : memref<128x144xf32, #tpu.memory_space<vmem>>, vector<1x16xf32>,
        %parallel_loop3A_189 = arith.index_cast %parallel_loop3A_156 : i32 to index
        %parallel_loop3A_190 = arith.constant 16 : index
        %parallel_loop3A_191 = tpu.vector_load %arg12[%parallel_loop3A_189, %parallel_loop3A_190] {strides = array<i32>} : memref<128x144xf32, #tpu.memory_space<vmem>>, vector<1x16xf32>,
        %parallel_loop3A_192 = vector.shape_cast %parallel_loop3A_191 : vector<1x16xf32> to vector<16xf32>
        %parallel_loop3A_193 = vector.extract_strided_slice %parallel_loop3A_170 {offsets = [1], sizes = [1], strides = [1]} : vector<16xf32> to vector<1xf32>
        %parallel_loop3A_194 = vector.extract %parallel_loop3A_193[0] : f32 from vector<1xf32>
        %parallel_loop3A_195 = vector.broadcast %parallel_loop3A_194 : f32 to vector<16xf32>
        %parallel_loop3A_196 = arith.mulf %parallel_loop3A_192, %parallel_loop3A_195 : vector<16xf32>
        %parallel_loop3A_197 = arith.index_cast %parallel_loop3A_156 : i32 to index
        %parallel_loop3A_198 = arith.constant 16 : index
        %parallel_loop3A_199 = tpu.vector_load %arg12[%parallel_loop3A_197, %parallel_loop3A_198] {strides = array<i32>} : memref<128x144xf32, #tpu.memory_space<vmem>>, vector<1x16xf32>,
        %parallel_loop3A_200 = vector.shape_cast %parallel_loop3A_199 : vector<1x16xf32> to vector<16xf32>
        %parallel_loop3A_201 = vector.shape_cast %parallel_loop3A_196 : vector<16xf32> to vector<1x16xf32>
        tpu.vector_store %arg12[%parallel_loop3A_197, %parallel_loop3A_198], %parallel_loop3A_201 {strides = array<i32>} : memref<128x144xf32, #tpu.memory_space<vmem>>, vector<1x16xf32>,
        %parallel_loop3A_202 = arith.index_cast %parallel_loop3A_156 : i32 to index
        %parallel_loop3A_203 = arith.constant 32 : index
        %parallel_loop3A_204 = tpu.vector_load %arg12[%parallel_loop3A_202, %parallel_loop3A_203] {strides = array<i32>} : memref<128x144xf32, #tpu.memory_space<vmem>>, vector<1x16xf32>,
        %parallel_loop3A_205 = vector.shape_cast %parallel_loop3A_204 : vector<1x16xf32> to vector<16xf32>
        %parallel_loop3A_206 = vector.extract_strided_slice %parallel_loop3A_170 {offsets = [2], sizes = [1], strides = [1]} : vector<16xf32> to vector<1xf32>
        %parallel_loop3A_207 = vector.extract %parallel_loop3A_206[0] : f32 from vector<1xf32>
        %parallel_loop3A_208 = vector.broadcast %parallel_loop3A_207 : f32 to vector<16xf32>
        %parallel_loop3A_209 = arith.mulf %parallel_loop3A_205, %parallel_loop3A_208 : vector<16xf32>
        %parallel_loop3A_210 = arith.index_cast %parallel_loop3A_156 : i32 to index
        %parallel_loop3A_211 = arith.constant 32 : index
        %parallel_loop3A_212 = tpu.vector_load %arg12[%parallel_loop3A_210, %parallel_loop3A_211] {strides = array<i32>} : memref<128x144xf32, #tpu.memory_space<vmem>>, vector<1x16xf32>,
        %parallel_loop3A_213 = vector.shape_cast %parallel_loop3A_212 : vector<1x16xf32> to vector<16xf32>
        %parallel_loop3A_214 = vector.shape_cast %parallel_loop3A_209 : vector<16xf32> to vector<1x16xf32>
        tpu.vector_store %arg12[%parallel_loop3A_210, %parallel_loop3A_211], %parallel_loop3A_214 {strides = array<i32>} : memref<128x144xf32, #tpu.memory_space<vmem>>, vector<1x16xf32>,
        %parallel_loop3A_215 = arith.index_cast %parallel_loop3A_156 : i32 to index
        %parallel_loop3A_216 = arith.constant 48 : index
        %parallel_loop3A_217 = tpu.vector_load %arg12[%parallel_loop3A_215, %parallel_loop3A_216] {strides = array<i32>} : memref<128x144xf32, #tpu.memory_space<vmem>>, vector<1x16xf32>,
        %parallel_loop3A_218 = vector.shape_cast %parallel_loop3A_217 : vector<1x16xf32> to vector<16xf32>
        %parallel_loop3A_219 = vector.extract_strided_slice %parallel_loop3A_170 {offsets = [3], sizes = [1], strides = [1]} : vector<16xf32> to vector<1xf32>
        %parallel_loop3A_220 = vector.extract %parallel_loop3A_219[0] : f32 from vector<1xf32>
        %parallel_loop3A_221 = vector.broadcast %parallel_loop3A_220 : f32 to vector<16xf32>
        %parallel_loop3A_222 = arith.mulf %parallel_loop3A_218, %parallel_loop3A_221 : vector<16xf32>
        %parallel_loop3A_223 = arith.index_cast %parallel_loop3A_156 : i32 to index
        %parallel_loop3A_224 = arith.constant 48 : index
        %parallel_loop3A_225 = tpu.vector_load %arg12[%parallel_loop3A_223, %parallel_loop3A_224] {strides = array<i32>} : memref<128x144xf32, #tpu.memory_space<vmem>>, vector<1x16xf32>,
        %parallel_loop3A_226 = vector.shape_cast %parallel_loop3A_225 : vector<1x16xf32> to vector<16xf32>
        %parallel_loop3A_227 = vector.shape_cast %parallel_loop3A_222 : vector<16xf32> to vector<1x16xf32>
        tpu.vector_store %arg12[%parallel_loop3A_223, %parallel_loop3A_224], %parallel_loop3A_227 {strides = array<i32>} : memref<128x144xf32, #tpu.memory_space<vmem>>, vector<1x16xf32>,
        %parallel_loop3A_228 = arith.index_cast %parallel_loop3A_156 : i32 to index
        %parallel_loop3A_229 = arith.constant 64 : index
        %parallel_loop3A_230 = tpu.vector_load %arg12[%parallel_loop3A_228, %parallel_loop3A_229] {strides = array<i32>} : memref<128x144xf32, #tpu.memory_space<vmem>>, vector<1x16xf32>,
        %parallel_loop3A_231 = vector.shape_cast %parallel_loop3A_230 : vector<1x16xf32> to vector<16xf32>
        %parallel_loop3A_232 = vector.extract_strided_slice %parallel_loop3A_170 {offsets = [4], sizes = [1], strides = [1]} : vector<16xf32> to vector<1xf32>
        %parallel_loop3A_233 = vector.extract %parallel_loop3A_232[0] : f32 from vector<1xf32>
        %parallel_loop3A_234 = vector.broadcast %parallel_loop3A_233 : f32 to vector<16xf32>
        %parallel_loop3A_235 = arith.mulf %parallel_loop3A_231, %parallel_loop3A_234 : vector<16xf32>
        %parallel_loop3A_236 = arith.index_cast %parallel_loop3A_156 : i32 to index
        %parallel_loop3A_237 = arith.constant 64 : index
        %parallel_loop3A_238 = tpu.vector_load %arg12[%parallel_loop3A_236, %parallel_loop3A_237] {strides = array<i32>} : memref<128x144xf32, #tpu.memory_space<vmem>>, vector<1x16xf32>,
        %parallel_loop3A_239 = vector.shape_cast %parallel_loop3A_238 : vector<1x16xf32> to vector<16xf32>
        %parallel_loop3A_240 = vector.shape_cast %parallel_loop3A_235 : vector<16xf32> to vector<1x16xf32>
        tpu.vector_store %arg12[%parallel_loop3A_236, %parallel_loop3A_237], %parallel_loop3A_240 {strides = array<i32>} : memref<128x144xf32, #tpu.memory_space<vmem>>, vector<1x16xf32>,
        %parallel_loop3A_241 = arith.index_cast %parallel_loop3A_156 : i32 to index
        %parallel_loop3A_242 = arith.constant 80 : index
        %parallel_loop3A_243 = tpu.vector_load %arg12[%parallel_loop3A_241, %parallel_loop3A_242] {strides = array<i32>} : memref<128x144xf32, #tpu.memory_space<vmem>>, vector<1x16xf32>,
        %parallel_loop3A_244 = vector.shape_cast %parallel_loop3A_243 : vector<1x16xf32> to vector<16xf32>
        %parallel_loop3A_245 = vector.extract_strided_slice %parallel_loop3A_170 {offsets = [5], sizes = [1], strides = [1]} : vector<16xf32> to vector<1xf32>
        %parallel_loop3A_246 = vector.extract %parallel_loop3A_245[0] : f32 from vector<1xf32>
        %parallel_loop3A_247 = vector.broadcast %parallel_loop3A_246 : f32 to vector<16xf32>
        %parallel_loop3A_248 = arith.mulf %parallel_loop3A_244, %parallel_loop3A_247 : vector<16xf32>
        %parallel_loop3A_249 = arith.index_cast %parallel_loop3A_156 : i32 to index
        %parallel_loop3A_250 = arith.constant 80 : index
        %parallel_loop3A_251 = tpu.vector_load %arg12[%parallel_loop3A_249, %parallel_loop3A_250] {strides = array<i32>} : memref<128x144xf32, #tpu.memory_space<vmem>>, vector<1x16xf32>,
        %parallel_loop3A_252 = vector.shape_cast %parallel_loop3A_251 : vector<1x16xf32> to vector<16xf32>
        %parallel_loop3A_253 = vector.shape_cast %parallel_loop3A_248 : vector<16xf32> to vector<1x16xf32>
        tpu.vector_store %arg12[%parallel_loop3A_249, %parallel_loop3A_250], %parallel_loop3A_253 {strides = array<i32>} : memref<128x144xf32, #tpu.memory_space<vmem>>, vector<1x16xf32>,
        %parallel_loop3A_254 = arith.index_cast %parallel_loop3A_156 : i32 to index
        %parallel_loop3A_255 = arith.constant 96 : index
        %parallel_loop3A_256 = tpu.vector_load %arg12[%parallel_loop3A_254, %parallel_loop3A_255] {strides = array<i32>} : memref<128x144xf32, #tpu.memory_space<vmem>>, vector<1x16xf32>,
        %parallel_loop3A_257 = vector.shape_cast %parallel_loop3A_256 : vector<1x16xf32> to vector<16xf32>
        %parallel_loop3A_258 = vector.extract_strided_slice %parallel_loop3A_170 {offsets = [6], sizes = [1], strides = [1]} : vector<16xf32> to vector<1xf32>
        %parallel_loop3A_259 = vector.extract %parallel_loop3A_258[0] : f32 from vector<1xf32>
        %parallel_loop3A_260 = vector.broadcast %parallel_loop3A_259 : f32 to vector<16xf32>
        %parallel_loop3A_261 = arith.mulf %parallel_loop3A_257, %parallel_loop3A_260 : vector<16xf32>
        %parallel_loop3A_262 = arith.index_cast %parallel_loop3A_156 : i32 to index
        %parallel_loop3A_263 = arith.constant 96 : index
        %parallel_loop3A_264 = tpu.vector_load %arg12[%parallel_loop3A_262, %parallel_loop3A_263] {strides = array<i32>} : memref<128x144xf32, #tpu.memory_space<vmem>>, vector<1x16xf32>,
        %parallel_loop3A_265 = vector.shape_cast %parallel_loop3A_264 : vector<1x16xf32> to vector<16xf32>
        %parallel_loop3A_266 = vector.shape_cast %parallel_loop3A_261 : vector<16xf32> to vector<1x16xf32>
        tpu.vector_store %arg12[%parallel_loop3A_262, %parallel_loop3A_263], %parallel_loop3A_266 {strides = array<i32>} : memref<128x144xf32, #tpu.memory_space<vmem>>, vector<1x16xf32>,
        %parallel_loop3A_267 = arith.index_cast %parallel_loop3A_156 : i32 to index
        %parallel_loop3A_268 = arith.constant 112 : index
        %parallel_loop3A_269 = tpu.vector_load %arg12[%parallel_loop3A_267, %parallel_loop3A_268] {strides = array<i32>} : memref<128x144xf32, #tpu.memory_space<vmem>>, vector<1x16xf32>,
        %parallel_loop3A_270 = vector.shape_cast %parallel_loop3A_269 : vector<1x16xf32> to vector<16xf32>
        %parallel_loop3A_271 = vector.extract_strided_slice %parallel_loop3A_170 {offsets = [7], sizes = [1], strides = [1]} : vector<16xf32> to vector<1xf32>
        %parallel_loop3A_272 = vector.extract %parallel_loop3A_271[0] : f32 from vector<1xf32>
        %parallel_loop3A_273 = vector.broadcast %parallel_loop3A_272 : f32 to vector<16xf32>
        %parallel_loop3A_274 = arith.mulf %parallel_loop3A_270, %parallel_loop3A_273 : vector<16xf32>
        %parallel_loop3A_275 = arith.index_cast %parallel_loop3A_156 : i32 to index
        %parallel_loop3A_276 = arith.constant 112 : index
        %parallel_loop3A_277 = tpu.vector_load %arg12[%parallel_loop3A_275, %parallel_loop3A_276] {strides = array<i32>} : memref<128x144xf32, #tpu.memory_space<vmem>>, vector<1x16xf32>,
        %parallel_loop3A_278 = vector.shape_cast %parallel_loop3A_277 : vector<1x16xf32> to vector<16xf32>
        %parallel_loop3A_279 = vector.shape_cast %parallel_loop3A_274 : vector<16xf32> to vector<1x16xf32>
        tpu.vector_store %arg12[%parallel_loop3A_275, %parallel_loop3A_276], %parallel_loop3A_279 {strides = array<i32>} : memref<128x144xf32, #tpu.memory_space<vmem>>, vector<1x16xf32>,
      } {sc.loop_unroll_factor = 4 : i64, sc.parallel_access}
      %dma_wait3A_132 = arith.constant 0 : i32
      %dma_wait3A_133 = arith.constant 0 : i32
      %dma_wait3A_134 = tpu.memref_slice %arg5[%dma_wait3A_132, %dma_wait3A_133] : memref<10240x144xf32, #tpu.memory_space<hbm>> -> memref<128x144xf32, #tpu.memory_space<hbm>>
      %dma_wait3A_135 = arith.constant 0 : i32
      %dma_wait3A_136 = arith.constant 0 : i32
      %dma_wait3A_137 = tpu.memref_slice %arg5[%dma_wait3A_135, %dma_wait3A_136] : memref<10240x144xf32, #tpu.memory_space<hbm>> -> memref<128x144xf32, #tpu.memory_space<hbm>>
      tpu.wait_dma2 semaphore(%arg14 : memref<!tpu.dma_semaphore, #tpu.memory_space<semaphore_mem>>) src(%dma_wait3A_137 : memref<128x144xf32, #tpu.memory_space<hbm>>) dst(%arg11 : memref<128x144xf32, #tpu.memory_space<vmem>>)
      %dma_start3A_138 = arith.constant 0 : i32
      %dma_start3A_139 = arith.constant 0 : i32
      %dma_start3A_140 = tpu.memref_slice %arg4[%dma_start3A_138, %dma_start3A_139] : memref<10240x16xf32, #tpu.memory_space<hbm>> -> memref<10240x16xf32, #tpu.memory_space<hbm>>
      tpu.enqueue_indirect_dma source(%dma_start3A_140 : memref<10240x16xf32, #tpu.memory_space<hbm>>) target(%arg10 : memref<128x16xf32, #tpu.memory_space<vmem>>) offsets(%arg8 : memref<128xi32, #tpu.memory_space<vmem>>) semaphore(%arg14 : memref<!tpu.dma_semaphore, #tpu.memory_space<semaphore_mem>>)
      %dma_wait3A_141 = arith.constant 0 : i32
      %dma_wait3A_142 = arith.constant 0 : i32
      %dma_wait3A_143 = tpu.memref_slice %arg4[%dma_wait3A_141, %dma_wait3A_142] : memref<10240x16xf32, #tpu.memory_space<hbm>> -> memref<10240x16xf32, #tpu.memory_space<hbm>>
      tpu.wait_indirect_dma semaphore(%arg14 : memref<!tpu.dma_semaphore, #tpu.memory_space<semaphore_mem>>) src(%dma_wait3A_143 : memref<10240x16xf32, #tpu.memory_space<hbm>>) dst(%arg10 : memref<128x16xf32, #tpu.memory_space<vmem>>)
      "tpu.region"() ({
        %run_scoped3A = tpu.sem_alloc : memref<!tpu.dma_semaphore, #tpu.memory_space<semaphore_mem>>
        %dma_start3A_156 = arith.constant 0 : i32
        %dma_start3A_157 = arith.constant 0 : i32
        %dma_start3A_158 = tpu.memref_slice %arg13[%dma_start3A_156, %dma_start3A_157] : memref<10000x144xf32, #tpu.memory_space<vmem_shared>> -> memref<10000x144xf32, #tpu.memory_space<vmem_shared>>
        tpu.enqueue_indirect_dma source(%arg12 : memref<128x144xf32, #tpu.memory_space<vmem>>) target(%dma_start3A_158 : memref<10000x144xf32, #tpu.memory_space<vmem_shared>>) offsets(%arg9 : memref<128xi32, #tpu.memory_space<vmem>>) semaphore(%run_scoped3A : memref<!tpu.dma_semaphore, #tpu.memory_space<semaphore_mem>>) {add = true}
        %dma_wait3A_159 = arith.constant 0 : i32
        %dma_wait3A_160 = arith.constant 0 : i32
        %dma_wait3A_161 = tpu.memref_slice %arg13[%dma_wait3A_159, %dma_wait3A_160] : memref<10000x144xf32, #tpu.memory_space<vmem_shared>> -> memref<10000x144xf32, #tpu.memory_space<vmem_shared>>
        tpu.wait_indirect_dma semaphore(%run_scoped3A : memref<!tpu.dma_semaphore, #tpu.memory_space<semaphore_mem>>) src(%arg12 : memref<128x144xf32, #tpu.memory_space<vmem>>) dst(%dma_wait3A_161 : memref<10000x144xf32, #tpu.memory_space<vmem_shared>>)
        tpu.yield
      }) : () -> ()
      %add3A_144 = arith.constant 1 : i32
      %add3A_145 = arith.addi %add3A_108, %add3A_144 : i32
      %mul3A_146 = arith.constant 81 : i32
      %mul3A_147 = arith.muli %add3A, %mul3A_146 : i32
      %add3A_148 = arith.addi %mul3A_147, %add3A_145 : i32
      "tpu.region"() ({
        %run_scoped3A = tpu.sem_alloc : memref<!tpu.dma_semaphore, #tpu.memory_space<semaphore_mem>>
        %dma_start3A_156 = arith.constant 0 : i32
        %dma_start3A_157 = tpu.memref_slice %arg2[%add3A_148, %dma_start3A_156] : memref<2592x128xi32, #tpu.memory_space<hbm>> -> memref<1x128xi32, #tpu.memory_space<hbm>>
        %dma_start3A_158 = tpu.memref_squeeze %dma_start3A_157 : memref<1x128xi32, #tpu.memory_space<hbm>> -> memref<128xi32, #tpu.memory_space<hbm>>
        %dma_start3A_159 = arith.constant 0 : i32
        %dma_start3A_160 = tpu.memref_slice %arg2[%add3A_148, %dma_start3A_159] : memref<2592x128xi32, #tpu.memory_space<hbm>> -> memref<1x128xi32, #tpu.memory_space<hbm>>
        %dma_start3A_161 = tpu.memref_squeeze %dma_start3A_160 : memref<1x128xi32, #tpu.memory_space<hbm>> -> memref<128xi32, #tpu.memory_space<hbm>>
        tpu.enqueue_dma source(%dma_start3A_161 : memref<128xi32, #tpu.memory_space<hbm>>) target(%arg7 : memref<128xi32, #tpu.memory_space<vmem>>) target_semaphore(%run_scoped3A : memref<!tpu.dma_semaphore, #tpu.memory_space<semaphore_mem>>)
        %dma_wait3A_162 = arith.constant 0 : i32
        %dma_wait3A_163 = tpu.memref_slice %arg2[%add3A_148, %dma_wait3A_162] : memref<2592x128xi32, #tpu.memory_space<hbm>> -> memref<1x128xi32, #tpu.memory_space<hbm>>
        %dma_wait3A_164 = tpu.memref_squeeze %dma_wait3A_163 : memref<1x128xi32, #tpu.memory_space<hbm>> -> memref<128xi32, #tpu.memory_space<hbm>>
        %dma_wait3A_165 = arith.constant 0 : i32
        %dma_wait3A_166 = tpu.memref_slice %arg2[%add3A_148, %dma_wait3A_165] : memref<2592x128xi32, #tpu.memory_space<hbm>> -> memref<1x128xi32, #tpu.memory_space<hbm>>
        %dma_wait3A_167 = tpu.memref_squeeze %dma_wait3A_166 : memref<1x128xi32, #tpu.memory_space<hbm>> -> memref<128xi32, #tpu.memory_space<hbm>>
        tpu.wait_dma2 semaphore(%run_scoped3A : memref<!tpu.dma_semaphore, #tpu.memory_space<semaphore_mem>>) src(%dma_wait3A_167 : memref<128xi32, #tpu.memory_space<hbm>>) dst(%arg7 : memref<128xi32, #tpu.memory_space<vmem>>)
        tpu.yield
      }) : () -> ()
      "tpu.region"() ({
        %run_scoped3A = tpu.sem_alloc : memref<!tpu.dma_semaphore, #tpu.memory_space<semaphore_mem>>
        %dma_start3A_156 = arith.constant 0 : i32
        %dma_start3A_157 = tpu.memref_slice %arg3[%add3A_148, %dma_start3A_156] : memref<2592x128xi32, #tpu.memory_space<hbm>> -> memref<1x128xi32, #tpu.memory_space<hbm>>
        %dma_start3A_158 = tpu.memref_squeeze %dma_start3A_157 : memref<1x128xi32, #tpu.memory_space<hbm>> -> memref<128xi32, #tpu.memory_space<hbm>>
        %dma_start3A_159 = arith.constant 0 : i32
        %dma_start3A_160 = tpu.memref_slice %arg3[%add3A_148, %dma_start3A_159] : memref<2592x128xi32, #tpu.memory_space<hbm>> -> memref<1x128xi32, #tpu.memory_space<hbm>>
        %dma_start3A_161 = tpu.memref_squeeze %dma_start3A_160 : memref<1x128xi32, #tpu.memory_space<hbm>> -> memref<128xi32, #tpu.memory_space<hbm>>
        tpu.enqueue_dma source(%dma_start3A_161 : memref<128xi32, #tpu.memory_space<hbm>>) target(%arg9 : memref<128xi32, #tpu.memory_space<vmem>>) target_semaphore(%run_scoped3A : memref<!tpu.dma_semaphore, #tpu.memory_space<semaphore_mem>>)
        %dma_wait3A_162 = arith.constant 0 : i32
        %dma_wait3A_163 = tpu.memref_slice %arg3[%add3A_148, %dma_wait3A_162] : memref<2592x128xi32, #tpu.memory_space<hbm>> -> memref<1x128xi32, #tpu.memory_space<hbm>>
        %dma_wait3A_164 = tpu.memref_squeeze %dma_wait3A_163 : memref<1x128xi32, #tpu.memory_space<hbm>> -> memref<128xi32, #tpu.memory_space<hbm>>
        %dma_wait3A_165 = arith.constant 0 : i32
        %dma_wait3A_166 = tpu.memref_slice %arg3[%add3A_148, %dma_wait3A_165] : memref<2592x128xi32, #tpu.memory_space<hbm>> -> memref<1x128xi32, #tpu.memory_space<hbm>>
        %dma_wait3A_167 = tpu.memref_squeeze %dma_wait3A_166 : memref<1x128xi32, #tpu.memory_space<hbm>> -> memref<128xi32, #tpu.memory_space<hbm>>
        tpu.wait_dma2 semaphore(%run_scoped3A : memref<!tpu.dma_semaphore, #tpu.memory_space<semaphore_mem>>) src(%dma_wait3A_167 : memref<128xi32, #tpu.memory_space<hbm>>) dst(%arg9 : memref<128xi32, #tpu.memory_space<vmem>>)
        tpu.yield
      }) : () -> ()
      %dma_start3A_149 = arith.constant 0 : i32
      %dma_start3A_150 = arith.constant 0 : i32
      %dma_start3A_151 = tpu.memref_slice %arg5[%dma_start3A_149, %dma_start3A_150] : memref<10240x144xf32, #tpu.memory_space<hbm>> -> memref<10240x144xf32, #tpu.memory_space<hbm>>
      tpu.enqueue_indirect_dma source(%dma_start3A_151 : memref<10240x144xf32, #tpu.memory_space<hbm>>) target(%arg12 : memref<128x144xf32, #tpu.memory_space<vmem>>) offsets(%arg7 : memref<128xi32, #tpu.memory_space<vmem>>) semaphore(%arg14 : memref<!tpu.dma_semaphore, #tpu.memory_space<semaphore_mem>>)
      %parallel_loop3A_152 = arith.constant 0 : i32
      %parallel_loop3A_153 = arith.constant 128 : i32
      %parallel_loop3A_154 = arith.constant 1 : i32
      scf.for %parallel_loop3A_156 = %parallel_loop3A_152 to %parallel_loop3A_153 step %parallel_loop3A_154  : i32 {
        %parallel_loop3A_157 = arith.index_cast %parallel_loop3A_156 : i32 to index
        %parallel_loop3A_158 = arith.constant 128 : index
        %parallel_loop3A_159 = tpu.vector_load %arg11[%parallel_loop3A_157, %parallel_loop3A_158] {strides = array<i32>} : memref<128x144xf32, #tpu.memory_space<vmem>>, vector<1x16xf32>,
        %parallel_loop3A_160 = vector.shape_cast %parallel_loop3A_159 : vector<1x16xf32> to vector<16xf32>
        %parallel_loop3A_161 = arith.index_cast %parallel_loop3A_156 : i32 to index
        %parallel_loop3A_162 = arith.constant 0 : index
        %parallel_loop3A_163 = tpu.vector_load %arg10[%parallel_loop3A_161, %parallel_loop3A_162] {strides = array<i32>} : memref<128x16xf32, #tpu.memory_space<vmem>>, vector<1x16xf32>,
        %parallel_loop3A_164 = vector.shape_cast %parallel_loop3A_163 : vector<1x16xf32> to vector<16xf32>
        %parallel_loop3A_165 = arith.addf %parallel_loop3A_160, %parallel_loop3A_164 : vector<16xf32>
        %parallel_loop3A_166 = arith.constant 2.000000e-01 : f32
        %parallel_loop3A_167 = vector.broadcast %parallel_loop3A_166 : f32 to vector<16xf32>
        %parallel_loop3A_168 = arith.mulf %parallel_loop3A_167, %parallel_loop3A_165 : vector<16xf32>
        %parallel_loop3A_169 = arith.maximumf %parallel_loop3A_165, %parallel_loop3A_168 : vector<16xf32>
        %parallel_loop3A_170 = math.exp %parallel_loop3A_169 : vector<16xf32>
        %parallel_loop3A_171 = arith.index_cast %parallel_loop3A_156 : i32 to index
        %parallel_loop3A_172 = arith.constant 128 : index
        %parallel_loop3A_173 = tpu.vector_load %arg11[%parallel_loop3A_171, %parallel_loop3A_172] {strides = array<i32>} : memref<128x144xf32, #tpu.memory_space<vmem>>, vector<1x16xf32>,
        %parallel_loop3A_174 = vector.shape_cast %parallel_loop3A_173 : vector<1x16xf32> to vector<16xf32>
        %parallel_loop3A_175 = vector.shape_cast %parallel_loop3A_170 : vector<16xf32> to vector<1x16xf32>
        tpu.vector_store %arg11[%parallel_loop3A_171, %parallel_loop3A_172], %parallel_loop3A_175 {strides = array<i32>} : memref<128x144xf32, #tpu.memory_space<vmem>>, vector<1x16xf32>,
        %parallel_loop3A_176 = arith.index_cast %parallel_loop3A_156 : i32 to index
        %parallel_loop3A_177 = arith.constant 0 : index
        %parallel_loop3A_178 = tpu.vector_load %arg11[%parallel_loop3A_176, %parallel_loop3A_177] {strides = array<i32>} : memref<128x144xf32, #tpu.memory_space<vmem>>, vector<1x16xf32>,
        %parallel_loop3A_179 = vector.shape_cast %parallel_loop3A_178 : vector<1x16xf32> to vector<16xf32>
        %parallel_loop3A_180 = vector.extract_strided_slice %parallel_loop3A_170 {offsets = [0], sizes = [1], strides = [1]} : vector<16xf32> to vector<1xf32>
        %parallel_loop3A_181 = vector.extract %parallel_loop3A_180[0] : f32 from vector<1xf32>
        %parallel_loop3A_182 = vector.broadcast %parallel_loop3A_181 : f32 to vector<16xf32>
        %parallel_loop3A_183 = arith.mulf %parallel_loop3A_179, %parallel_loop3A_182 : vector<16xf32>
        %parallel_loop3A_184 = arith.index_cast %parallel_loop3A_156 : i32 to index
        %parallel_loop3A_185 = arith.constant 0 : index
        %parallel_loop3A_186 = tpu.vector_load %arg11[%parallel_loop3A_184, %parallel_loop3A_185] {strides = array<i32>} : memref<128x144xf32, #tpu.memory_space<vmem>>, vector<1x16xf32>,
        %parallel_loop3A_187 = vector.shape_cast %parallel_loop3A_186 : vector<1x16xf32> to vector<16xf32>
        %parallel_loop3A_188 = vector.shape_cast %parallel_loop3A_183 : vector<16xf32> to vector<1x16xf32>
        tpu.vector_store %arg11[%parallel_loop3A_184, %parallel_loop3A_185], %parallel_loop3A_188 {strides = array<i32>} : memref<128x144xf32, #tpu.memory_space<vmem>>, vector<1x16xf32>,
        %parallel_loop3A_189 = arith.index_cast %parallel_loop3A_156 : i32 to index
        %parallel_loop3A_190 = arith.constant 16 : index
        %parallel_loop3A_191 = tpu.vector_load %arg11[%parallel_loop3A_189, %parallel_loop3A_190] {strides = array<i32>} : memref<128x144xf32, #tpu.memory_space<vmem>>, vector<1x16xf32>,
        %parallel_loop3A_192 = vector.shape_cast %parallel_loop3A_191 : vector<1x16xf32> to vector<16xf32>
        %parallel_loop3A_193 = vector.extract_strided_slice %parallel_loop3A_170 {offsets = [1], sizes = [1], strides = [1]} : vector<16xf32> to vector<1xf32>
        %parallel_loop3A_194 = vector.extract %parallel_loop3A_193[0] : f32 from vector<1xf32>
        %parallel_loop3A_195 = vector.broadcast %parallel_loop3A_194 : f32 to vector<16xf32>
        %parallel_loop3A_196 = arith.mulf %parallel_loop3A_192, %parallel_loop3A_195 : vector<16xf32>
        %parallel_loop3A_197 = arith.index_cast %parallel_loop3A_156 : i32 to index
        %parallel_loop3A_198 = arith.constant 16 : index
        %parallel_loop3A_199 = tpu.vector_load %arg11[%parallel_loop3A_197, %parallel_loop3A_198] {strides = array<i32>} : memref<128x144xf32, #tpu.memory_space<vmem>>, vector<1x16xf32>,
        %parallel_loop3A_200 = vector.shape_cast %parallel_loop3A_199 : vector<1x16xf32> to vector<16xf32>
        %parallel_loop3A_201 = vector.shape_cast %parallel_loop3A_196 : vector<16xf32> to vector<1x16xf32>
        tpu.vector_store %arg11[%parallel_loop3A_197, %parallel_loop3A_198], %parallel_loop3A_201 {strides = array<i32>} : memref<128x144xf32, #tpu.memory_space<vmem>>, vector<1x16xf32>,
        %parallel_loop3A_202 = arith.index_cast %parallel_loop3A_156 : i32 to index
        %parallel_loop3A_203 = arith.constant 32 : index
        %parallel_loop3A_204 = tpu.vector_load %arg11[%parallel_loop3A_202, %parallel_loop3A_203] {strides = array<i32>} : memref<128x144xf32, #tpu.memory_space<vmem>>, vector<1x16xf32>,
        %parallel_loop3A_205 = vector.shape_cast %parallel_loop3A_204 : vector<1x16xf32> to vector<16xf32>
        %parallel_loop3A_206 = vector.extract_strided_slice %parallel_loop3A_170 {offsets = [2], sizes = [1], strides = [1]} : vector<16xf32> to vector<1xf32>
        %parallel_loop3A_207 = vector.extract %parallel_loop3A_206[0] : f32 from vector<1xf32>
        %parallel_loop3A_208 = vector.broadcast %parallel_loop3A_207 : f32 to vector<16xf32>
        %parallel_loop3A_209 = arith.mulf %parallel_loop3A_205, %parallel_loop3A_208 : vector<16xf32>
        %parallel_loop3A_210 = arith.index_cast %parallel_loop3A_156 : i32 to index
        %parallel_loop3A_211 = arith.constant 32 : index
        %parallel_loop3A_212 = tpu.vector_load %arg11[%parallel_loop3A_210, %parallel_loop3A_211] {strides = array<i32>} : memref<128x144xf32, #tpu.memory_space<vmem>>, vector<1x16xf32>,
        %parallel_loop3A_213 = vector.shape_cast %parallel_loop3A_212 : vector<1x16xf32> to vector<16xf32>
        %parallel_loop3A_214 = vector.shape_cast %parallel_loop3A_209 : vector<16xf32> to vector<1x16xf32>
        tpu.vector_store %arg11[%parallel_loop3A_210, %parallel_loop3A_211], %parallel_loop3A_214 {strides = array<i32>} : memref<128x144xf32, #tpu.memory_space<vmem>>, vector<1x16xf32>,
        %parallel_loop3A_215 = arith.index_cast %parallel_loop3A_156 : i32 to index
        %parallel_loop3A_216 = arith.constant 48 : index
        %parallel_loop3A_217 = tpu.vector_load %arg11[%parallel_loop3A_215, %parallel_loop3A_216] {strides = array<i32>} : memref<128x144xf32, #tpu.memory_space<vmem>>, vector<1x16xf32>,
        %parallel_loop3A_218 = vector.shape_cast %parallel_loop3A_217 : vector<1x16xf32> to vector<16xf32>
        %parallel_loop3A_219 = vector.extract_strided_slice %parallel_loop3A_170 {offsets = [3], sizes = [1], strides = [1]} : vector<16xf32> to vector<1xf32>
        %parallel_loop3A_220 = vector.extract %parallel_loop3A_219[0] : f32 from vector<1xf32>
        %parallel_loop3A_221 = vector.broadcast %parallel_loop3A_220 : f32 to vector<16xf32>
        %parallel_loop3A_222 = arith.mulf %parallel_loop3A_218, %parallel_loop3A_221 : vector<16xf32>
        %parallel_loop3A_223 = arith.index_cast %parallel_loop3A_156 : i32 to index
        %parallel_loop3A_224 = arith.constant 48 : index
        %parallel_loop3A_225 = tpu.vector_load %arg11[%parallel_loop3A_223, %parallel_loop3A_224] {strides = array<i32>} : memref<128x144xf32, #tpu.memory_space<vmem>>, vector<1x16xf32>,
        %parallel_loop3A_226 = vector.shape_cast %parallel_loop3A_225 : vector<1x16xf32> to vector<16xf32>
        %parallel_loop3A_227 = vector.shape_cast %parallel_loop3A_222 : vector<16xf32> to vector<1x16xf32>
        tpu.vector_store %arg11[%parallel_loop3A_223, %parallel_loop3A_224], %parallel_loop3A_227 {strides = array<i32>} : memref<128x144xf32, #tpu.memory_space<vmem>>, vector<1x16xf32>,
        %parallel_loop3A_228 = arith.index_cast %parallel_loop3A_156 : i32 to index
        %parallel_loop3A_229 = arith.constant 64 : index
        %parallel_loop3A_230 = tpu.vector_load %arg11[%parallel_loop3A_228, %parallel_loop3A_229] {strides = array<i32>} : memref<128x144xf32, #tpu.memory_space<vmem>>, vector<1x16xf32>,
        %parallel_loop3A_231 = vector.shape_cast %parallel_loop3A_230 : vector<1x16xf32> to vector<16xf32>
        %parallel_loop3A_232 = vector.extract_strided_slice %parallel_loop3A_170 {offsets = [4], sizes = [1], strides = [1]} : vector<16xf32> to vector<1xf32>
        %parallel_loop3A_233 = vector.extract %parallel_loop3A_232[0] : f32 from vector<1xf32>
        %parallel_loop3A_234 = vector.broadcast %parallel_loop3A_233 : f32 to vector<16xf32>
        %parallel_loop3A_235 = arith.mulf %parallel_loop3A_231, %parallel_loop3A_234 : vector<16xf32>
        %parallel_loop3A_236 = arith.index_cast %parallel_loop3A_156 : i32 to index
        %parallel_loop3A_237 = arith.constant 64 : index
        %parallel_loop3A_238 = tpu.vector_load %arg11[%parallel_loop3A_236, %parallel_loop3A_237] {strides = array<i32>} : memref<128x144xf32, #tpu.memory_space<vmem>>, vector<1x16xf32>,
        %parallel_loop3A_239 = vector.shape_cast %parallel_loop3A_238 : vector<1x16xf32> to vector<16xf32>
        %parallel_loop3A_240 = vector.shape_cast %parallel_loop3A_235 : vector<16xf32> to vector<1x16xf32>
        tpu.vector_store %arg11[%parallel_loop3A_236, %parallel_loop3A_237], %parallel_loop3A_240 {strides = array<i32>} : memref<128x144xf32, #tpu.memory_space<vmem>>, vector<1x16xf32>,
        %parallel_loop3A_241 = arith.index_cast %parallel_loop3A_156 : i32 to index
        %parallel_loop3A_242 = arith.constant 80 : index
        %parallel_loop3A_243 = tpu.vector_load %arg11[%parallel_loop3A_241, %parallel_loop3A_242] {strides = array<i32>} : memref<128x144xf32, #tpu.memory_space<vmem>>, vector<1x16xf32>,
        %parallel_loop3A_244 = vector.shape_cast %parallel_loop3A_243 : vector<1x16xf32> to vector<16xf32>
        %parallel_loop3A_245 = vector.extract_strided_slice %parallel_loop3A_170 {offsets = [5], sizes = [1], strides = [1]} : vector<16xf32> to vector<1xf32>
        %parallel_loop3A_246 = vector.extract %parallel_loop3A_245[0] : f32 from vector<1xf32>
        %parallel_loop3A_247 = vector.broadcast %parallel_loop3A_246 : f32 to vector<16xf32>
        %parallel_loop3A_248 = arith.mulf %parallel_loop3A_244, %parallel_loop3A_247 : vector<16xf32>
        %parallel_loop3A_249 = arith.index_cast %parallel_loop3A_156 : i32 to index
        %parallel_loop3A_250 = arith.constant 80 : index
        %parallel_loop3A_251 = tpu.vector_load %arg11[%parallel_loop3A_249, %parallel_loop3A_250] {strides = array<i32>} : memref<128x144xf32, #tpu.memory_space<vmem>>, vector<1x16xf32>,
        %parallel_loop3A_252 = vector.shape_cast %parallel_loop3A_251 : vector<1x16xf32> to vector<16xf32>
        %parallel_loop3A_253 = vector.shape_cast %parallel_loop3A_248 : vector<16xf32> to vector<1x16xf32>
        tpu.vector_store %arg11[%parallel_loop3A_249, %parallel_loop3A_250], %parallel_loop3A_253 {strides = array<i32>} : memref<128x144xf32, #tpu.memory_space<vmem>>, vector<1x16xf32>,
        %parallel_loop3A_254 = arith.index_cast %parallel_loop3A_156 : i32 to index
        %parallel_loop3A_255 = arith.constant 96 : index
        %parallel_loop3A_256 = tpu.vector_load %arg11[%parallel_loop3A_254, %parallel_loop3A_255] {strides = array<i32>} : memref<128x144xf32, #tpu.memory_space<vmem>>, vector<1x16xf32>,
        %parallel_loop3A_257 = vector.shape_cast %parallel_loop3A_256 : vector<1x16xf32> to vector<16xf32>
        %parallel_loop3A_258 = vector.extract_strided_slice %parallel_loop3A_170 {offsets = [6], sizes = [1], strides = [1]} : vector<16xf32> to vector<1xf32>
        %parallel_loop3A_259 = vector.extract %parallel_loop3A_258[0] : f32 from vector<1xf32>
        %parallel_loop3A_260 = vector.broadcast %parallel_loop3A_259 : f32 to vector<16xf32>
        %parallel_loop3A_261 = arith.mulf %parallel_loop3A_257, %parallel_loop3A_260 : vector<16xf32>
        %parallel_loop3A_262 = arith.index_cast %parallel_loop3A_156 : i32 to index
        %parallel_loop3A_263 = arith.constant 96 : index
        %parallel_loop3A_264 = tpu.vector_load %arg11[%parallel_loop3A_262, %parallel_loop3A_263] {strides = array<i32>} : memref<128x144xf32, #tpu.memory_space<vmem>>, vector<1x16xf32>,
        %parallel_loop3A_265 = vector.shape_cast %parallel_loop3A_264 : vector<1x16xf32> to vector<16xf32>
        %parallel_loop3A_266 = vector.shape_cast %parallel_loop3A_261 : vector<16xf32> to vector<1x16xf32>
        tpu.vector_store %arg11[%parallel_loop3A_262, %parallel_loop3A_263], %parallel_loop3A_266 {strides = array<i32>} : memref<128x144xf32, #tpu.memory_space<vmem>>, vector<1x16xf32>,
        %parallel_loop3A_267 = arith.index_cast %parallel_loop3A_156 : i32 to index
        %parallel_loop3A_268 = arith.constant 112 : index
        %parallel_loop3A_269 = tpu.vector_load %arg11[%parallel_loop3A_267, %parallel_loop3A_268] {strides = array<i32>} : memref<128x144xf32, #tpu.memory_space<vmem>>, vector<1x16xf32>,
        %parallel_loop3A_270 = vector.shape_cast %parallel_loop3A_269 : vector<1x16xf32> to vector<16xf32>
        %parallel_loop3A_271 = vector.extract_strided_slice %parallel_loop3A_170 {offsets = [7], sizes = [1], strides = [1]} : vector<16xf32> to vector<1xf32>
        %parallel_loop3A_272 = vector.extract %parallel_loop3A_271[0] : f32 from vector<1xf32>
        %parallel_loop3A_273 = vector.broadcast %parallel_loop3A_272 : f32 to vector<16xf32>
        %parallel_loop3A_274 = arith.mulf %parallel_loop3A_270, %parallel_loop3A_273 : vector<16xf32>
        %parallel_loop3A_275 = arith.index_cast %parallel_loop3A_156 : i32 to index
        %parallel_loop3A_276 = arith.constant 112 : index
        %parallel_loop3A_277 = tpu.vector_load %arg11[%parallel_loop3A_275, %parallel_loop3A_276] {strides = array<i32>} : memref<128x144xf32, #tpu.memory_space<vmem>>, vector<1x16xf32>,
        %parallel_loop3A_278 = vector.shape_cast %parallel_loop3A_277 : vector<1x16xf32> to vector<16xf32>
        %parallel_loop3A_279 = vector.shape_cast %parallel_loop3A_274 : vector<16xf32> to vector<1x16xf32>
        tpu.vector_store %arg11[%parallel_loop3A_275, %parallel_loop3A_276], %parallel_loop3A_279 {strides = array<i32>} : memref<128x144xf32, #tpu.memory_space<vmem>>, vector<1x16xf32>,
      } {sc.loop_unroll_factor = 4 : i64, sc.parallel_access}
      %scan3A_155 = arith.constant 0 : i32
      scf.yield %scan3A_155 : i32
    }
    %scan3A_56 = arith.constant 39 : i32
    %dma_wait3A_57 = arith.constant 0 : i32
    %dma_wait3A_58 = arith.constant 0 : i32
    %dma_wait3A_59 = tpu.memref_slice %arg5[%dma_wait3A_57, %dma_wait3A_58] : memref<10240x144xf32, #tpu.memory_space<hbm>> -> memref<128x144xf32, #tpu.memory_space<hbm>>
    %dma_wait3A_60 = arith.constant 0 : i32
    %dma_wait3A_61 = arith.constant 0 : i32
    %dma_wait3A_62 = tpu.memref_slice %arg5[%dma_wait3A_60, %dma_wait3A_61] : memref<10240x144xf32, #tpu.memory_space<hbm>> -> memref<128x144xf32, #tpu.memory_space<hbm>>
    tpu.wait_dma2 semaphore(%arg14 : memref<!tpu.dma_semaphore, #tpu.memory_space<semaphore_mem>>) src(%dma_wait3A_62 : memref<128x144xf32, #tpu.memory_space<hbm>>) dst(%arg12 : memref<128x144xf32, #tpu.memory_space<vmem>>)
    %dma_start3A_63 = arith.constant 0 : i32
    %dma_start3A_64 = arith.constant 0 : i32
    %dma_start3A_65 = tpu.memref_slice %arg4[%dma_start3A_63, %dma_start3A_64] : memref<10240x16xf32, #tpu.memory_space<hbm>> -> memref<10240x16xf32, #tpu.memory_space<hbm>>
    tpu.enqueue_indirect_dma source(%dma_start3A_65 : memref<10240x16xf32, #tpu.memory_space<hbm>>) target(%arg10 : memref<128x16xf32, #tpu.memory_space<vmem>>) offsets(%arg9 : memref<128xi32, #tpu.memory_space<vmem>>) semaphore(%arg14 : memref<!tpu.dma_semaphore, #tpu.memory_space<semaphore_mem>>)
    %dma_wait3A_66 = arith.constant 0 : i32
    %dma_wait3A_67 = arith.constant 0 : i32
    %dma_wait3A_68 = tpu.memref_slice %arg4[%dma_wait3A_66, %dma_wait3A_67] : memref<10240x16xf32, #tpu.memory_space<hbm>> -> memref<10240x16xf32, #tpu.memory_space<hbm>>
    tpu.wait_indirect_dma semaphore(%arg14 : memref<!tpu.dma_semaphore, #tpu.memory_space<semaphore_mem>>) src(%dma_wait3A_68 : memref<10240x16xf32, #tpu.memory_space<hbm>>) dst(%arg10 : memref<128x16xf32, #tpu.memory_space<vmem>>)
    "tpu.region"() ({
      %run_scoped3A = tpu.sem_alloc : memref<!tpu.dma_semaphore, #tpu.memory_space<semaphore_mem>>
      %dma_start3A_99 = arith.constant 0 : i32
      %dma_start3A_100 = arith.constant 0 : i32
      %dma_start3A_101 = tpu.memref_slice %arg13[%dma_start3A_99, %dma_start3A_100] : memref<10000x144xf32, #tpu.memory_space<vmem_shared>> -> memref<10000x144xf32, #tpu.memory_space<vmem_shared>>
      tpu.enqueue_indirect_dma source(%arg11 : memref<128x144xf32, #tpu.memory_space<vmem>>) target(%dma_start3A_101 : memref<10000x144xf32, #tpu.memory_space<vmem_shared>>) offsets(%arg8 : memref<128xi32, #tpu.memory_space<vmem>>) semaphore(%run_scoped3A : memref<!tpu.dma_semaphore, #tpu.memory_space<semaphore_mem>>) {add = true}
      %dma_wait3A_102 = arith.constant 0 : i32
      %dma_wait3A_103 = arith.constant 0 : i32
      %dma_wait3A_104 = tpu.memref_slice %arg13[%dma_wait3A_102, %dma_wait3A_103] : memref<10000x144xf32, #tpu.memory_space<vmem_shared>> -> memref<10000x144xf32, #tpu.memory_space<vmem_shared>>
      tpu.wait_indirect_dma semaphore(%run_scoped3A : memref<!tpu.dma_semaphore, #tpu.memory_space<semaphore_mem>>) src(%arg11 : memref<128x144xf32, #tpu.memory_space<vmem>>) dst(%dma_wait3A_104 : memref<10000x144xf32, #tpu.memory_space<vmem_shared>>)
      tpu.yield
    }) : () -> ()
    %mul3A_69 = arith.constant 81 : i32
    %mul3A_70 = arith.muli %add3A, %mul3A_69 : i32
    %add3A_71 = arith.constant 80 : i32
    %add3A_72 = arith.addi %mul3A_70, %add3A_71 : i32
    "tpu.region"() ({
      %run_scoped3A = tpu.sem_alloc : memref<!tpu.dma_semaphore, #tpu.memory_space<semaphore_mem>>
      %dma_start3A_99 = arith.constant 0 : i32
      %dma_start3A_100 = tpu.memref_slice %arg2[%add3A_72, %dma_start3A_99] : memref<2592x128xi32, #tpu.memory_space<hbm>> -> memref<1x128xi32, #tpu.memory_space<hbm>>
      %dma_start3A_101 = tpu.memref_squeeze %dma_start3A_100 : memref<1x128xi32, #tpu.memory_space<hbm>> -> memref<128xi32, #tpu.memory_space<hbm>>
      %dma_start3A_102 = arith.constant 0 : i32
      %dma_start3A_103 = tpu.memref_slice %arg2[%add3A_72, %dma_start3A_102] : memref<2592x128xi32, #tpu.memory_space<hbm>> -> memref<1x128xi32, #tpu.memory_space<hbm>>
      %dma_start3A_104 = tpu.memref_squeeze %dma_start3A_103 : memref<1x128xi32, #tpu.memory_space<hbm>> -> memref<128xi32, #tpu.memory_space<hbm>>
      tpu.enqueue_dma source(%dma_start3A_104 : memref<128xi32, #tpu.memory_space<hbm>>) target(%arg7 : memref<128xi32, #tpu.memory_space<vmem>>) target_semaphore(%run_scoped3A : memref<!tpu.dma_semaphore, #tpu.memory_space<semaphore_mem>>)
      %dma_wait3A_105 = arith.constant 0 : i32
      %dma_wait3A_106 = tpu.memref_slice %arg2[%add3A_72, %dma_wait3A_105] : memref<2592x128xi32, #tpu.memory_space<hbm>> -> memref<1x128xi32, #tpu.memory_space<hbm>>
      %dma_wait3A_107 = tpu.memref_squeeze %dma_wait3A_106 : memref<1x128xi32, #tpu.memory_space<hbm>> -> memref<128xi32, #tpu.memory_space<hbm>>
      %dma_wait3A_108 = arith.constant 0 : i32
      %dma_wait3A_109 = tpu.memref_slice %arg2[%add3A_72, %dma_wait3A_108] : memref<2592x128xi32, #tpu.memory_space<hbm>> -> memref<1x128xi32, #tpu.memory_space<hbm>>
      %dma_wait3A_110 = tpu.memref_squeeze %dma_wait3A_109 : memref<1x128xi32, #tpu.memory_space<hbm>> -> memref<128xi32, #tpu.memory_space<hbm>>
      tpu.wait_dma2 semaphore(%run_scoped3A : memref<!tpu.dma_semaphore, #tpu.memory_space<semaphore_mem>>) src(%dma_wait3A_110 : memref<128xi32, #tpu.memory_space<hbm>>) dst(%arg7 : memref<128xi32, #tpu.memory_space<vmem>>)
      tpu.yield
    }) : () -> ()
    "tpu.region"() ({
      %run_scoped3A = tpu.sem_alloc : memref<!tpu.dma_semaphore, #tpu.memory_space<semaphore_mem>>
      %dma_start3A_99 = arith.constant 0 : i32
      %dma_start3A_100 = tpu.memref_slice %arg3[%add3A_72, %dma_start3A_99] : memref<2592x128xi32, #tpu.memory_space<hbm>> -> memref<1x128xi32, #tpu.memory_space<hbm>>
      %dma_start3A_101 = tpu.memref_squeeze %dma_start3A_100 : memref<1x128xi32, #tpu.memory_space<hbm>> -> memref<128xi32, #tpu.memory_space<hbm>>
      %dma_start3A_102 = arith.constant 0 : i32
      %dma_start3A_103 = tpu.memref_slice %arg3[%add3A_72, %dma_start3A_102] : memref<2592x128xi32, #tpu.memory_space<hbm>> -> memref<1x128xi32, #tpu.memory_space<hbm>>
      %dma_start3A_104 = tpu.memref_squeeze %dma_start3A_103 : memref<1x128xi32, #tpu.memory_space<hbm>> -> memref<128xi32, #tpu.memory_space<hbm>>
      tpu.enqueue_dma source(%dma_start3A_104 : memref<128xi32, #tpu.memory_space<hbm>>) target(%arg8 : memref<128xi32, #tpu.memory_space<vmem>>) target_semaphore(%run_scoped3A : memref<!tpu.dma_semaphore, #tpu.memory_space<semaphore_mem>>)
      %dma_wait3A_105 = arith.constant 0 : i32
      %dma_wait3A_106 = tpu.memref_slice %arg3[%add3A_72, %dma_wait3A_105] : memref<2592x128xi32, #tpu.memory_space<hbm>> -> memref<1x128xi32, #tpu.memory_space<hbm>>
      %dma_wait3A_107 = tpu.memref_squeeze %dma_wait3A_106 : memref<1x128xi32, #tpu.memory_space<hbm>> -> memref<128xi32, #tpu.memory_space<hbm>>
      %dma_wait3A_108 = arith.constant 0 : i32
      %dma_wait3A_109 = tpu.memref_slice %arg3[%add3A_72, %dma_wait3A_108] : memref<2592x128xi32, #tpu.memory_space<hbm>> -> memref<1x128xi32, #tpu.memory_space<hbm>>
      %dma_wait3A_110 = tpu.memref_squeeze %dma_wait3A_109 : memref<1x128xi32, #tpu.memory_space<hbm>> -> memref<128xi32, #tpu.memory_space<hbm>>
      tpu.wait_dma2 semaphore(%run_scoped3A : memref<!tpu.dma_semaphore, #tpu.memory_space<semaphore_mem>>) src(%dma_wait3A_110 : memref<128xi32, #tpu.memory_space<hbm>>) dst(%arg8 : memref<128xi32, #tpu.memory_space<vmem>>)
      tpu.yield
    }) : () -> ()
    %dma_start3A_73 = arith.constant 0 : i32
    %dma_start3A_74 = arith.constant 0 : i32
    %dma_start3A_75 = tpu.memref_slice %arg5[%dma_start3A_73, %dma_start3A_74] : memref<10240x144xf32, #tpu.memory_space<hbm>> -> memref<10240x144xf32, #tpu.memory_space<hbm>>
    tpu.enqueue_indirect_dma source(%dma_start3A_75 : memref<10240x144xf32, #tpu.memory_space<hbm>>) target(%arg11 : memref<128x144xf32, #tpu.memory_space<vmem>>) offsets(%arg7 : memref<128xi32, #tpu.memory_space<vmem>>) semaphore(%arg14 : memref<!tpu.dma_semaphore, #tpu.memory_space<semaphore_mem>>)
    %parallel_loop3A_76 = arith.constant 0 : i32
    %parallel_loop3A_77 = arith.constant 128 : i32
    %parallel_loop3A_78 = arith.constant 1 : i32
    scf.for %parallel_loop3A_99 = %parallel_loop3A_76 to %parallel_loop3A_77 step %parallel_loop3A_78  : i32 {
      %parallel_loop3A_100 = arith.index_cast %parallel_loop3A_99 : i32 to index
      %parallel_loop3A_101 = arith.constant 128 : index
      %parallel_loop3A_102 = tpu.vector_load %arg12[%parallel_loop3A_100, %parallel_loop3A_101] {strides = array<i32>} : memref<128x144xf32, #tpu.memory_space<vmem>>, vector<1x16xf32>,
      %parallel_loop3A_103 = vector.shape_cast %parallel_loop3A_102 : vector<1x16xf32> to vector<16xf32>
      %parallel_loop3A_104 = arith.index_cast %parallel_loop3A_99 : i32 to index
      %parallel_loop3A_105 = arith.constant 0 : index
      %parallel_loop3A_106 = tpu.vector_load %arg10[%parallel_loop3A_104, %parallel_loop3A_105] {strides = array<i32>} : memref<128x16xf32, #tpu.memory_space<vmem>>, vector<1x16xf32>,
      %parallel_loop3A_107 = vector.shape_cast %parallel_loop3A_106 : vector<1x16xf32> to vector<16xf32>
      %parallel_loop3A_108 = arith.addf %parallel_loop3A_103, %parallel_loop3A_107 : vector<16xf32>
      %parallel_loop3A_109 = arith.constant 2.000000e-01 : f32
      %parallel_loop3A_110 = vector.broadcast %parallel_loop3A_109 : f32 to vector<16xf32>
      %parallel_loop3A_111 = arith.mulf %parallel_loop3A_110, %parallel_loop3A_108 : vector<16xf32>
      %parallel_loop3A_112 = arith.maximumf %parallel_loop3A_108, %parallel_loop3A_111 : vector<16xf32>
      %parallel_loop3A_113 = math.exp %parallel_loop3A_112 : vector<16xf32>
      %parallel_loop3A_114 = arith.index_cast %parallel_loop3A_99 : i32 to index
      %parallel_loop3A_115 = arith.constant 128 : index
      %parallel_loop3A_116 = tpu.vector_load %arg12[%parallel_loop3A_114, %parallel_loop3A_115] {strides = array<i32>} : memref<128x144xf32, #tpu.memory_space<vmem>>, vector<1x16xf32>,
      %parallel_loop3A_117 = vector.shape_cast %parallel_loop3A_116 : vector<1x16xf32> to vector<16xf32>
      %parallel_loop3A_118 = vector.shape_cast %parallel_loop3A_113 : vector<16xf32> to vector<1x16xf32>
      tpu.vector_store %arg12[%parallel_loop3A_114, %parallel_loop3A_115], %parallel_loop3A_118 {strides = array<i32>} : memref<128x144xf32, #tpu.memory_space<vmem>>, vector<1x16xf32>,
      %parallel_loop3A_119 = arith.index_cast %parallel_loop3A_99 : i32 to index
      %parallel_loop3A_120 = arith.constant 0 : index
      %parallel_loop3A_121 = tpu.vector_load %arg12[%parallel_loop3A_119, %parallel_loop3A_120] {strides = array<i32>} : memref<128x144xf32, #tpu.memory_space<vmem>>, vector<1x16xf32>,
      %parallel_loop3A_122 = vector.shape_cast %parallel_loop3A_121 : vector<1x16xf32> to vector<16xf32>
      %parallel_loop3A_123 = vector.extract_strided_slice %parallel_loop3A_113 {offsets = [0], sizes = [1], strides = [1]} : vector<16xf32> to vector<1xf32>
      %parallel_loop3A_124 = vector.extract %parallel_loop3A_123[0] : f32 from vector<1xf32>
      %parallel_loop3A_125 = vector.broadcast %parallel_loop3A_124 : f32 to vector<16xf32>
      %parallel_loop3A_126 = arith.mulf %parallel_loop3A_122, %parallel_loop3A_125 : vector<16xf32>
      %parallel_loop3A_127 = arith.index_cast %parallel_loop3A_99 : i32 to index
      %parallel_loop3A_128 = arith.constant 0 : index
      %parallel_loop3A_129 = tpu.vector_load %arg12[%parallel_loop3A_127, %parallel_loop3A_128] {strides = array<i32>} : memref<128x144xf32, #tpu.memory_space<vmem>>, vector<1x16xf32>,
      %parallel_loop3A_130 = vector.shape_cast %parallel_loop3A_129 : vector<1x16xf32> to vector<16xf32>
      %parallel_loop3A_131 = vector.shape_cast %parallel_loop3A_126 : vector<16xf32> to vector<1x16xf32>
      tpu.vector_store %arg12[%parallel_loop3A_127, %parallel_loop3A_128], %parallel_loop3A_131 {strides = array<i32>} : memref<128x144xf32, #tpu.memory_space<vmem>>, vector<1x16xf32>,
      %parallel_loop3A_132 = arith.index_cast %parallel_loop3A_99 : i32 to index
      %parallel_loop3A_133 = arith.constant 16 : index
      %parallel_loop3A_134 = tpu.vector_load %arg12[%parallel_loop3A_132, %parallel_loop3A_133] {strides = array<i32>} : memref<128x144xf32, #tpu.memory_space<vmem>>, vector<1x16xf32>,
      %parallel_loop3A_135 = vector.shape_cast %parallel_loop3A_134 : vector<1x16xf32> to vector<16xf32>
      %parallel_loop3A_136 = vector.extract_strided_slice %parallel_loop3A_113 {offsets = [1], sizes = [1], strides = [1]} : vector<16xf32> to vector<1xf32>
      %parallel_loop3A_137 = vector.extract %parallel_loop3A_136[0] : f32 from vector<1xf32>
      %parallel_loop3A_138 = vector.broadcast %parallel_loop3A_137 : f32 to vector<16xf32>
      %parallel_loop3A_139 = arith.mulf %parallel_loop3A_135, %parallel_loop3A_138 : vector<16xf32>
      %parallel_loop3A_140 = arith.index_cast %parallel_loop3A_99 : i32 to index
      %parallel_loop3A_141 = arith.constant 16 : index
      %parallel_loop3A_142 = tpu.vector_load %arg12[%parallel_loop3A_140, %parallel_loop3A_141] {strides = array<i32>} : memref<128x144xf32, #tpu.memory_space<vmem>>, vector<1x16xf32>,
      %parallel_loop3A_143 = vector.shape_cast %parallel_loop3A_142 : vector<1x16xf32> to vector<16xf32>
      %parallel_loop3A_144 = vector.shape_cast %parallel_loop3A_139 : vector<16xf32> to vector<1x16xf32>
      tpu.vector_store %arg12[%parallel_loop3A_140, %parallel_loop3A_141], %parallel_loop3A_144 {strides = array<i32>} : memref<128x144xf32, #tpu.memory_space<vmem>>, vector<1x16xf32>,
      %parallel_loop3A_145 = arith.index_cast %parallel_loop3A_99 : i32 to index
      %parallel_loop3A_146 = arith.constant 32 : index
      %parallel_loop3A_147 = tpu.vector_load %arg12[%parallel_loop3A_145, %parallel_loop3A_146] {strides = array<i32>} : memref<128x144xf32, #tpu.memory_space<vmem>>, vector<1x16xf32>,
      %parallel_loop3A_148 = vector.shape_cast %parallel_loop3A_147 : vector<1x16xf32> to vector<16xf32>
      %parallel_loop3A_149 = vector.extract_strided_slice %parallel_loop3A_113 {offsets = [2], sizes = [1], strides = [1]} : vector<16xf32> to vector<1xf32>
      %parallel_loop3A_150 = vector.extract %parallel_loop3A_149[0] : f32 from vector<1xf32>
      %parallel_loop3A_151 = vector.broadcast %parallel_loop3A_150 : f32 to vector<16xf32>
      %parallel_loop3A_152 = arith.mulf %parallel_loop3A_148, %parallel_loop3A_151 : vector<16xf32>
      %parallel_loop3A_153 = arith.index_cast %parallel_loop3A_99 : i32 to index
      %parallel_loop3A_154 = arith.constant 32 : index
      %parallel_loop3A_155 = tpu.vector_load %arg12[%parallel_loop3A_153, %parallel_loop3A_154] {strides = array<i32>} : memref<128x144xf32, #tpu.memory_space<vmem>>, vector<1x16xf32>,
      %parallel_loop3A_156 = vector.shape_cast %parallel_loop3A_155 : vector<1x16xf32> to vector<16xf32>
      %parallel_loop3A_157 = vector.shape_cast %parallel_loop3A_152 : vector<16xf32> to vector<1x16xf32>
      tpu.vector_store %arg12[%parallel_loop3A_153, %parallel_loop3A_154], %parallel_loop3A_157 {strides = array<i32>} : memref<128x144xf32, #tpu.memory_space<vmem>>, vector<1x16xf32>,
      %parallel_loop3A_158 = arith.index_cast %parallel_loop3A_99 : i32 to index
      %parallel_loop3A_159 = arith.constant 48 : index
      %parallel_loop3A_160 = tpu.vector_load %arg12[%parallel_loop3A_158, %parallel_loop3A_159] {strides = array<i32>} : memref<128x144xf32, #tpu.memory_space<vmem>>, vector<1x16xf32>,
      %parallel_loop3A_161 = vector.shape_cast %parallel_loop3A_160 : vector<1x16xf32> to vector<16xf32>
      %parallel_loop3A_162 = vector.extract_strided_slice %parallel_loop3A_113 {offsets = [3], sizes = [1], strides = [1]} : vector<16xf32> to vector<1xf32>
      %parallel_loop3A_163 = vector.extract %parallel_loop3A_162[0] : f32 from vector<1xf32>
      %parallel_loop3A_164 = vector.broadcast %parallel_loop3A_163 : f32 to vector<16xf32>
      %parallel_loop3A_165 = arith.mulf %parallel_loop3A_161, %parallel_loop3A_164 : vector<16xf32>
      %parallel_loop3A_166 = arith.index_cast %parallel_loop3A_99 : i32 to index
      %parallel_loop3A_167 = arith.constant 48 : index
      %parallel_loop3A_168 = tpu.vector_load %arg12[%parallel_loop3A_166, %parallel_loop3A_167] {strides = array<i32>} : memref<128x144xf32, #tpu.memory_space<vmem>>, vector<1x16xf32>,
      %parallel_loop3A_169 = vector.shape_cast %parallel_loop3A_168 : vector<1x16xf32> to vector<16xf32>
      %parallel_loop3A_170 = vector.shape_cast %parallel_loop3A_165 : vector<16xf32> to vector<1x16xf32>
      tpu.vector_store %arg12[%parallel_loop3A_166, %parallel_loop3A_167], %parallel_loop3A_170 {strides = array<i32>} : memref<128x144xf32, #tpu.memory_space<vmem>>, vector<1x16xf32>,
      %parallel_loop3A_171 = arith.index_cast %parallel_loop3A_99 : i32 to index
      %parallel_loop3A_172 = arith.constant 64 : index
      %parallel_loop3A_173 = tpu.vector_load %arg12[%parallel_loop3A_171, %parallel_loop3A_172] {strides = array<i32>} : memref<128x144xf32, #tpu.memory_space<vmem>>, vector<1x16xf32>,
      %parallel_loop3A_174 = vector.shape_cast %parallel_loop3A_173 : vector<1x16xf32> to vector<16xf32>
      %parallel_loop3A_175 = vector.extract_strided_slice %parallel_loop3A_113 {offsets = [4], sizes = [1], strides = [1]} : vector<16xf32> to vector<1xf32>
      %parallel_loop3A_176 = vector.extract %parallel_loop3A_175[0] : f32 from vector<1xf32>
      %parallel_loop3A_177 = vector.broadcast %parallel_loop3A_176 : f32 to vector<16xf32>
      %parallel_loop3A_178 = arith.mulf %parallel_loop3A_174, %parallel_loop3A_177 : vector<16xf32>
      %parallel_loop3A_179 = arith.index_cast %parallel_loop3A_99 : i32 to index
      %parallel_loop3A_180 = arith.constant 64 : index
      %parallel_loop3A_181 = tpu.vector_load %arg12[%parallel_loop3A_179, %parallel_loop3A_180] {strides = array<i32>} : memref<128x144xf32, #tpu.memory_space<vmem>>, vector<1x16xf32>,
      %parallel_loop3A_182 = vector.shape_cast %parallel_loop3A_181 : vector<1x16xf32> to vector<16xf32>
      %parallel_loop3A_183 = vector.shape_cast %parallel_loop3A_178 : vector<16xf32> to vector<1x16xf32>
      tpu.vector_store %arg12[%parallel_loop3A_179, %parallel_loop3A_180], %parallel_loop3A_183 {strides = array<i32>} : memref<128x144xf32, #tpu.memory_space<vmem>>, vector<1x16xf32>,
      %parallel_loop3A_184 = arith.index_cast %parallel_loop3A_99 : i32 to index
      %parallel_loop3A_185 = arith.constant 80 : index
      %parallel_loop3A_186 = tpu.vector_load %arg12[%parallel_loop3A_184, %parallel_loop3A_185] {strides = array<i32>} : memref<128x144xf32, #tpu.memory_space<vmem>>, vector<1x16xf32>,
      %parallel_loop3A_187 = vector.shape_cast %parallel_loop3A_186 : vector<1x16xf32> to vector<16xf32>
      %parallel_loop3A_188 = vector.extract_strided_slice %parallel_loop3A_113 {offsets = [5], sizes = [1], strides = [1]} : vector<16xf32> to vector<1xf32>
      %parallel_loop3A_189 = vector.extract %parallel_loop3A_188[0] : f32 from vector<1xf32>
      %parallel_loop3A_190 = vector.broadcast %parallel_loop3A_189 : f32 to vector<16xf32>
      %parallel_loop3A_191 = arith.mulf %parallel_loop3A_187, %parallel_loop3A_190 : vector<16xf32>
      %parallel_loop3A_192 = arith.index_cast %parallel_loop3A_99 : i32 to index
      %parallel_loop3A_193 = arith.constant 80 : index
      %parallel_loop3A_194 = tpu.vector_load %arg12[%parallel_loop3A_192, %parallel_loop3A_193] {strides = array<i32>} : memref<128x144xf32, #tpu.memory_space<vmem>>, vector<1x16xf32>,
      %parallel_loop3A_195 = vector.shape_cast %parallel_loop3A_194 : vector<1x16xf32> to vector<16xf32>
      %parallel_loop3A_196 = vector.shape_cast %parallel_loop3A_191 : vector<16xf32> to vector<1x16xf32>
      tpu.vector_store %arg12[%parallel_loop3A_192, %parallel_loop3A_193], %parallel_loop3A_196 {strides = array<i32>} : memref<128x144xf32, #tpu.memory_space<vmem>>, vector<1x16xf32>,
      %parallel_loop3A_197 = arith.index_cast %parallel_loop3A_99 : i32 to index
      %parallel_loop3A_198 = arith.constant 96 : index
      %parallel_loop3A_199 = tpu.vector_load %arg12[%parallel_loop3A_197, %parallel_loop3A_198] {strides = array<i32>} : memref<128x144xf32, #tpu.memory_space<vmem>>, vector<1x16xf32>,
      %parallel_loop3A_200 = vector.shape_cast %parallel_loop3A_199 : vector<1x16xf32> to vector<16xf32>
      %parallel_loop3A_201 = vector.extract_strided_slice %parallel_loop3A_113 {offsets = [6], sizes = [1], strides = [1]} : vector<16xf32> to vector<1xf32>
      %parallel_loop3A_202 = vector.extract %parallel_loop3A_201[0] : f32 from vector<1xf32>
      %parallel_loop3A_203 = vector.broadcast %parallel_loop3A_202 : f32 to vector<16xf32>
      %parallel_loop3A_204 = arith.mulf %parallel_loop3A_200, %parallel_loop3A_203 : vector<16xf32>
      %parallel_loop3A_205 = arith.index_cast %parallel_loop3A_99 : i32 to index
      %parallel_loop3A_206 = arith.constant 96 : index
      %parallel_loop3A_207 = tpu.vector_load %arg12[%parallel_loop3A_205, %parallel_loop3A_206] {strides = array<i32>} : memref<128x144xf32, #tpu.memory_space<vmem>>, vector<1x16xf32>,
      %parallel_loop3A_208 = vector.shape_cast %parallel_loop3A_207 : vector<1x16xf32> to vector<16xf32>
      %parallel_loop3A_209 = vector.shape_cast %parallel_loop3A_204 : vector<16xf32> to vector<1x16xf32>
      tpu.vector_store %arg12[%parallel_loop3A_205, %parallel_loop3A_206], %parallel_loop3A_209 {strides = array<i32>} : memref<128x144xf32, #tpu.memory_space<vmem>>, vector<1x16xf32>,
      %parallel_loop3A_210 = arith.index_cast %parallel_loop3A_99 : i32 to index
      %parallel_loop3A_211 = arith.constant 112 : index
      %parallel_loop3A_212 = tpu.vector_load %arg12[%parallel_loop3A_210, %parallel_loop3A_211] {strides = array<i32>} : memref<128x144xf32, #tpu.memory_space<vmem>>, vector<1x16xf32>,
      %parallel_loop3A_213 = vector.shape_cast %parallel_loop3A_212 : vector<1x16xf32> to vector<16xf32>
      %parallel_loop3A_214 = vector.extract_strided_slice %parallel_loop3A_113 {offsets = [7], sizes = [1], strides = [1]} : vector<16xf32> to vector<1xf32>
      %parallel_loop3A_215 = vector.extract %parallel_loop3A_214[0] : f32 from vector<1xf32>
      %parallel_loop3A_216 = vector.broadcast %parallel_loop3A_215 : f32 to vector<16xf32>
      %parallel_loop3A_217 = arith.mulf %parallel_loop3A_213, %parallel_loop3A_216 : vector<16xf32>
      %parallel_loop3A_218 = arith.index_cast %parallel_loop3A_99 : i32 to index
      %parallel_loop3A_219 = arith.constant 112 : index
      %parallel_loop3A_220 = tpu.vector_load %arg12[%parallel_loop3A_218, %parallel_loop3A_219] {strides = array<i32>} : memref<128x144xf32, #tpu.memory_space<vmem>>, vector<1x16xf32>,
      %parallel_loop3A_221 = vector.shape_cast %parallel_loop3A_220 : vector<1x16xf32> to vector<16xf32>
      %parallel_loop3A_222 = vector.shape_cast %parallel_loop3A_217 : vector<16xf32> to vector<1x16xf32>
      tpu.vector_store %arg12[%parallel_loop3A_218, %parallel_loop3A_219], %parallel_loop3A_222 {strides = array<i32>} : memref<128x144xf32, #tpu.memory_space<vmem>>, vector<1x16xf32>,
    } {sc.loop_unroll_factor = 4 : i64, sc.parallel_access}
    %dma_wait3A_79 = arith.constant 0 : i32
    %dma_wait3A_80 = arith.constant 0 : i32
    %dma_wait3A_81 = tpu.memref_slice %arg5[%dma_wait3A_79, %dma_wait3A_80] : memref<10240x144xf32, #tpu.memory_space<hbm>> -> memref<128x144xf32, #tpu.memory_space<hbm>>
    %dma_wait3A_82 = arith.constant 0 : i32
    %dma_wait3A_83 = arith.constant 0 : i32
    %dma_wait3A_84 = tpu.memref_slice %arg5[%dma_wait3A_82, %dma_wait3A_83] : memref<10240x144xf32, #tpu.memory_space<hbm>> -> memref<128x144xf32, #tpu.memory_space<hbm>>
    tpu.wait_dma2 semaphore(%arg14 : memref<!tpu.dma_semaphore, #tpu.memory_space<semaphore_mem>>) src(%dma_wait3A_84 : memref<128x144xf32, #tpu.memory_space<hbm>>) dst(%arg11 : memref<128x144xf32, #tpu.memory_space<vmem>>)
    %dma_start3A_85 = arith.constant 0 : i32
    %dma_start3A_86 = arith.constant 0 : i32
    %dma_start3A_87 = tpu.memref_slice %arg4[%dma_start3A_85, %dma_start3A_86] : memref<10240x16xf32, #tpu.memory_space<hbm>> -> memref<10240x16xf32, #tpu.memory_space<hbm>>
    tpu.enqueue_indirect_dma source(%dma_start3A_87 : memref<10240x16xf32, #tpu.memory_space<hbm>>) target(%arg10 : memref<128x16xf32, #tpu.memory_space<vmem>>) offsets(%arg8 : memref<128xi32, #tpu.memory_space<vmem>>) semaphore(%arg14 : memref<!tpu.dma_semaphore, #tpu.memory_space<semaphore_mem>>)
    %dma_wait3A_88 = arith.constant 0 : i32
    %dma_wait3A_89 = arith.constant 0 : i32
    %dma_wait3A_90 = tpu.memref_slice %arg4[%dma_wait3A_88, %dma_wait3A_89] : memref<10240x16xf32, #tpu.memory_space<hbm>> -> memref<10240x16xf32, #tpu.memory_space<hbm>>
    tpu.wait_indirect_dma semaphore(%arg14 : memref<!tpu.dma_semaphore, #tpu.memory_space<semaphore_mem>>) src(%dma_wait3A_90 : memref<10240x16xf32, #tpu.memory_space<hbm>>) dst(%arg10 : memref<128x16xf32, #tpu.memory_space<vmem>>)
    "tpu.region"() ({
      %run_scoped3A = tpu.sem_alloc : memref<!tpu.dma_semaphore, #tpu.memory_space<semaphore_mem>>
      %dma_start3A_99 = arith.constant 0 : i32
      %dma_start3A_100 = arith.constant 0 : i32
      %dma_start3A_101 = tpu.memref_slice %arg13[%dma_start3A_99, %dma_start3A_100] : memref<10000x144xf32, #tpu.memory_space<vmem_shared>> -> memref<10000x144xf32, #tpu.memory_space<vmem_shared>>
      tpu.enqueue_indirect_dma source(%arg12 : memref<128x144xf32, #tpu.memory_space<vmem>>) target(%dma_start3A_101 : memref<10000x144xf32, #tpu.memory_space<vmem_shared>>) offsets(%arg9 : memref<128xi32, #tpu.memory_space<vmem>>) semaphore(%run_scoped3A : memref<!tpu.dma_semaphore, #tpu.memory_space<semaphore_mem>>) {add = true}
      %dma_wait3A_102 = arith.constant 0 : i32
      %dma_wait3A_103 = arith.constant 0 : i32
      %dma_wait3A_104 = tpu.memref_slice %arg13[%dma_wait3A_102, %dma_wait3A_103] : memref<10000x144xf32, #tpu.memory_space<vmem_shared>> -> memref<10000x144xf32, #tpu.memory_space<vmem_shared>>
      tpu.wait_indirect_dma semaphore(%run_scoped3A : memref<!tpu.dma_semaphore, #tpu.memory_space<semaphore_mem>>) src(%arg12 : memref<128x144xf32, #tpu.memory_space<vmem>>) dst(%dma_wait3A_104 : memref<10000x144xf32, #tpu.memory_space<vmem_shared>>)
      tpu.yield
    }) : () -> ()
    %parallel_loop3A_91 = arith.constant 0 : i32
    %parallel_loop3A_92 = arith.constant 128 : i32
    %parallel_loop3A_93 = arith.constant 1 : i32
    scf.for %parallel_loop3A_99 = %parallel_loop3A_91 to %parallel_loop3A_92 step %parallel_loop3A_93  : i32 {
      %parallel_loop3A_100 = arith.index_cast %parallel_loop3A_99 : i32 to index
      %parallel_loop3A_101 = arith.constant 128 : index
      %parallel_loop3A_102 = tpu.vector_load %arg11[%parallel_loop3A_100, %parallel_loop3A_101] {strides = array<i32>} : memref<128x144xf32, #tpu.memory_space<vmem>>, vector<1x16xf32>,
      %parallel_loop3A_103 = vector.shape_cast %parallel_loop3A_102 : vector<1x16xf32> to vector<16xf32>
      %parallel_loop3A_104 = arith.index_cast %parallel_loop3A_99 : i32 to index
      %parallel_loop3A_105 = arith.constant 0 : index
      %parallel_loop3A_106 = tpu.vector_load %arg10[%parallel_loop3A_104, %parallel_loop3A_105] {strides = array<i32>} : memref<128x16xf32, #tpu.memory_space<vmem>>, vector<1x16xf32>,
      %parallel_loop3A_107 = vector.shape_cast %parallel_loop3A_106 : vector<1x16xf32> to vector<16xf32>
      %parallel_loop3A_108 = arith.addf %parallel_loop3A_103, %parallel_loop3A_107 : vector<16xf32>
      %parallel_loop3A_109 = arith.constant 2.000000e-01 : f32
      %parallel_loop3A_110 = vector.broadcast %parallel_loop3A_109 : f32 to vector<16xf32>
      %parallel_loop3A_111 = arith.mulf %parallel_loop3A_110, %parallel_loop3A_108 : vector<16xf32>
      %parallel_loop3A_112 = arith.maximumf %parallel_loop3A_108, %parallel_loop3A_111 : vector<16xf32>
      %parallel_loop3A_113 = math.exp %parallel_loop3A_112 : vector<16xf32>
      %parallel_loop3A_114 = arith.index_cast %parallel_loop3A_99 : i32 to index
      %parallel_loop3A_115 = arith.constant 128 : index
      %parallel_loop3A_116 = tpu.vector_load %arg11[%parallel_loop3A_114, %parallel_loop3A_115] {strides = array<i32>} : memref<128x144xf32, #tpu.memory_space<vmem>>, vector<1x16xf32>,
      %parallel_loop3A_117 = vector.shape_cast %parallel_loop3A_116 : vector<1x16xf32> to vector<16xf32>
      %parallel_loop3A_118 = vector.shape_cast %parallel_loop3A_113 : vector<16xf32> to vector<1x16xf32>
      tpu.vector_store %arg11[%parallel_loop3A_114, %parallel_loop3A_115], %parallel_loop3A_118 {strides = array<i32>} : memref<128x144xf32, #tpu.memory_space<vmem>>, vector<1x16xf32>,
      %parallel_loop3A_119 = arith.index_cast %parallel_loop3A_99 : i32 to index
      %parallel_loop3A_120 = arith.constant 0 : index
      %parallel_loop3A_121 = tpu.vector_load %arg11[%parallel_loop3A_119, %parallel_loop3A_120] {strides = array<i32>} : memref<128x144xf32, #tpu.memory_space<vmem>>, vector<1x16xf32>,
      %parallel_loop3A_122 = vector.shape_cast %parallel_loop3A_121 : vector<1x16xf32> to vector<16xf32>
      %parallel_loop3A_123 = vector.extract_strided_slice %parallel_loop3A_113 {offsets = [0], sizes = [1], strides = [1]} : vector<16xf32> to vector<1xf32>
      %parallel_loop3A_124 = vector.extract %parallel_loop3A_123[0] : f32 from vector<1xf32>
      %parallel_loop3A_125 = vector.broadcast %parallel_loop3A_124 : f32 to vector<16xf32>
      %parallel_loop3A_126 = arith.mulf %parallel_loop3A_122, %parallel_loop3A_125 : vector<16xf32>
      %parallel_loop3A_127 = arith.index_cast %parallel_loop3A_99 : i32 to index
      %parallel_loop3A_128 = arith.constant 0 : index
      %parallel_loop3A_129 = tpu.vector_load %arg11[%parallel_loop3A_127, %parallel_loop3A_128] {strides = array<i32>} : memref<128x144xf32, #tpu.memory_space<vmem>>, vector<1x16xf32>,
      %parallel_loop3A_130 = vector.shape_cast %parallel_loop3A_129 : vector<1x16xf32> to vector<16xf32>
      %parallel_loop3A_131 = vector.shape_cast %parallel_loop3A_126 : vector<16xf32> to vector<1x16xf32>
      tpu.vector_store %arg11[%parallel_loop3A_127, %parallel_loop3A_128], %parallel_loop3A_131 {strides = array<i32>} : memref<128x144xf32, #tpu.memory_space<vmem>>, vector<1x16xf32>,
      %parallel_loop3A_132 = arith.index_cast %parallel_loop3A_99 : i32 to index
      %parallel_loop3A_133 = arith.constant 16 : index
      %parallel_loop3A_134 = tpu.vector_load %arg11[%parallel_loop3A_132, %parallel_loop3A_133] {strides = array<i32>} : memref<128x144xf32, #tpu.memory_space<vmem>>, vector<1x16xf32>,
      %parallel_loop3A_135 = vector.shape_cast %parallel_loop3A_134 : vector<1x16xf32> to vector<16xf32>
      %parallel_loop3A_136 = vector.extract_strided_slice %parallel_loop3A_113 {offsets = [1], sizes = [1], strides = [1]} : vector<16xf32> to vector<1xf32>
      %parallel_loop3A_137 = vector.extract %parallel_loop3A_136[0] : f32 from vector<1xf32>
      %parallel_loop3A_138 = vector.broadcast %parallel_loop3A_137 : f32 to vector<16xf32>
      %parallel_loop3A_139 = arith.mulf %parallel_loop3A_135, %parallel_loop3A_138 : vector<16xf32>
      %parallel_loop3A_140 = arith.index_cast %parallel_loop3A_99 : i32 to index
      %parallel_loop3A_141 = arith.constant 16 : index
      %parallel_loop3A_142 = tpu.vector_load %arg11[%parallel_loop3A_140, %parallel_loop3A_141] {strides = array<i32>} : memref<128x144xf32, #tpu.memory_space<vmem>>, vector<1x16xf32>,
      %parallel_loop3A_143 = vector.shape_cast %parallel_loop3A_142 : vector<1x16xf32> to vector<16xf32>
      %parallel_loop3A_144 = vector.shape_cast %parallel_loop3A_139 : vector<16xf32> to vector<1x16xf32>
      tpu.vector_store %arg11[%parallel_loop3A_140, %parallel_loop3A_141], %parallel_loop3A_144 {strides = array<i32>} : memref<128x144xf32, #tpu.memory_space<vmem>>, vector<1x16xf32>,
      %parallel_loop3A_145 = arith.index_cast %parallel_loop3A_99 : i32 to index
      %parallel_loop3A_146 = arith.constant 32 : index
      %parallel_loop3A_147 = tpu.vector_load %arg11[%parallel_loop3A_145, %parallel_loop3A_146] {strides = array<i32>} : memref<128x144xf32, #tpu.memory_space<vmem>>, vector<1x16xf32>,
      %parallel_loop3A_148 = vector.shape_cast %parallel_loop3A_147 : vector<1x16xf32> to vector<16xf32>
      %parallel_loop3A_149 = vector.extract_strided_slice %parallel_loop3A_113 {offsets = [2], sizes = [1], strides = [1]} : vector<16xf32> to vector<1xf32>
      %parallel_loop3A_150 = vector.extract %parallel_loop3A_149[0] : f32 from vector<1xf32>
      %parallel_loop3A_151 = vector.broadcast %parallel_loop3A_150 : f32 to vector<16xf32>
      %parallel_loop3A_152 = arith.mulf %parallel_loop3A_148, %parallel_loop3A_151 : vector<16xf32>
      %parallel_loop3A_153 = arith.index_cast %parallel_loop3A_99 : i32 to index
      %parallel_loop3A_154 = arith.constant 32 : index
      %parallel_loop3A_155 = tpu.vector_load %arg11[%parallel_loop3A_153, %parallel_loop3A_154] {strides = array<i32>} : memref<128x144xf32, #tpu.memory_space<vmem>>, vector<1x16xf32>,
      %parallel_loop3A_156 = vector.shape_cast %parallel_loop3A_155 : vector<1x16xf32> to vector<16xf32>
      %parallel_loop3A_157 = vector.shape_cast %parallel_loop3A_152 : vector<16xf32> to vector<1x16xf32>
      tpu.vector_store %arg11[%parallel_loop3A_153, %parallel_loop3A_154], %parallel_loop3A_157 {strides = array<i32>} : memref<128x144xf32, #tpu.memory_space<vmem>>, vector<1x16xf32>,
      %parallel_loop3A_158 = arith.index_cast %parallel_loop3A_99 : i32 to index
      %parallel_loop3A_159 = arith.constant 48 : index
      %parallel_loop3A_160 = tpu.vector_load %arg11[%parallel_loop3A_158, %parallel_loop3A_159] {strides = array<i32>} : memref<128x144xf32, #tpu.memory_space<vmem>>, vector<1x16xf32>,
      %parallel_loop3A_161 = vector.shape_cast %parallel_loop3A_160 : vector<1x16xf32> to vector<16xf32>
      %parallel_loop3A_162 = vector.extract_strided_slice %parallel_loop3A_113 {offsets = [3], sizes = [1], strides = [1]} : vector<16xf32> to vector<1xf32>
      %parallel_loop3A_163 = vector.extract %parallel_loop3A_162[0] : f32 from vector<1xf32>
      %parallel_loop3A_164 = vector.broadcast %parallel_loop3A_163 : f32 to vector<16xf32>
      %parallel_loop3A_165 = arith.mulf %parallel_loop3A_161, %parallel_loop3A_164 : vector<16xf32>
      %parallel_loop3A_166 = arith.index_cast %parallel_loop3A_99 : i32 to index
      %parallel_loop3A_167 = arith.constant 48 : index
      %parallel_loop3A_168 = tpu.vector_load %arg11[%parallel_loop3A_166, %parallel_loop3A_167] {strides = array<i32>} : memref<128x144xf32, #tpu.memory_space<vmem>>, vector<1x16xf32>,
      %parallel_loop3A_169 = vector.shape_cast %parallel_loop3A_168 : vector<1x16xf32> to vector<16xf32>
      %parallel_loop3A_170 = vector.shape_cast %parallel_loop3A_165 : vector<16xf32> to vector<1x16xf32>
      tpu.vector_store %arg11[%parallel_loop3A_166, %parallel_loop3A_167], %parallel_loop3A_170 {strides = array<i32>} : memref<128x144xf32, #tpu.memory_space<vmem>>, vector<1x16xf32>,
      %parallel_loop3A_171 = arith.index_cast %parallel_loop3A_99 : i32 to index
      %parallel_loop3A_172 = arith.constant 64 : index
      %parallel_loop3A_173 = tpu.vector_load %arg11[%parallel_loop3A_171, %parallel_loop3A_172] {strides = array<i32>} : memref<128x144xf32, #tpu.memory_space<vmem>>, vector<1x16xf32>,
      %parallel_loop3A_174 = vector.shape_cast %parallel_loop3A_173 : vector<1x16xf32> to vector<16xf32>
      %parallel_loop3A_175 = vector.extract_strided_slice %parallel_loop3A_113 {offsets = [4], sizes = [1], strides = [1]} : vector<16xf32> to vector<1xf32>
      %parallel_loop3A_176 = vector.extract %parallel_loop3A_175[0] : f32 from vector<1xf32>
      %parallel_loop3A_177 = vector.broadcast %parallel_loop3A_176 : f32 to vector<16xf32>
      %parallel_loop3A_178 = arith.mulf %parallel_loop3A_174, %parallel_loop3A_177 : vector<16xf32>
      %parallel_loop3A_179 = arith.index_cast %parallel_loop3A_99 : i32 to index
      %parallel_loop3A_180 = arith.constant 64 : index
      %parallel_loop3A_181 = tpu.vector_load %arg11[%parallel_loop3A_179, %parallel_loop3A_180] {strides = array<i32>} : memref<128x144xf32, #tpu.memory_space<vmem>>, vector<1x16xf32>,
      %parallel_loop3A_182 = vector.shape_cast %parallel_loop3A_181 : vector<1x16xf32> to vector<16xf32>
      %parallel_loop3A_183 = vector.shape_cast %parallel_loop3A_178 : vector<16xf32> to vector<1x16xf32>
      tpu.vector_store %arg11[%parallel_loop3A_179, %parallel_loop3A_180], %parallel_loop3A_183 {strides = array<i32>} : memref<128x144xf32, #tpu.memory_space<vmem>>, vector<1x16xf32>,
      %parallel_loop3A_184 = arith.index_cast %parallel_loop3A_99 : i32 to index
      %parallel_loop3A_185 = arith.constant 80 : index
      %parallel_loop3A_186 = tpu.vector_load %arg11[%parallel_loop3A_184, %parallel_loop3A_185] {strides = array<i32>} : memref<128x144xf32, #tpu.memory_space<vmem>>, vector<1x16xf32>,
      %parallel_loop3A_187 = vector.shape_cast %parallel_loop3A_186 : vector<1x16xf32> to vector<16xf32>
      %parallel_loop3A_188 = vector.extract_strided_slice %parallel_loop3A_113 {offsets = [5], sizes = [1], strides = [1]} : vector<16xf32> to vector<1xf32>
      %parallel_loop3A_189 = vector.extract %parallel_loop3A_188[0] : f32 from vector<1xf32>
      %parallel_loop3A_190 = vector.broadcast %parallel_loop3A_189 : f32 to vector<16xf32>
      %parallel_loop3A_191 = arith.mulf %parallel_loop3A_187, %parallel_loop3A_190 : vector<16xf32>
      %parallel_loop3A_192 = arith.index_cast %parallel_loop3A_99 : i32 to index
      %parallel_loop3A_193 = arith.constant 80 : index
      %parallel_loop3A_194 = tpu.vector_load %arg11[%parallel_loop3A_192, %parallel_loop3A_193] {strides = array<i32>} : memref<128x144xf32, #tpu.memory_space<vmem>>, vector<1x16xf32>,
      %parallel_loop3A_195 = vector.shape_cast %parallel_loop3A_194 : vector<1x16xf32> to vector<16xf32>
      %parallel_loop3A_196 = vector.shape_cast %parallel_loop3A_191 : vector<16xf32> to vector<1x16xf32>
      tpu.vector_store %arg11[%parallel_loop3A_192, %parallel_loop3A_193], %parallel_loop3A_196 {strides = array<i32>} : memref<128x144xf32, #tpu.memory_space<vmem>>, vector<1x16xf32>,
      %parallel_loop3A_197 = arith.index_cast %parallel_loop3A_99 : i32 to index
      %parallel_loop3A_198 = arith.constant 96 : index
      %parallel_loop3A_199 = tpu.vector_load %arg11[%parallel_loop3A_197, %parallel_loop3A_198] {strides = array<i32>} : memref<128x144xf32, #tpu.memory_space<vmem>>, vector<1x16xf32>,
      %parallel_loop3A_200 = vector.shape_cast %parallel_loop3A_199 : vector<1x16xf32> to vector<16xf32>
      %parallel_loop3A_201 = vector.extract_strided_slice %parallel_loop3A_113 {offsets = [6], sizes = [1], strides = [1]} : vector<16xf32> to vector<1xf32>
      %parallel_loop3A_202 = vector.extract %parallel_loop3A_201[0] : f32 from vector<1xf32>
      %parallel_loop3A_203 = vector.broadcast %parallel_loop3A_202 : f32 to vector<16xf32>
      %parallel_loop3A_204 = arith.mulf %parallel_loop3A_200, %parallel_loop3A_203 : vector<16xf32>
      %parallel_loop3A_205 = arith.index_cast %parallel_loop3A_99 : i32 to index
      %parallel_loop3A_206 = arith.constant 96 : index
      %parallel_loop3A_207 = tpu.vector_load %arg11[%parallel_loop3A_205, %parallel_loop3A_206] {strides = array<i32>} : memref<128x144xf32, #tpu.memory_space<vmem>>, vector<1x16xf32>,
      %parallel_loop3A_208 = vector.shape_cast %parallel_loop3A_207 : vector<1x16xf32> to vector<16xf32>
      %parallel_loop3A_209 = vector.shape_cast %parallel_loop3A_204 : vector<16xf32> to vector<1x16xf32>
      tpu.vector_store %arg11[%parallel_loop3A_205, %parallel_loop3A_206], %parallel_loop3A_209 {strides = array<i32>} : memref<128x144xf32, #tpu.memory_space<vmem>>, vector<1x16xf32>,
      %parallel_loop3A_210 = arith.index_cast %parallel_loop3A_99 : i32 to index
      %parallel_loop3A_211 = arith.constant 112 : index
      %parallel_loop3A_212 = tpu.vector_load %arg11[%parallel_loop3A_210, %parallel_loop3A_211] {strides = array<i32>} : memref<128x144xf32, #tpu.memory_space<vmem>>, vector<1x16xf32>,
      %parallel_loop3A_213 = vector.shape_cast %parallel_loop3A_212 : vector<1x16xf32> to vector<16xf32>
      %parallel_loop3A_214 = vector.extract_strided_slice %parallel_loop3A_113 {offsets = [7], sizes = [1], strides = [1]} : vector<16xf32> to vector<1xf32>
      %parallel_loop3A_215 = vector.extract %parallel_loop3A_214[0] : f32 from vector<1xf32>
      %parallel_loop3A_216 = vector.broadcast %parallel_loop3A_215 : f32 to vector<16xf32>
      %parallel_loop3A_217 = arith.mulf %parallel_loop3A_213, %parallel_loop3A_216 : vector<16xf32>
      %parallel_loop3A_218 = arith.index_cast %parallel_loop3A_99 : i32 to index
      %parallel_loop3A_219 = arith.constant 112 : index
      %parallel_loop3A_220 = tpu.vector_load %arg11[%parallel_loop3A_218, %parallel_loop3A_219] {strides = array<i32>} : memref<128x144xf32, #tpu.memory_space<vmem>>, vector<1x16xf32>,
      %parallel_loop3A_221 = vector.shape_cast %parallel_loop3A_220 : vector<1x16xf32> to vector<16xf32>
      %parallel_loop3A_222 = vector.shape_cast %parallel_loop3A_217 : vector<16xf32> to vector<1x16xf32>
      tpu.vector_store %arg11[%parallel_loop3A_218, %parallel_loop3A_219], %parallel_loop3A_222 {strides = array<i32>} : memref<128x144xf32, #tpu.memory_space<vmem>>, vector<1x16xf32>,
    } {sc.loop_unroll_factor = 4 : i64, sc.parallel_access}
    "tpu.region"() ({
      %run_scoped3A = tpu.sem_alloc : memref<!tpu.dma_semaphore, #tpu.memory_space<semaphore_mem>>
      %dma_start3A_99 = arith.constant 0 : i32
      %dma_start3A_100 = arith.constant 0 : i32
      %dma_start3A_101 = tpu.memref_slice %arg13[%dma_start3A_99, %dma_start3A_100] : memref<10000x144xf32, #tpu.memory_space<vmem_shared>> -> memref<10000x144xf32, #tpu.memory_space<vmem_shared>>
      tpu.enqueue_indirect_dma source(%arg11 : memref<128x144xf32, #tpu.memory_space<vmem>>) target(%dma_start3A_101 : memref<10000x144xf32, #tpu.memory_space<vmem_shared>>) offsets(%arg8 : memref<128xi32, #tpu.memory_space<vmem>>) semaphore(%run_scoped3A : memref<!tpu.dma_semaphore, #tpu.memory_space<semaphore_mem>>) {add = true}
      %dma_wait3A_102 = arith.constant 0 : i32
      %dma_wait3A_103 = arith.constant 0 : i32
      %dma_wait3A_104 = tpu.memref_slice %arg13[%dma_wait3A_102, %dma_wait3A_103] : memref<10000x144xf32, #tpu.memory_space<vmem_shared>> -> memref<10000x144xf32, #tpu.memory_space<vmem_shared>>
      tpu.wait_indirect_dma semaphore(%run_scoped3A : memref<!tpu.dma_semaphore, #tpu.memory_space<semaphore_mem>>) src(%arg11 : memref<128x144xf32, #tpu.memory_space<vmem>>) dst(%dma_wait3A_104 : memref<10000x144xf32, #tpu.memory_space<vmem_shared>>)
      tpu.yield
    }) : () -> ()
    %barrier3A_94 = arith.constant 0 : index
    tpu.barrier barrier_id(%barrier3A_94)
    %mul3A_95 = arith.constant 625 : i32
    %mul3A_96 = arith.muli %arg1, %mul3A_95 : i32
    %mul3A_97 = arith.constant 625 : i32
    %mul3A_98 = arith.muli %arg1, %mul3A_97 : i32
    "tpu.region"() ({
      %run_scoped3A = tpu.sem_alloc : memref<!tpu.dma_semaphore, #tpu.memory_space<semaphore_mem>>
      %dma_start3A_99 = arith.constant 0 : i32
      %dma_start3A_100 = tpu.memref_slice %arg6[%arg0, %mul3A_98, %dma_start3A_99] : memref<2x10000x144xf32, #tpu.memory_space<hbm>> -> memref<1x625x144xf32, #tpu.memory_space<hbm>>
      %dma_start3A_101 = tpu.memref_squeeze %dma_start3A_100 : memref<1x625x144xf32, #tpu.memory_space<hbm>> -> memref<625x144xf32, #tpu.memory_space<hbm>>
      %dma_start3A_102 = arith.constant 0 : i32
      %dma_start3A_103 = tpu.memref_slice %arg13[%mul3A_96, %dma_start3A_102] : memref<10000x144xf32, #tpu.memory_space<vmem_shared>> -> memref<625x144xf32, #tpu.memory_space<vmem_shared>>
      tpu.enqueue_dma source(%dma_start3A_103 : memref<625x144xf32, #tpu.memory_space<vmem_shared>>) target(%dma_start3A_101 : memref<625x144xf32, #tpu.memory_space<hbm>>) target_semaphore(%run_scoped3A : memref<!tpu.dma_semaphore, #tpu.memory_space<semaphore_mem>>)
      %dma_wait3A_104 = arith.constant 0 : i32
      %dma_wait3A_105 = tpu.memref_slice %arg6[%arg0, %mul3A_98, %dma_wait3A_104] : memref<2x10000x144xf32, #tpu.memory_space<hbm>> -> memref<1x625x144xf32, #tpu.memory_space<hbm>>
      %dma_wait3A_106 = tpu.memref_squeeze %dma_wait3A_105 : memref<1x625x144xf32, #tpu.memory_space<hbm>> -> memref<625x144xf32, #tpu.memory_space<hbm>>
      %dma_wait3A_107 = arith.constant 0 : i32
      %dma_wait3A_108 = tpu.memref_slice %arg13[%mul3A_96, %dma_wait3A_107] : memref<10000x144xf32, #tpu.memory_space<vmem_shared>> -> memref<625x144xf32, #tpu.memory_space<vmem_shared>>
      tpu.wait_dma2 semaphore(%run_scoped3A : memref<!tpu.dma_semaphore, #tpu.memory_space<semaphore_mem>>) src(%dma_wait3A_108 : memref<625x144xf32, #tpu.memory_space<vmem_shared>>) dst(%dma_wait3A_106 : memref<625x144xf32, #tpu.memory_space<hbm>>)
      tpu.yield
    }) : () -> ()
    return
  }
}

module attributes {stable_mosaic.version = 14 : i64} {
  func.func @body(%arg0: i32, %arg1: memref<256x128xf32, #tpu.memory_space<vmem>>, %arg2: memref<128x128xf32, #tpu.memory_space<vmem>>, %arg3: memref<8x16xf32, #tpu.memory_space<vmem>>, %arg4: memref<8x16xf32, #tpu.memory_space<vmem>>, %arg5: memref<256x144xf32, #tpu.memory_space<vmem>>, %arg6: memref<256x16xf32, #tpu.memory_space<vmem>>) attributes {dimension_semantics = [#tpu.dimension_semantics<arbitrary>], iteration_bounds = array<i64: 40>, scalar_prefetch = 0 : i64, scratch_operands = 0 : i64, tpu.core_type = #tpu.core_type<tc>, window_params = [{transform_indices = @transform_0, window_bounds = array<i64: 256, 128>}, {pipeline_mode = #tpu.pipeline_mode<synchronous>, transform_indices = @transform_1, window_bounds = array<i64: 128, 128>}, {pipeline_mode = #tpu.pipeline_mode<synchronous>, transform_indices = @transform_2, window_bounds = array<i64: 8, 16>}, {pipeline_mode = #tpu.pipeline_mode<synchronous>, transform_indices = @transform_3, window_bounds = array<i64: 8, 16>}, {transform_indices = @transform_4, window_bounds = array<i64: 256, 144>}, {transform_indices = @transform_5, window_bounds = array<i64: 256, 16>}]} {
    %get3A = arith.constant 0 : index
    %get3A_0 = arith.constant 0 : index
    %get3A_1 = vector.load %arg1[%get3A, %get3A_0] : memref<256x128xf32, #tpu.memory_space<vmem>>, vector<256x128xf32>
    %get3A_2 = arith.constant 0 : index
    %get3A_3 = arith.constant 0 : index
    %get3A_4 = vector.load %arg2[%get3A_2, %get3A_3] : memref<128x128xf32, #tpu.memory_space<vmem>>, vector<128x128xf32>
    %dot_general3A = arith.constant dense<0.000000e+00> : vector<256x128xf32>
    %dot_general3A_5 = tpu.matmul %get3A_1, %get3A_4, %dot_general3A {dimension_numbers = #tpu.dot_dimension_numbers<[1], [0], [0], [1], [0, 0, 1, 1], [], []>, transpose_lhs_hint = false} : vector<256x128xf32>, vector<128x128xf32>, vector<256x128xf32> -> vector<256x128xf32>
    %reshape3A = vector.shape_cast %dot_general3A_5 : vector<256x128xf32> to vector<256x8x16xf32>
    %get3A_6 = arith.constant 0 : index
    %get3A_7 = arith.constant 0 : index
    %get3A_8 = vector.load %arg3[%get3A_6, %get3A_7] : memref<8x16xf32, #tpu.memory_space<vmem>>, vector<8x16xf32>
    %broadcast_in_dim3A = vector.shape_cast %get3A_8 : vector<8x16xf32> to vector<1x8x16xf32>
    %mul3A = vector.broadcast %broadcast_in_dim3A : vector<1x8x16xf32> to vector<256x8x16xf32>
    %mul3A_9 = arith.mulf %reshape3A, %mul3A : vector<256x8x16xf32>
    %reduce_sum3A = arith.constant dense<0.000000e+00> : vector<256x8xf32>
    %reduce_sum3A_10 = vector.multi_reduction <add>, %mul3A_9, %reduce_sum3A [2] : vector<256x8x16xf32> to vector<256x8xf32>
    %get3A_11 = arith.constant 0 : index
    %get3A_12 = arith.constant 0 : index
    %get3A_13 = vector.load %arg4[%get3A_11, %get3A_12] : memref<8x16xf32, #tpu.memory_space<vmem>>, vector<8x16xf32>
    %broadcast_in_dim3A_14 = vector.shape_cast %get3A_13 : vector<8x16xf32> to vector<1x8x16xf32>
    %mul3A_15 = vector.broadcast %broadcast_in_dim3A_14 : vector<1x8x16xf32> to vector<256x8x16xf32>
    %mul3A_16 = arith.mulf %reshape3A, %mul3A_15 : vector<256x8x16xf32>
    %reduce_sum3A_17 = arith.constant dense<0.000000e+00> : vector<256x8xf32>
    %reduce_sum3A_18 = vector.multi_reduction <add>, %mul3A_16, %reduce_sum3A_17 [2] : vector<256x8x16xf32> to vector<256x8xf32>
    %broadcast_in_dim3A_19 = arith.constant 0.000000e+00 : f32
    %broadcast_in_dim3A_20 = vector.broadcast %broadcast_in_dim3A_19 : f32 to vector<256x8xf32>
    %concatenate3A = tpu.concatenate %reduce_sum3A_10, %broadcast_in_dim3A_20 in 1 : vector<256x8xf32>, vector<256x8xf32> -> vector<256x16xf32>
    %concatenate3A_21 = tpu.concatenate %reduce_sum3A_18, %broadcast_in_dim3A_20 in 1 : vector<256x8xf32>, vector<256x8xf32> -> vector<256x16xf32>
    %mul3A_22 = arith.constant 256 : i32
    %mul3A_23 = arith.muli %arg0, %mul3A_22 : i32
    %iota3A = tpu.iota {dimensions = array<i32: 0>} : vector<256x1xi32>
    %add3A = vector.broadcast %mul3A_23 : i32 to vector<256x1xi32>
    %add3A_24 = arith.addi %add3A, %iota3A : vector<256x1xi32>
    %ge3A = arith.constant 10000 : i32
    %ge3A_25 = vector.broadcast %ge3A : i32 to vector<256x1xi32>
    %ge3A_26 = arith.cmpi sge, %add3A_24, %ge3A_25 : vector<256x1xi32>
    %jit3A = arith.constant -1.000000e+30 : f32
    %broadcast_in_dim3A_27 = vector.shape_cast %ge3A_26 : vector<256x1xi1> to vector<256x1xi1>
    %broadcast_in_dim3A_28 = vector.broadcast %broadcast_in_dim3A_27 : vector<256x1xi1> to vector<256x16xi1>
    %broadcast_in_dim3A_29 = vector.broadcast %jit3A : f32 to vector<256x16xf32>
    %select_n3A = arith.select %broadcast_in_dim3A_28, %broadcast_in_dim3A_29, %concatenate3A : vector<256x16xi1>, vector<256x16xf32>
    %concatenate3A_30 = tpu.concatenate %dot_general3A_5, %select_n3A in 1 : vector<256x128xf32>, vector<256x16xf32> -> vector<256x144xf32>
    %swap3A = arith.constant 0 : index
    %swap3A_31 = arith.constant 0 : index
    %swap3A_32 = vector.load %arg5[%swap3A, %swap3A_31] : memref<256x144xf32, #tpu.memory_space<vmem>>, vector<256x144xf32>
    tpu.vector_store %arg5[%swap3A, %swap3A_31], %concatenate3A_30 {strides = array<i32>} : memref<256x144xf32, #tpu.memory_space<vmem>>, vector<256x144xf32>,
    %swap3A_33 = arith.constant 0 : index
    %swap3A_34 = arith.constant 0 : index
    %swap3A_35 = vector.load %arg6[%swap3A_33, %swap3A_34] : memref<256x16xf32, #tpu.memory_space<vmem>>, vector<256x16xf32>
    tpu.vector_store %arg6[%swap3A_33, %swap3A_34], %concatenate3A_21 {strides = array<i32>} : memref<256x16xf32, #tpu.memory_space<vmem>>, vector<256x16xf32>,
    return
  }
  func.func @transform_0(%arg0: i32) -> (i32, i32) {
    %c0_i32 = arith.constant 0 : i32
    %c0_i32_0 = arith.constant 0 : i32
    return %arg0, %c0_i32 : i32, i32
  }
  func.func @transform_1(%arg0: i32) -> (i32, i32) {
    %c0_i32 = arith.constant 0 : i32
    %c0_i32_0 = arith.constant 0 : i32
    %c0_i32_1 = arith.constant 0 : i32
    return %c0_i32, %c0_i32_0 : i32, i32
  }
  func.func @transform_2(%arg0: i32) -> (i32, i32) {
    %c0_i32 = arith.constant 0 : i32
    %c0_i32_0 = arith.constant 0 : i32
    %c0_i32_1 = arith.constant 0 : i32
    return %c0_i32, %c0_i32_0 : i32, i32
  }
  func.func @transform_3(%arg0: i32) -> (i32, i32) {
    %c0_i32 = arith.constant 0 : i32
    %c0_i32_0 = arith.constant 0 : i32
    %c0_i32_1 = arith.constant 0 : i32
    return %c0_i32, %c0_i32_0 : i32, i32
  }
  func.func @transform_4(%arg0: i32) -> (i32, i32) {
    %c0_i32 = arith.constant 0 : i32
    %c0_i32_0 = arith.constant 0 : i32
    return %arg0, %c0_i32 : i32, i32
  }
  func.func @transform_5(%arg0: i32) -> (i32, i32) {
    %c0_i32 = arith.constant 0 : i32
    %c0_i32_0 = arith.constant 0 : i32
    return %arg0, %c0_i32 : i32, i32
  }
}

module attributes {stable_mosaic.version = 14 : i64} {
  func.func @body(%arg0: i32, %arg1: memref<2x400x144xf32, #tpu.memory_space<vmem>>, %arg2: memref<400x128xf32, #tpu.memory_space<vmem>>) attributes {dimension_semantics = [#tpu.dimension_semantics<arbitrary>], iteration_bounds = array<i64: 25>, scalar_prefetch = 0 : i64, scratch_operands = 0 : i64, tpu.core_type = #tpu.core_type<tc>, window_params = [{transform_indices = @transform_0, window_bounds = array<i64: 2, 400, 144>}, {transform_indices = @transform_1, window_bounds = array<i64: 400, 128>}]} {
    %get3A = arith.constant 0 : index
    %get3A_0 = arith.constant 0 : index
    %get3A_1 = arith.constant 0 : index
    %get3A_2 = vector.load %arg1[%get3A, %get3A_0, %get3A_1] : memref<2x400x144xf32, #tpu.memory_space<vmem>>, vector<1x400x144xf32>
    %get3A_3 = vector.shape_cast %get3A_2 : vector<1x400x144xf32> to vector<400x144xf32>
    %get3A_4 = arith.constant 1 : index
    %get3A_5 = arith.constant 0 : index
    %get3A_6 = arith.constant 0 : index
    %get3A_7 = vector.load %arg1[%get3A_4, %get3A_5, %get3A_6] : memref<2x400x144xf32, #tpu.memory_space<vmem>>, vector<1x400x144xf32>
    %get3A_8 = vector.shape_cast %get3A_7 : vector<1x400x144xf32> to vector<400x144xf32>
    %add3A = arith.addf %get3A_3, %get3A_8 : vector<400x144xf32>
    %slice3A = vector.extract_strided_slice %add3A {offsets = [0, 128], sizes = [400, 8], strides = [1, 1]} : vector<400x144xf32> to vector<400x8xf32>
    %reshape3A = vector.shape_cast %slice3A : vector<400x8xf32> to vector<400x8x1xf32>
    %broadcast_in_dim3A = vector.shape_cast %reshape3A : vector<400x8x1xf32> to vector<400x8x1xf32>
    %broadcast_in_dim3A_9 = vector.broadcast %broadcast_in_dim3A : vector<400x8x1xf32> to vector<400x8x16xf32>
    %reshape3A_10 = vector.shape_cast %broadcast_in_dim3A_9 : vector<400x8x16xf32> to vector<400x128xf32>
    %slice3A_11 = vector.extract_strided_slice %add3A {offsets = [0, 0], sizes = [400, 128], strides = [1, 1]} : vector<400x144xf32> to vector<400x128xf32>
    %div3A = arith.divf %slice3A_11, %reshape3A_10 : vector<400x128xf32>
    %swap3A = arith.constant 0 : index
    %swap3A_12 = arith.constant 0 : index
    %swap3A_13 = vector.load %arg2[%swap3A, %swap3A_12] : memref<400x128xf32, #tpu.memory_space<vmem>>, vector<400x128xf32>
    tpu.vector_store %arg2[%swap3A, %swap3A_12], %div3A {strides = array<i32>} : memref<400x128xf32, #tpu.memory_space<vmem>>, vector<400x128xf32>,
    return
  }
  func.func @transform_0(%arg0: i32) -> (i32, i32, i32) {
    %c0_i32 = arith.constant 0 : i32
    %c0_i32_0 = arith.constant 0 : i32
    %c0_i32_1 = arith.constant 0 : i32
    return %c0_i32, %arg0, %c0_i32_0 : i32, i32, i32
  }
  func.func @transform_1(%arg0: i32) -> (i32, i32) {
    %c0_i32 = arith.constant 0 : i32
    %c0_i32_0 = arith.constant 0 : i32
    return %arg0, %c0_i32 : i32, i32
  }
}

</mosaic_0001>

<sc_bundles>
// kernel: kernel.5.cloned.1.call-start
scs
__scs_entry_jumppad:
0x0: {  	(pc) =	sbr.rel $0x88, $3  }
0x1: {  	(tag) =	ssettag $0x0;
	lr =	simm.s32 $0x1  }
0x2: {  	[smem:$0x3F9C] =	sst lr;
	_ =	strace $0xD0000000  }
0x3: {  	_ = 	snop  }
0x4: {  	_ = 	snop  }
0x5: {  	_ = 	snop  }
0x6: {  	_ = 	snop  }
0x7: {  	_ = 	snop  }
__scs_overlays_trampoline_lowered:
0x8: {  	[smem:$0x3FAB] =	sst s0  }
0x9: {  	[smem:$0x3FAC] =	sst s1  }
0xa: {  	[smem:$0x3FAD] =	sst s2  }
0xb: {  	[smem:$0x3FAE] =	sst s3  }
0xc: {  	[smem:$0x3FAF] =	sst s4  }
0xd: {  	[smem:$0x3FB0] =	sst s5  }
0xe: {  	[smem:$0x3FB1] =	sst s6  }
0xf: {  	[smem:$0x3FB2] =	sst s7  }
0x10: {  	[smem:$0x3FB3] =	sst s8  }
0x11: {  	[smem:$0x3FB4] =	sst s9;
	s0 =	simm.s32 @!p0 $0x0  }
0x12: {  	s1 =	sld [smem:$0x3F9A];
	s0 =	simm.s32 @p0 $0x1  }
0x13: {  	[smem:$0x3FB5] =	sst s0;
	s0 =	simm.s32 @!p1 $0x0  }
0x14: {  	s2 =	sld [smem:$0x3F99];
	s0 =	simm.s32 @p1 $0x1  }
0x15: {  	[smem:$0x3FB6] =	sst s0;
	s0 =	simm.s32 @!p2 $0x0  }
0x16: {  	s3 =	sld [smem:$0x3FDB];
	s0 =	simm.s32 @p2 $0x1  }
0x17: {  	s4 =	simm.s32 $0x1BF5;
	[smem:$0x3FB8] =	sst s0  }
0x18: {  	s0 =	sld [smem:$0x3F9B];
	_ =	swait.ge [sflag:s4], $0x0  }
0x19: {  	s7 =	sld [smem:$0x3F9C]  }
0x1a: {  	s8 =	sadd.s32 $0xFFFFE003, lr  }
0x1b: {  	s9 =	sadd.s32 $0xFFFFFEF7, lr;
	s5 =	simm.s32 $0xFFFFFFFF;
	p2 =	slt.u32 s8, $0xFFFFF086  }
0x1c: {  	p1 =	slt.u32 s9, $0xF7A;
	s5 =	simm.s32 @!p2 $0x0  }
0x1d: {  	s5 =	simm.s32 @p1 $0x1;
	p0 =	seq.s32 s7, s2  }
0x1e: {  	s7 =	smul.u32 @!p0 $0xF7A, s2;
	p2 =	seq.s32 @!p0 s5, $0x0  }
0x1f: {  	s9 =	smul.u32 $0xF7A, s1;
	s8 =	simm.s32 @!p0 $0x1BF5;
	p2 =	por !p2, p0  }
0x20: {  	[sflag:s8] =	ssyncset.s32 @!p0 $0xFFFFF086;
	s6 =	sadd.s32 @!p0 s3, s7;
	s7 =	simm.s32 @!p0 $0x108  }
0x21: {  	s3 =	sadd.s32 s3, s9;
	s6 =	sadd.s32 @!p0 $0x88, s6;
	s7 =	simm.s32 @p2 $0x1082  }
0x22: {  	[simem:s7], [sflag:s8] =	dma.local @!p0 [hbm:s6], $0xF7A  }
0x23: {  	s9 =	sor.u32 $0xD0000000, s2;
	s6 =	simm.s32 $0x108;
	_ =	swait.ge @!p0 [sflag:s8], $0x0  }
0x24: {  	s3 =	sadd.s32 $0x88, s3;
	s6 =	simm.s32 @!p1 $0x1082;
	[sflag:s4] =	ssyncset.s32 $0xFFFFF086  }
0x25: {  	[simem:s6], [sflag:s4] =	dma.local [hbm:s3], $0xF7A  }
0x26: {  	[smem:$0x3F9C] =	sst s1;
	(tag) =	ssettag s2;
	_ =	strace s9  }
0x27: {  	s1 =	sld [smem:$0x3FAC]  }
0x28: {  	s2 =	sld [smem:$0x3FAD]  }
0x29: {  	s4 =	sld [smem:$0x3FAF]  }
0x2a: {  	p0 =	seq.s32 s5, $0x0;
	s5 =	sld [smem:$0x3FB0]  }
0x2b: {  	s6 =	sld [smem:$0x3FB1]  }
0x2c: {  	s7 =	sld [smem:$0x3FB2]  }
0x2d: {  	s3 =	simm.s32 $0x108;
	s8 =	sld [smem:$0x3FB3]  }
0x2e: {  	s3 =	simm.s32 @!p0 $0x1082;
	s9 =	sld [smem:$0x3FB4]  }
0x2f: {  	lr =	sadd.s32 s0, s3;
	s0 =	sld [smem:$0x3FAB]  }
0x30: {  	s3 =	sld [smem:$0x3FAE]  }
0x31: {  	[smem:$0x3FB7] =	sst s10  }
0x32: {  	s10 =	sld [smem:$0x3FB5];
	_ =	sdelay $0x3  }
0x33: {  	p0 =	seq.s32 s10, $0x1;
	s10 =	sld [smem:$0x3FB7];
	_ =	sdelay $0x3  }
0x34: {  	[smem:$0x3FB7] =	sst s10  }
0x35: {  	s10 =	sld [smem:$0x3FB6];
	_ =	sdelay $0x3  }
0x36: {  	p1 =	seq.s32 s10, $0x1;
	s10 =	sld [smem:$0x3FB7];
	_ =	sdelay $0x3  }
0x37: {  	[smem:$0x3FB7] =	sst s10  }
0x38: {  	s10 =	sld [smem:$0x3FB8]  }
0x39: {  	_ = 	snop;
	(pc) =	sbr.ind lr, $3  }
0x3a: {  	_ = 	snop  }
0x3b: {  	_ = 	snop  }
0x3c: {  	p2 =	seq.s32 s10, $0x1;
	s10 =	sld [smem:$0x3FB7]  }
0x3d: {  	_ =	shalt  }
0x3e: {  	_ =	shalt  }
0x3f: {  	_ =	shalt  }
0x40: {  	_ =	shalt  }
0x41: {  	_ =	shalt  }
0x42: {  	_ =	shalt  }
0x43: {  	_ =	shalt  }
0x44: {  	_ =	shalt  }
0x45: {  	_ =	shalt  }
0x46: {  	_ =	shalt  }
0x47: {  	_ =	shalt  }
0x48: {  	_ =	shalt  }
0x49: {  	_ =	shalt  }
0x4a: {  	_ =	shalt  }
0x4b: {  	_ =	shalt  }
0x4c: {  	_ =	shalt  }
0x4d: {  	_ =	shalt  }
0x4e: {  	_ =	shalt  }
0x4f: {  	_ =	shalt  }
0x50: {  	_ =	shalt  }
0x51: {  	_ =	shalt  }
0x52: {  	_ =	shalt  }
0x53: {  	_ =	shalt  }
0x54: {  	_ =	shalt  }
0x55: {  	_ =	shalt  }
0x56: {  	_ =	shalt  }
0x57: {  	_ =	shalt  }
0x58: {  	_ =	shalt  }
0x59: {  	_ =	shalt  }
0x5a: {  	_ =	shalt  }
0x5b: {  	_ =	shalt  }
0x5c: {  	_ =	shalt  }
0x5d: {  	_ =	shalt  }
0x5e: {  	_ =	shalt  }
0x5f: {  	_ =	shalt  }
0x60: {  	_ =	shalt  }
0x61: {  	_ =	shalt  }
0x62: {  	_ =	shalt  }
0x63: {  	_ =	shalt  }
0x64: {  	_ =	shalt  }
0x65: {  	_ =	shalt  }
0x66: {  	_ =	shalt  }
0x67: {  	_ =	shalt  }
0x68: {  	_ =	shalt  }
0x69: {  	_ =	shalt  }
0x6a: {  	_ =	shalt  }
0x6b: {  	_ =	shalt  }
0x6c: {  	_ =	shalt  }
0x6d: {  	_ =	shalt  }
0x6e: {  	_ =	shalt  }
0x6f: {  	_ =	shalt  }
0x70: {  	_ =	shalt  }
0x71: {  	_ =	shalt  }
0x72: {  	_ =	shalt  }
0x73: {  	_ =	shalt  }
0x74: {  	_ =	shalt  }
0x75: {  	_ =	shalt  }
0x76: {  	_ =	shalt  }
0x77: {  	_ =	shalt  }
0x78: {  	_ =	shalt  }
0x79: {  	_ =	shalt  }
0x7a: {  	_ =	shalt  }
0x7b: {  	_ =	shalt  }
0x7c: {  	_ =	shalt  }
0x7d: {  	_ =	shalt  }
0x7e: {  	_ =	shalt  }
0x7f: {  	_ =	shalt  }
0x80: {  	_ =	shalt  }
0x81: {  	_ =	shalt  }
0x82: {  	_ =	shalt  }
0x83: {  	_ =	shalt  }
0x84: {  	_ =	shalt  }
0x85: {  	_ =	shalt  }
0x86: {  	_ =	shalt  }
0x87: {  	_ =	shalt  }
.Lfunc_end0:
.L_simem_size_0:
called_computation_lowered:
.L_overlay_start_0:
0x88: {  	s2 =	sld [smem:$0x3FD9]  }
0x89: {  	s3 =	sld [smem:$0x3FFE];
	_ =	sdelay $0x1  }
0x8a: {  	s1 =	srdreg.scid  }
0x8b: {  	s0 =	sand.u32 $0x1, s1  }
0x8c: {  	s17 =	sshll.u32 s0, $0xA;
	s2 =	sadd.s32 s3, s2  }
0x8d: {  	s2 =	sadd.s32 s2, s17  }
0x8e: {  	[smem:$0x3FC3] =	sst s2  }
0x8f: {  	_ = 	snop  }
0x90: {  	s2 =	sld [smem:$0x3FD0];
	(tm) =	ssettm $0x1  }
0x91: {  	s18 =	sld [smem:$0x3FFB];
	_ =	sdelay $0x3  }
0x92: {  	_ =	strace s18  }
0x93: {  	s3 =	sld [smem:$0x3FFC];
	_ =	sdelay $0x3  }
0x94: {  	_ =	strace s3  }
0x95: {  	s3 =	sld [smem:$0x3FFD];
	_ =	sdelay $0x3  }
0x96: {  	_ =	strace s3  }
0x97: {  	_ =	strace $0x8FFFFFFF  }
0x98: {  	s19 =	sld [smem:$0x3FDB];
	_ =	sdelay $0x1  }
0x99: {  	s4 =	simm.s32 $_scs_section_size  }
0x9a: {  	s5 =	simm.s32 $_size__tile_overlayer_lowered;
	s6 =	simm.s32 $_tile_overlayer_lowered  }
0x9b: {  	s22 =	simm.s32 $0x1BFF;
	s21 =	sshll.u32 s6, $0x1;
	s3 =	sadd.s32 s4, s19  }
0x9c: {  	s7 =	simm.s32 $0x0;
	s20 =	sshll.u32 s5, $0x1;
	s5 =	sadd.s32 s21, s3  }
0x9d: {  	[timem:s7], [sflag:s22] =	dma.local [hbm:s5], s20  }
0x9e: {  	_ =	swait.ge [sflag:s22], s20  }
0x9f: {  	s4 =	ssub.s32 $0x0, s20;
	[sflag:s22] =	ssyncset.done $0x0  }
0xa0: {  	[sflag:s22] =	ssyncadd.s32 s4;
	_ =	sdelay $0x1  }
0xa1: {  	s23 =	simm.s32 $0x1B8B  }
0xa2: {  	_ =	swait.ge [sflag:s23], $0x1  }
0xa3: {  	[sflag:s23] =	ssyncset.done $0x0  }
0xa4: {  	s25 =	simm.s32 $0x1B8E;
	s24 =	sld [smem:$0x3FFE];
	[sflag:s23] =	ssyncadd.s32 $0xFFFFFFFF  }
0xa5: {  	s26 =	simm.s32 $execute0_lowered;
	[smem:$0x3FD2] =	sst s25  }
0xa6: {  	s5 =	sshll.u32 s26, $0x1;
	_ =	strace $0x80000046;
	[dreg:$0x1] =	wrdreg $0xFFFFFFFF  }
0xa7: {  	s28 =	simm.s32 $_size_execute0_lowered;
	s3 =	sadd.s32 s3, s5;
	[dreg:$0x0] =	wrdreg $0x0  }
0xa8: {  	s5 =	sshll.u32 s28, $0x1;
	[dreg:$0x2] =	wrdreg s3  }
0xa9: {  	[dreg:$0x3] =	wrdreg s5  }
0xaa: {  	[dreg:$0x4] =	wrdreg $0xC0  }
0xab: {  	_ =	task [dreg:s7], $0x5FFFF  }
0xac: {  	[dreg:$0x1] =	wrdreg $0xFFFFFFFF  }
0xad: {  	[dreg:$0x0] =	wrdreg $0x60  }
0xae: {  	[dreg:$0x2] =	wrdreg s2  }
0xaf: {  	[dreg:$0x3] =	wrdreg s24  }
0xb0: {  	[dreg:$0x4] =	wrdreg $0x99800  }
0xb1: {  	[dreg:$0x5] =	wrdreg $0x9  }
0xb2: {  	_ =	task.clear_ibuf [dreg:s7], $0x6FFFF;
	_ =	strace $0x90000046  }
0xb3: {  	s29 =	simm.s32 $0x9;
	_ =	strace $0x80000048  }
0xb4: {  	_ =	swait.ge [sflag:s29], $0x1  }
0xb5: {  	[sflag:s29] =	ssyncadd.s32 $0xFFFFFFFF  }
0xb6: {  	_ =	strace $0x90000048  }
0xb7: {  	_ =	sfence  }
0xb8: {  	s30 =	sld [smem:$0x0];
	_ =	sdelay $0x2  }
0xb9: {  	s31 =	sshll.u32 s1, $0xD;
	s1 =	sshrl.u32 s1, $0x2  }
0xba: {  	s3 =	sand.u32 $0x4000, s31;
	s1 =	sadd.s32 s1, s30  }
0xbb: {  	s0 =	sor.u32 s3, s0;
	s1 =	sshll.u32 s1, $0x11  }
0xbc: {  	s0 =	sor.u32 s1, s0  }
0xbd: {  	s0 =	sadd.s32 $0x8F2B, s0  }
0xbe: {  	[sflag:s0] =	ssyncadd.remote.s32 $0x1  }
0xbf: {  	_ =	sfence.sel $0xFFFF  }
0xc0: {  	[dreg:$0x0] =	wrdreg $0xFFFFFFFF;
	(pc) =	sbr.abs _section_cstart, $3  }
0xc1: {  	[dreg:$0x1] =	wrdreg $0xFFFFFFFF  }
0xc2: {  	_ =	task.clear_ibuf [dreg:s7], $0x2FFFF;
	_ =	strace $0x9FFFFFFF  }
0xc3: {  	(tm) =	ssettm $0x7FFFFFFF  }
tec
execute0_lowered:
.L_overlay_start_1:
0x0: {  	(tag) =	ssettag $0x1  }
0x1: {  	s1 =	rddreg [dreg:$0x0]  }
0x2: {  	s0 =	rddreg [dreg:$0x1]  }
0x3: {  	s3 =	rddreg [dreg:$0x2];
	s2 =	srdreg.scid  }
0x4: {  	s12 =	stileid.u32;
	s4 =	simm.s32 $0x0;
	s28 =	simm.s32 $0x180  }
0x5: {  	s29 =	simm.s32 $0x100;
	s30 =	simm.s32 $0x5180;
	s31 =	simm.s32 $0x0  }
0x6: {  	s2 =	sand.u32 $0x1, s2;
	s8 =	smul.u32 $0x15F90, s12;
	[smem:$0x7FF] =	sst s4  }
0x7: {  	s5 =	sadd.s32 $0x32600, s0;
	s11 =	smul.u32 $0x57E40, s12;
	s12 =	sshll.u32 s12, $0x1  }
0x8: {  	s9 =	smul.u32 $0x15F900, s2;
	s10 =	ssub.s32 $0x2, s2;
	s2 =	sor.u32 s2, s12  }
0x9: {  	s6 =	sadd.s32 $0x600, s0;
	s7 =	sadd.s32 $0x5600, s0;
	s21 =	smul.u32 $0x2880, s2  }
0xa: {  	_ =	strace $0x80000047;
	s19 =	sshrl.u32 s10, $0x1;
	s24 =	smul.u32 $0x510, s2  }
0xb: {  	s20 =	sshrl.u32 s11, $0x2;
	s2 =	smul.u32 $0x51, s2;
	s9 =	sadd.s32 s8, s9  }
0xc: {  	s8 =	sadd.s32 s8, s3;
	s9 =	sshrl.u32 s9, $0x3;
	s25 =	sshrl.u32 s21, $0x3  }
0xd: {  	s14 =	sadd.s32 s5, s24;
	s17 =	sadd.s32 $0x2, s2;
	s18 =	sadd.s32 $0x3, s2  }
0xe: {  	s0 =	sadd.s32 s9, s0;
	s9 =	ssub.s32 s10, s19;
	s10 =	sadd.s32 s20, s3  }
0xf: {  	s11 =	sadd.s32 $0x10, s25;
	s26 =	sadd.s32 $0x500, s25;
	s25 =	simm.s32 $0x80  }
0x10: {  	s22 =	sadd.s32 $0x4800, s10;
	s23 =	sadd.s32 $0x9000, s10;
	s13 =	sadd.s32 $0xD800, s10  }
0x11: {  	s10 =	sadd.s32 $0x12000, s10;
	s15 =	sadd.s32 s1, s11;
	[dreg:$0x4] =	wrdreg s22  }
0x12: {  	s16 =	sadd.s32 s5, s11;
	s19 =	sadd.s32 s1, s26;
	[dreg:$0x5] =	wrdreg s23  }
0x13: {  	s20 =	sadd.s32 s5, s26;
	s21 =	sadd.s32 $0x3C800, s0;
	[dreg:$0x6] =	wrdreg s13  }
0x14: {  	s26 =	simm.s32 $0x1;
	[dreg:$0x7] =	wrdreg s10;
	s13 =	sadd.s32 s1, s24  }
0x15: {  	v0 =	vimm.f32 $0.0e+00;
	s22 =	smax.u32 s9, $0x1;
	s23 =	simm.s32 $0x980;
	s24 =	simm.s32 $0x2  }
.LBB2_1:
0x16: {  	s0 =	simm.s32 $0xBC0  }
0x17: {  	[tilespmem:s0+$0xFFFFFDC0] =	vst v0  }
0x18: {  	[tilespmem:s0+$0x230] =	vst v0  }
0x19: {  	[tilespmem:s0+$0x220] =	vst v0  }
0x1a: {  	[tilespmem:s0+$0x210] =	vst v0  }
0x1b: {  	[tilespmem:s0+$0x200] =	vst v0  }
0x1c: {  	[tilespmem:s0+$0x1F0] =	vst v0  }
0x1d: {  	[tilespmem:s0+$0x1E0] =	vst v0  }
0x1e: {  	[tilespmem:s0+$0x1D0] =	vst v0  }
0x1f: {  	[tilespmem:s0+$0x1C0] =	vst v0  }
0x20: {  	[tilespmem:s0+$0x1B0] =	vst v0  }
0x21: {  	[tilespmem:s0+$0x1A0] =	vst v0  }
0x22: {  	[tilespmem:s0+$0x190] =	vst v0  }
0x23: {  	[tilespmem:s0+$0x180] =	vst v0  }
0x24: {  	[tilespmem:s0+$0x170] =	vst v0  }
0x25: {  	[tilespmem:s0+$0x160] =	vst v0  }
0x26: {  	[tilespmem:s0+$0x150] =	vst v0  }
0x27: {  	[tilespmem:s0+$0x140] =	vst v0  }
0x28: {  	[tilespmem:s0+$0x130] =	vst v0  }
0x29: {  	[tilespmem:s0+$0x120] =	vst v0  }
0x2a: {  	[tilespmem:s0+$0x110] =	vst v0  }
0x2b: {  	[tilespmem:s0+$0x100] =	vst v0  }
0x2c: {  	[tilespmem:s0+$0xF0] =	vst v0  }
0x2d: {  	[tilespmem:s0+$0xE0] =	vst v0  }
0x2e: {  	[tilespmem:s0+$0xD0] =	vst v0  }
0x2f: {  	[tilespmem:s0+$0xC0] =	vst v0  }
0x30: {  	[tilespmem:s0+$0xB0] =	vst v0  }
0x31: {  	[tilespmem:s0+$0xA0] =	vst v0  }
0x32: {  	[tilespmem:s0+$0x90] =	vst v0  }
0x33: {  	[tilespmem:s0+$0x80] =	vst v0  }
0x34: {  	[tilespmem:s0+$0x70] =	vst v0  }
0x35: {  	[tilespmem:s0+$0x60] =	vst v0  }
0x36: {  	[tilespmem:s0+$0x50] =	vst v0  }
0x37: {  	[tilespmem:s0+$0x40] =	vst v0  }
0x38: {  	[tilespmem:s0+$0x30] =	vst v0  }
0x39: {  	[tilespmem:s0+$0x20] =	vst v0  }
0x3a: {  	[tilespmem:s0+$0x10] =	vst v0  }
0x3b: {  	[tilespmem:s0+$0x0] =	vst v0  }
0x3c: {  	[tilespmem:s0+$0xFFFFFFF0] =	vst v0  }
0x3d: {  	[tilespmem:s0+$0xFFFFFFE0] =	vst v0  }
0x3e: {  	[tilespmem:s0+$0xFFFFFFD0] =	vst v0  }
0x3f: {  	[tilespmem:s0+$0xFFFFFFC0] =	vst v0  }
0x40: {  	[tilespmem:s0+$0xFFFFFFB0] =	vst v0  }
0x41: {  	[tilespmem:s0+$0xFFFFFFA0] =	vst v0  }
0x42: {  	[tilespmem:s0+$0xFFFFFF90] =	vst v0  }
0x43: {  	[tilespmem:s0+$0xFFFFFF80] =	vst v0  }
0x44: {  	[tilespmem:s0+$0xFFFFFF70] =	vst v0  }
0x45: {  	[tilespmem:s0+$0xFFFFFF60] =	vst v0  }
0x46: {  	[tilespmem:s0+$0xFFFFFF50] =	vst v0  }
0x47: {  	[tilespmem:s0+$0xFFFFFF40] =	vst v0  }
0x48: {  	[tilespmem:s0+$0xFFFFFF30] =	vst v0  }
0x49: {  	[tilespmem:s0+$0xFFFFFF20] =	vst v0  }
0x4a: {  	[tilespmem:s0+$0xFFFFFF10] =	vst v0  }
0x4b: {  	[tilespmem:s0+$0xFFFFFF00] =	vst v0  }
0x4c: {  	[tilespmem:s0+$0xFFFFFEF0] =	vst v0  }
0x4d: {  	[tilespmem:s0+$0xFFFFFEE0] =	vst v0  }
0x4e: {  	[tilespmem:s0+$0xFFFFFED0] =	vst v0  }
0x4f: {  	[tilespmem:s0+$0xFFFFFEC0] =	vst v0  }
0x50: {  	[tilespmem:s0+$0xFFFFFEB0] =	vst v0  }
0x51: {  	[tilespmem:s0+$0xFFFFFEA0] =	vst v0  }
0x52: {  	[tilespmem:s0+$0xFFFFFE90] =	vst v0  }
0x53: {  	[tilespmem:s0+$0xFFFFFE80] =	vst v0  }
0x54: {  	[tilespmem:s0+$0xFFFFFE70] =	vst v0  }
0x55: {  	[tilespmem:s0+$0xFFFFFE60] =	vst v0  }
0x56: {  	[tilespmem:s0+$0xFFFFFE50] =	vst v0  }
0x57: {  	[tilespmem:s0+$0xFFFFFE40] =	vst v0  }
0x58: {  	[tilespmem:s0+$0xFFFFFE30] =	vst v0  }
0x59: {  	[tilespmem:s0+$0xFFFFFE20] =	vst v0  }
0x5a: {  	[tilespmem:s0+$0xFFFFFE10] =	vst v0  }
0x5b: {  	[tilespmem:s0+$0xFFFFFE00] =	vst v0  }
0x5c: {  	[tilespmem:s0+$0xFFFFFDF0] =	vst v0  }
0x5d: {  	s2 =	simm.s32 $0x0;
	[tilespmem:s0+$0xFFFFFDE0] =	vst v0  }
.LBB2_2:
0x5e: {  	s2 =	sadd.s32 $0x8, s2;
	[tilespmem:s0+$0xFFFFFDD0] =	vst v0;
	s0 =	sadd.s32 $0x480, s0  }
0x5f: {  	[tilespmem:s0+$0xFFFFFDC0] =	vst v0;
	p0 =	slt.u32 s2, $0x78  }
0x60: {  	[tilespmem:s0+$0x230] =	vst v0  }
0x61: {  	[tilespmem:s0+$0x220] =	vst v0  }
0x62: {  	[tilespmem:s0+$0x210] =	vst v0  }
0x63: {  	[tilespmem:s0+$0x200] =	vst v0  }
0x64: {  	[tilespmem:s0+$0x1F0] =	vst v0  }
0x65: {  	[tilespmem:s0+$0x1E0] =	vst v0  }
0x66: {  	[tilespmem:s0+$0x1D0] =	vst v0  }
0x67: {  	[tilespmem:s0+$0x1C0] =	vst v0  }
0x68: {  	[tilespmem:s0+$0x1B0] =	vst v0  }
0x69: {  	[tilespmem:s0+$0x1A0] =	vst v0  }
0x6a: {  	[tilespmem:s0+$0x190] =	vst v0  }
0x6b: {  	[tilespmem:s0+$0x180] =	vst v0  }
0x6c: {  	[tilespmem:s0+$0x170] =	vst v0  }
0x6d: {  	[tilespmem:s0+$0x160] =	vst v0  }
0x6e: {  	[tilespmem:s0+$0x150] =	vst v0  }
0x6f: {  	[tilespmem:s0+$0x140] =	vst v0  }
0x70: {  	[tilespmem:s0+$0x130] =	vst v0  }
0x71: {  	[tilespmem:s0+$0x120] =	vst v0  }
0x72: {  	[tilespmem:s0+$0x110] =	vst v0  }
0x73: {  	[tilespmem:s0+$0x100] =	vst v0  }
0x74: {  	[tilespmem:s0+$0xF0] =	vst v0  }
0x75: {  	[tilespmem:s0+$0xE0] =	vst v0  }
0x76: {  	[tilespmem:s0+$0xD0] =	vst v0  }
0x77: {  	[tilespmem:s0+$0xC0] =	vst v0  }
0x78: {  	[tilespmem:s0+$0xB0] =	vst v0  }
0x79: {  	[tilespmem:s0+$0xA0] =	vst v0  }
0x7a: {  	[tilespmem:s0+$0x90] =	vst v0  }
0x7b: {  	[tilespmem:s0+$0x80] =	vst v0  }
0x7c: {  	[tilespmem:s0+$0x70] =	vst v0  }
0x7d: {  	[tilespmem:s0+$0x60] =	vst v0  }
0x7e: {  	[tilespmem:s0+$0x50] =	vst v0  }
0x7f: {  	[tilespmem:s0+$0x40] =	vst v0  }
0x80: {  	[tilespmem:s0+$0x30] =	vst v0  }
0x81: {  	[tilespmem:s0+$0x20] =	vst v0  }
0x82: {  	[tilespmem:s0+$0x10] =	vst v0  }
0x83: {  	[tilespmem:s0+$0x0] =	vst v0  }
0x84: {  	[tilespmem:s0+$0xFFFFFFF0] =	vst v0  }
0x85: {  	[tilespmem:s0+$0xFFFFFFE0] =	vst v0  }
0x86: {  	[tilespmem:s0+$0xFFFFFFD0] =	vst v0  }
0x87: {  	[tilespmem:s0+$0xFFFFFFC0] =	vst v0  }
0x88: {  	[tilespmem:s0+$0xFFFFFFB0] =	vst v0  }
0x89: {  	[tilespmem:s0+$0xFFFFFFA0] =	vst v0  }
0x8a: {  	[tilespmem:s0+$0xFFFFFF90] =	vst v0  }
0x8b: {  	[tilespmem:s0+$0xFFFFFF80] =	vst v0  }
0x8c: {  	[tilespmem:s0+$0xFFFFFF70] =	vst v0  }
0x8d: {  	[tilespmem:s0+$0xFFFFFF60] =	vst v0  }
0x8e: {  	[tilespmem:s0+$0xFFFFFF50] =	vst v0  }
0x8f: {  	[tilespmem:s0+$0xFFFFFF40] =	vst v0  }
0x90: {  	[tilespmem:s0+$0xFFFFFF30] =	vst v0  }
0x91: {  	[tilespmem:s0+$0xFFFFFF20] =	vst v0  }
0x92: {  	[tilespmem:s0+$0xFFFFFF10] =	vst v0  }
0x93: {  	[tilespmem:s0+$0xFFFFFF00] =	vst v0  }
0x94: {  	[tilespmem:s0+$0xFFFFFEF0] =	vst v0  }
0x95: {  	[tilespmem:s0+$0xFFFFFEE0] =	vst v0  }
0x96: {  	[tilespmem:s0+$0xFFFFFED0] =	vst v0  }
0x97: {  	[tilespmem:s0+$0xFFFFFEC0] =	vst v0  }
0x98: {  	[tilespmem:s0+$0xFFFFFEB0] =	vst v0  }
0x99: {  	[tilespmem:s0+$0xFFFFFEA0] =	vst v0  }
0x9a: {  	[tilespmem:s0+$0xFFFFFE90] =	vst v0  }
0x9b: {  	[tilespmem:s0+$0xFFFFFE80] =	vst v0  }
0x9c: {  	[tilespmem:s0+$0xFFFFFE70] =	vst v0  }
0x9d: {  	[tilespmem:s0+$0xFFFFFE60] =	vst v0  }
0x9e: {  	[tilespmem:s0+$0xFFFFFE50] =	vst v0  }
0x9f: {  	[tilespmem:s0+$0xFFFFFE40] =	vst v0  }
0xa0: {  	[tilespmem:s0+$0xFFFFFE30] =	vst v0  }
.Ltmp0:
0xa1: {  	[tilespmem:s0+$0xFFFFFE20] =	vst v0;
	(pc) =	sbr.rel @p0 .LBB2_2-.Ltmp0, $4  }
0xa2: {  	[tilespmem:s0+$0xFFFFFE10] =	vst v0  }
0xa3: {  	[tilespmem:s0+$0xFFFFFE00] =	vst v0  }
0xa4: {  	[tilespmem:s0+$0xFFFFFDF0] =	vst v0  }
0xa5: {  	[tilespmem:s0+$0xFFFFFDE0] =	vst v0  }
0xa6: {  	[tilespmem:s0+$0xFFFFFDD0] =	vst v0  }
0xa7: {  	[spmem:s8] =	stream.linear.scatter [tilespmem:s23], [sflag:$0x2], $0x4800, $0x38;
	[tilespmem:$0x1F910] =	vst v63  }
0xa8: {  	_ =	swait.ge [sflag:s24], $0x4800  }
0xa9: {  	[sflag:s24] =	ssyncset.done $0x0  }
0xaa: {  	s9 =	rddreg [dreg:$0x4];
	[sflag:s24] =	ssyncadd.s32 $0xFFFFB800  }
0xab: {  	[spmem:s9] =	stream.linear.scatter [tilespmem:s23], [sflag:$0x2], $0x4800, $0x38;
	[tilespmem:$0x1F910] =	vst v63  }
0xac: {  	_ =	swait.ge [sflag:s24], $0x4800  }
0xad: {  	[sflag:s24] =	ssyncset.done $0x0  }
0xae: {  	s10 =	rddreg [dreg:$0x5];
	[sflag:s24] =	ssyncadd.s32 $0xFFFFB800  }
0xaf: {  	[spmem:s10] =	stream.linear.scatter [tilespmem:s23], [sflag:$0x2], $0x4800, $0x38;
	[tilespmem:$0x1F910] =	vst v63  }
0xb0: {  	_ =	swait.ge [sflag:s24], $0x4800  }
0xb1: {  	[sflag:s24] =	ssyncset.done $0x0  }
0xb2: {  	s11 =	rddreg [dreg:$0x6];
	[sflag:s24] =	ssyncadd.s32 $0xFFFFB800  }
0xb3: {  	[spmem:s11] =	stream.linear.scatter [tilespmem:s23], [sflag:$0x2], $0x4800, $0x38;
	[tilespmem:$0x1F910] =	vst v63  }
0xb4: {  	_ =	swait.ge [sflag:s24], $0x4800  }
0xb5: {  	[sflag:s24] =	ssyncset.done $0x0  }
0xb6: {  	s12 =	rddreg [dreg:$0x7];
	[sflag:s24] =	ssyncadd.s32 $0xFFFFB800  }
0xb7: {  	[spmem:s12] =	stream.linear.scatter [tilespmem:s23], [sflag:$0x2], $0x3F90, $0x38;
	[tilespmem:$0x1F910] =	vst v63  }
0xb8: {  	_ =	swait.ge [sflag:s24], $0x3F90  }
0xb9: {  	[sflag:s24] =	ssyncset.done $0x0  }
0xba: {  	[sflag:s24] =	ssyncadd.s32 $0xFFFFC070  }
0xbb: {  	[bflag:$0x0] =	sbarrier.arrive $0xFFFF  }
0xbc: {  	[tilespmem:s4], [sflag:$0x2] =	stream.linear.gather [hbm4b:s13+s4], $0x80, $0x38;
	[tilespmem:$0x1F910] =	vst v63  }
0xbd: {  	_ =	swait.ge [sflag:s24], $0x80  }
0xbe: {  	[sflag:s24] =	ssyncset.done $0x0  }
0xbf: {  	[sflag:s24] =	ssyncadd.s32 $0xFFFFFF80  }
0xc0: {  	[tilespmem:s25], [sflag:$0x2] =	stream.linear.gather [hbm4b:s14+s4], $0x80, $0x38;
	[tilespmem:$0x1F910] =	vst v63  }
0xc1: {  	_ =	swait.ge [sflag:s24], $0x80  }
0xc2: {  	[sflag:s24] =	ssyncset.done $0x0  }
0xc3: {  	[sflag:s24] =	ssyncadd.s32 $0xFFFFFF80  }
0xc4: {  	[tilespmem:s23], [sflag:$0x1] =	stream.indirect.gather [hbm4b:s7+s25], $0x90, s4, s25, $0xb8;
	[tilespmem:$0x1F910] =	vst v63  }
0xc5: {  	_ =	swait.ge [sflag:s26], $0x4800  }
0xc6: {  	[sflag:s26] =	ssyncset.done $0x0  }
0xc7: {  	[sflag:s26] =	ssyncadd.s32 $0xFFFFB800  }
0xc8: {  	[tilespmem:s28], [sflag:$0x1] =	stream.indirect.gather [hbm4b:s6+s25], $0x10, s25, s25, $0xb8;
	[tilespmem:$0x1F910] =	vst v63  }
0xc9: {  	_ =	swait.ge [sflag:s26], $0x800  }
0xca: {  	[sflag:s26] =	ssyncset.done $0x0  }
0xcb: {  	[sflag:s26] =	ssyncadd.s32 $0xFFFFF800  }
0xcc: {  	[tilespmem:s4], [sflag:$0x2] =	stream.linear.gather [hbm4b:s15+s4], $0x80, $0x38;
	[tilespmem:$0x1F910] =	vst v63  }
0xcd: {  	_ =	swait.ge [sflag:s24], $0x80  }
0xce: {  	[sflag:s24] =	ssyncset.done $0x0  }
0xcf: {  	[sflag:s24] =	ssyncadd.s32 $0xFFFFFF80  }
0xd0: {  	[tilespmem:s29], [sflag:$0x2] =	stream.linear.gather [hbm4b:s16+s4], $0x80, $0x38;
	[tilespmem:$0x1F910] =	vst v63  }
0xd1: {  	_ =	swait.ge [sflag:s24], $0x80  }
0xd2: {  	[sflag:s24] =	ssyncset.done $0x0  }
0xd3: {  	s2 =	simm.s32 $0xAA0;
	[sflag:s24] =	ssyncadd.s32 $0xFFFFFF80  }
0xd4: {  	[tilespmem:s30], [sflag:$0x1] =	stream.indirect.gather [hbm4b:s7+s25], $0x90, s4, s25, $0xb8;
	[tilespmem:$0x1F910] =	vst v63  }
0xd5: {  	s9 =	simm.s32 $0x1A0;
	v1 =	vld [tilespmem:s2+$0x110]  }
0xd6: {  	v2 =	vld [tilespmem:s9+$0x10]  }
0xd7: {  	v3 =	vld [tilespmem:s9+$0xFFFFFFE0]  }
0xd8: {  	v4 =	vld [tilespmem:s2+$0xFFFFFFF0]  }
0xd9: {  	v6 =	vld [tilespmem:s9+$0xFFFFFFF0]  }
0xda: {  	v8 =	vld [tilespmem:s2+$0x80]  }
0xdb: {  	v9 =	vld [tilespmem:s9+$0x0];
	v1 =	vadd.f32 v2, v1  }
0xdc: {  	v35 =	vld [tilespmem:s2+$0xFFFFFEE0]  }
0xdd: {  	v5 =	vld [tilespmem:s2+$0xFFFFFEF0];
	v7 =	vmul.f32 $2.000000030e-01, v1  }
0xde: {  	v2 =	vld [tilespmem:s2+$0xFFFFFF60]  }
0xdf: {  	v11 =	vld [tilespmem:s2+$0xFFFFFF50];
	v4 =	vadd.f32 v6, v4;
	v1 =	vmax.f32 v1, v7  }
0xe0: {  	v13 =	vld [tilespmem:s2+$0xFFFFFF80];
	v1 =	vmul.f32 $1.442695020e+00, v1  }
0xe1: {  	v14 =	vld [tilespmem:s2+$0xFFFFFF90];
	v10 =	vmul.f32 $2.000000030e-01, v4  }
0xe2: {  	v15 =	vld [tilespmem:s2+$0xFFFFFFA0];
	(erf) = vpow2.f32 v1  }
0xe3: {  	v21 =	vld [tilespmem:s2+$0x100];
	v12 =	vadd.f32 v9, v8;
	v2 =	vadd.f32 v3, v2;
	v3 =	vmax.f32 v4, v10  }
0xe4: {  	v17 =	vld [tilespmem:s2+$0xFFFFFFB0];
	v3 =	vmul.f32 $1.442695020e+00, v3  }
0xe5: {  	v16 =	vld [tilespmem:s2+$0xFFFFFFC0];
	v4 =	vmul.f32 $2.000000030e-01, v12  }
0xe6: {  	v18 =	vld [tilespmem:s2+$0xFFFFFFD0];
	v1 =	vmul.f32 $2.000000030e-01, v2;
	(erf) = vpow2.f32 v3  }
0xe7: {  	v19 =	vld [tilespmem:s2+$0xFFFFFFE0];
	v4 =	vmax.f32 v12, v4  }
0xe8: {  	v20 =	vld [tilespmem:s2+$0x0];
	v1 =	vmax.f32 v2, v1;
	v2 =	vmul.f32 $1.442695020e+00, v4  }
0xe9: {  	v25 =	vld [tilespmem:s2+$0x30];
	v1 =	vmul.f32 $1.442695020e+00, v1  }
0xea: {  	v26 =	vld [tilespmem:s2+$0x40];
	(erf) = vpow2.f32 v2  }
0xeb: {  	v33 =	vld [tilespmem:s2+$0x50];
	(erf) = vpow2.f32 v1;
	v36 =	vpop (erf)  }
0xec: {  	v29 =	vld [tilespmem:s2+$0x60];
	v3 =	vbroadcast v36, $0x0;
	v22 =	vbroadcast v36, $0x7  }
0xed: {  	v27 =	vld [tilespmem:s2+$0xA0];
	v4 =	vbroadcast v36, $0x1;
	v2 =	vbroadcast v36, $0x2  }
0xee: {  	v24 =	vld [tilespmem:s2+$0xB0];
	v1 =	vbroadcast v36, $0x3;
	v34 =	vbroadcast v36, $0x4  }
0xef: {  	v37 =	vld [tilespmem:s2+$0x70];
	v31 =	vpop (erf);
	[tilespmem:s2+$0x110] =	vst v36;
	v32 =	vbroadcast v36, $0x5;
	v36 =	vbroadcast v36, $0x6  }
0xf0: {  	v28 =	vld [tilespmem:s2+$0xC0];
	v43 =	vbroadcast v31, $0x0;
	v39 =	vbroadcast v31, $0x1  }
0xf1: {  	v6 =	vld [tilespmem:s2+$0xFFFFFF00];
	v42 =	vbroadcast v31, $0x2;
	v38 =	vbroadcast v31, $0x3  }
0xf2: {  	v9 =	vld [tilespmem:s2+$0xFFFFFF20];
	v44 =	vbroadcast v31, $0x4;
	v40 =	vbroadcast v31, $0x5  }
0xf3: {  	v8 =	vld [tilespmem:s2+$0xFFFFFF30];
	v54 =	vbroadcast v31, $0x6;
	v52 =	vbroadcast v31, $0x7;
	v41 =	vpop (erf)  }
0xf4: {  	v7 =	vld [tilespmem:s2+$0xFFFFFF10];
	v23 =	vmul.f32 v21, v22;
	v53 =	vbroadcast v41, $0x0  }
0xf5: {  	v10 =	vld [tilespmem:s2+$0xFFFFFF40];
	v50 =	vbroadcast v41, $0x1;
	v51 =	vbroadcast v41, $0x2  }
0xf6: {  	v12 =	vld [tilespmem:s2+$0xFFFFFF70];
	v49 =	vbroadcast v41, $0x3;
	v48 =	vbroadcast v41, $0x4  }
0xf7: {  	[tilespmem:s2+$0xFFFFFFF0] =	vst v31;
	v31 =	vld [tilespmem:s2+$0xE0];
	v30 =	vpop (erf);
	v47 =	vbroadcast v41, $0x5;
	v46 =	vbroadcast v41, $0x6  }
0xf8: {  	v21 =	vld [tilespmem:s2+$0x10];
	v62 =	vbroadcast v30, $0x0;
	v58 =	vbroadcast v30, $0x1  }
0xf9: {  	v22 =	vld [tilespmem:s2+$0x20];
	v61 =	vbroadcast v30, $0x2;
	v57 =	vbroadcast v30, $0x3  }
0xfa: {  	[tilespmem:s2+$0x100] =	vst v23;
	v23 =	vld [tilespmem:s2+$0x90];
	v60 =	vbroadcast v30, $0x4;
	v56 =	vbroadcast v30, $0x5  }
0xfb: {  	v59 =	vbroadcast v30, $0x6;
	v55 =	vbroadcast v30, $0x7;
	[tilespmem:s2+$0xFFFFFF60] =	vst v30;
	v30 =	vld [tilespmem:s2+$0xD0]  }
0xfc: {  	s10 =	simm.s32 $0x0;
	s11 =	simm.s32 $0xCE0;
	v45 =	vbroadcast v41, $0x7;
	[tilespmem:s2+$0x80] =	vst v41;
	v41 =	vmul.f32 v62, v35;
	v35 =	vld [tilespmem:s2+$0xF0]  }
.LBB2_4:
0xfd: {  	v62 =	vld [tilespmem:s11+$0x110];
	v5 =	vmul.f32 v58, v5;
	v6 =	vmul.f32 v61, v6;
	s9 =	sadd.s32 $0x40, s9  }
0xfe: {  	s10 =	sadd.s32 $0x4, s10;
	v7 =	vmul.f32 v7, v57;
	v9 =	vmul.f32 v9, v60;
	v58 =	vld [tilespmem:s9+$0x10];
	[tilespmem:s2+$0xFFFFFEE0] =	vst v41  }
0xff: {  	p0 =	slt.u32 s10, $0x7C;
	v57 =	vld [tilespmem:s9+$0xFFFFFFE0];
	[tilespmem:s2+$0xFFFFFEF0] =	vst v5;
	v5 =	vmul.f32 v8, v56;
	v8 =	vmul.f32 v10, v59  }
0x100: {  	v10 =	vld [tilespmem:s11+$0xFFFFFFF0];
	[tilespmem:s2+$0xFFFFFF00] =	vst v6;
	v6 =	vmul.f32 v11, v55;
	v11 =	vmul.f32 v43, v12  }
0x101: {  	v12 =	vld [tilespmem:s9+$0xFFFFFFF0];
	[tilespmem:s2+$0xFFFFFF10] =	vst v7;
	v7 =	vmul.f32 v39, v13;
	v13 =	vmul.f32 v42, v14  }
0x102: {  	v15 =	vmul.f32 v15, v38;
	v17 =	vmul.f32 v17, v44;
	v14 =	vld [tilespmem:s11+$0x80];
	[tilespmem:s2+$0xFFFFFF20] =	vst v9  }
0x103: {  	v16 =	vmul.f32 v16, v40;
	v18 =	vmul.f32 v18, v54;
	v9 =	vld [tilespmem:s9+$0x0];
	v38 =	vadd.f32 v58, v62;
	[tilespmem:s2+$0xFFFFFF30] =	vst v5  }
0x104: {  	v19 =	vmul.f32 v19, v52;
	v20 =	vmul.f32 v53, v20;
	v39 =	vld [tilespmem:s11+$0xFFFFFF60];
	[tilespmem:s2+$0xFFFFFF40] =	vst v8  }
0x105: {  	v21 =	vmul.f32 v50, v21;
	v41 =	vld [tilespmem:s11+$0xFFFFFEE0];
	v8 =	vmul.f32 $2.000000030e-01, v38;
	[tilespmem:s2+$0xFFFFFF50] =	vst v6  }
0x106: {  	v22 =	vmul.f32 v51, v22;
	v25 =	vmul.f32 v25, v49;
	v5 =	vld [tilespmem:s11+$0xFFFFFEF0];
	v10 =	vadd.f32 v12, v10;
	[tilespmem:s2+$0xFFFFFF70] =	vst v11  }
0x107: {  	v26 =	vmul.f32 v26, v48;
	v33 =	vmul.f32 v33, v47;
	v6 =	vld [tilespmem:s11+$0xFFFFFF00];
	v8 =	vmax.f32 v38, v8;
	[tilespmem:s2+$0xFFFFFF80] =	vst v7  }
0x108: {  	v7 =	vld [tilespmem:s11+$0xFFFFFF10];
	v11 =	vmul.f32 $2.000000030e-01, v10;
	v12 =	vadd.f32 v9, v14;
	v14 =	vmul.f32 $1.442695020e+00, v8;
	[tilespmem:s2+$0xFFFFFF90] =	vst v13  }
0x109: {  	v29 =	vmul.f32 v29, v46;
	v37 =	vmul.f32 v37, v45;
	v13 =	vadd.f32 v57, v39;
	v9 =	vld [tilespmem:s11+$0xFFFFFF20];
	[tilespmem:s2+$0xFFFFFFA0] =	vst v15  }
0x10a: {  	v8 =	vld [tilespmem:s11+$0xFFFFFF30];
	v11 =	vmax.f32 v10, v11;
	v15 =	vmul.f32 $2.000000030e-01, v12;
	(erf) = vpow2.f32 v14;
	[tilespmem:s2+$0xFFFFFFB0] =	vst v17  }
0x10b: {  	v14 =	vmul.f32 $2.000000030e-01, v13;
	v10 =	vld [tilespmem:s11+$0xFFFFFF40];
	v17 =	vmul.f32 $1.442695020e+00, v11;
	[tilespmem:s2+$0xFFFFFFC0] =	vst v16  }
0x10c: {  	v23 =	vmul.f32 v3, v23;
	v27 =	vmul.f32 v4, v27;
	v11 =	vld [tilespmem:s11+$0xFFFFFF50];
	v15 =	vmax.f32 v12, v15;
	[tilespmem:s2+$0xFFFFFFD0] =	vst v18  }
0x10d: {  	v3 =	vmax.f32 v13, v14;
	v12 =	vld [tilespmem:s11+$0xFFFFFF70];
	v4 =	vmul.f32 $1.442695020e+00, v15;
	(erf) = vpow2.f32 v17;
	[tilespmem:s2+$0xFFFFFFE0] =	vst v19  }
0x10e: {  	v24 =	vmul.f32 v2, v24;
	v3 =	vmul.f32 $1.442695020e+00, v3;
	v13 =	vld [tilespmem:s11+$0xFFFFFF80];
	[tilespmem:s2+$0x0] =	vst v20  }
0x10f: {  	v28 =	vmul.f32 v28, v1;
	v14 =	vld [tilespmem:s11+$0xFFFFFF90];
	(erf) = vpow2.f32 v4;
	[tilespmem:s2+$0x10] =	vst v21  }
0x110: {  	v30 =	vmul.f32 v30, v34;
	v15 =	vld [tilespmem:s11+$0xFFFFFFA0];
	(erf) = vpow2.f32 v3;
	[tilespmem:s2+$0x20] =	vst v22  }
0x111: {  	v31 =	vmul.f32 v31, v32;
	v32 =	vmul.f32 v35, v36;
	v21 =	vld [tilespmem:s11+$0x100];
	[tilespmem:s2+$0x30] =	vst v25  }
0x112: {  	v17 =	vld [tilespmem:s11+$0xFFFFFFB0];
	[tilespmem:s2+$0x40] =	vst v26  }
0x113: {  	v16 =	vld [tilespmem:s11+$0xFFFFFFC0];
	v36 =	vpop (erf);
	[tilespmem:s2+$0x50] =	vst v33  }
0x114: {  	v18 =	vld [tilespmem:s11+$0xFFFFFFD0];
	v3 =	vbroadcast v36, $0x0;
	v22 =	vbroadcast v36, $0x7;
	[tilespmem:s2+$0x60] =	vst v29  }
0x115: {  	v4 =	vbroadcast v36, $0x1;
	v2 =	vbroadcast v36, $0x2;
	v19 =	vld [tilespmem:s11+$0xFFFFFFE0];
	[tilespmem:s2+$0x70] =	vst v37  }
0x116: {  	v1 =	vbroadcast v36, $0x3;
	v20 =	vld [tilespmem:s11+$0x0];
	v25 =	vmul.f32 v21, v22;
	v34 =	vpop (erf);
	[tilespmem:s2+$0x90] =	vst v23  }
0x117: {  	v43 =	vbroadcast v34, $0x0;
	v39 =	vbroadcast v34, $0x1;
	v21 =	vld [tilespmem:s11+$0x10];
	[tilespmem:s2+$0xA0] =	vst v27  }
0x118: {  	s0 =	simm.s32 $0x0;
	v42 =	vbroadcast v34, $0x2;
	v38 =	vbroadcast v34, $0x3;
	v22 =	vld [tilespmem:s11+$0x20];
	[tilespmem:s11+$0x100] =	vst v25;
	v35 =	vpop (erf)  }
0x119: {  	v44 =	vbroadcast v34, $0x4;
	v40 =	vbroadcast v34, $0x5;
	v25 =	vld [tilespmem:s11+$0x30];
	v23 =	vpop (erf);
	[tilespmem:s2+$0xB0] =	vst v24  }
0x11a: {  	v62 =	vbroadcast v23, $0x0;
	v58 =	vbroadcast v23, $0x1;
	v26 =	vld [tilespmem:s11+$0x40];
	[tilespmem:s2+$0xC0] =	vst v28  }
0x11b: {  	v61 =	vbroadcast v23, $0x2;
	v57 =	vbroadcast v23, $0x3;
	v33 =	vld [tilespmem:s11+$0x50];
	[tilespmem:s2+$0xD0] =	vst v30  }
0x11c: {  	v60 =	vbroadcast v23, $0x4;
	v56 =	vbroadcast v23, $0x5;
	v29 =	vld [tilespmem:s11+$0x60];
	[tilespmem:s2+$0xE0] =	vst v31  }
0x11d: {  	v59 =	vbroadcast v23, $0x6;
	v55 =	vbroadcast v23, $0x7;
	v37 =	vld [tilespmem:s11+$0x70];
	[tilespmem:s2+$0xF0] =	vst v32;
	s2 =	smov.u32 s11  }
0x11e: {  	v54 =	vbroadcast v34, $0x6;
	v52 =	vbroadcast v34, $0x7;
	[tilespmem:s11+$0xFFFFFF60] =	vst v23;
	v23 =	vld [tilespmem:s11+$0x90]  }
0x11f: {  	v53 =	vbroadcast v35, $0x0;
	v50 =	vbroadcast v35, $0x1;
	[tilespmem:s11+$0xFFFFFFF0] =	vst v34;
	v27 =	vld [tilespmem:s11+$0xA0]  }
.Ltmp1:
0x120: {  	v51 =	vbroadcast v35, $0x2;
	v49 =	vbroadcast v35, $0x3;
	[tilespmem:s11+$0x80] =	vst v35;
	v24 =	vld [tilespmem:s11+$0xB0];
	(pc) =	sbr.rel @p0 .LBB2_4-.Ltmp1, $4  }
0x121: {  	v48 =	vbroadcast v35, $0x4;
	v47 =	vbroadcast v35, $0x5;
	[tilespmem:s11+$0x110] =	vst v36;
	v28 =	vld [tilespmem:s11+$0xC0]  }
0x122: {  	v46 =	vbroadcast v35, $0x6;
	v45 =	vbroadcast v35, $0x7;
	v30 =	vld [tilespmem:s11+$0xD0]  }
0x123: {  	v32 =	vbroadcast v36, $0x5;
	v34 =	vbroadcast v36, $0x4;
	v31 =	vld [tilespmem:s11+$0xE0]  }
0x124: {  	v41 =	vmul.f32 v62, v41;
	v36 =	vbroadcast v36, $0x6;
	s11 =	sadd.s32 $0x240, s11;
	v35 =	vld [tilespmem:s2+$0xF0]  }
0x125: {  	v5 =	vmul.f32 v58, v5  }
0x126: {  	v6 =	vmul.f32 v61, v6;
	[tilespmem:s2+$0xFFFFFEE0] =	vst v41  }
0x127: {  	v7 =	vmul.f32 v7, v57;
	[tilespmem:s2+$0xFFFFFEF0] =	vst v5  }
0x128: {  	v63 =	vmul.f32 v9, v60;
	[tilespmem:s2+$0xFFFFFF00] =	vst v6  }
0x129: {  	v9 =	vmul.f32 v8, v56;
	[tilespmem:s2+$0xFFFFFF10] =	vst v7  }
0x12a: {  	v10 =	vmul.f32 v10, v59;
	[tilespmem:s2+$0xFFFFFF20] =	vst v63  }
0x12b: {  	v11 =	vmul.f32 v11, v55;
	[tilespmem:s2+$0xFFFFFF30] =	vst v9  }
0x12c: {  	v12 =	vmul.f32 v43, v12;
	[tilespmem:s2+$0xFFFFFF40] =	vst v10  }
0x12d: {  	v39 =	vmul.f32 v39, v13;
	[tilespmem:s2+$0xFFFFFF50] =	vst v11  }
0x12e: {  	v43 =	vmul.f32 v17, v44;
	[tilespmem:s2+$0xFFFFFF70] =	vst v12  }
0x12f: {  	v44 =	vmul.f32 v16, v40;
	[tilespmem:s2+$0xFFFFFF80] =	vst v39  }
0x130: {  	v54 =	vmul.f32 v18, v54;
	[tilespmem:s2+$0xFFFFFFB0] =	vst v43  }
0x131: {  	v55 =	vmul.f32 v19, v52;
	[tilespmem:s2+$0xFFFFFFC0] =	vst v44  }
0x132: {  	v56 =	vmul.f32 v53, v20;
	[tilespmem:s2+$0xFFFFFFD0] =	vst v54  }
0x133: {  	v57 =	vmul.f32 v50, v21;
	[tilespmem:s2+$0xFFFFFFE0] =	vst v55  }
0x134: {  	v58 =	vmul.f32 v51, v22;
	[tilespmem:s2+$0x0] =	vst v56  }
0x135: {  	v59 =	vmul.f32 v25, v49;
	[tilespmem:s2+$0x10] =	vst v57  }
0x136: {  	v60 =	vmul.f32 v26, v48;
	[tilespmem:s2+$0x20] =	vst v58  }
0x137: {  	v61 =	vmul.f32 v33, v47;
	[tilespmem:s2+$0x30] =	vst v59  }
0x138: {  	v62 =	vmul.f32 v29, v46;
	[tilespmem:s2+$0x40] =	vst v60  }
0x139: {  	v3 =	vmul.f32 v3, v23;
	[tilespmem:s2+$0x50] =	vst v61  }
0x13a: {  	v4 =	vmul.f32 v4, v27;
	[tilespmem:s2+$0x60] =	vst v62  }
0x13b: {  	v2 =	vmul.f32 v2, v24;
	[tilespmem:s2+$0x90] =	vst v3  }
0x13c: {  	v41 =	vmul.f32 v42, v14;
	[tilespmem:s2+$0xA0] =	vst v4  }
0x13d: {  	v42 =	vmul.f32 v15, v38;
	[tilespmem:s2+$0xB0] =	vst v2  }
0x13e: {  	v1 =	vmul.f32 v28, v1;
	[tilespmem:s2+$0xFFFFFF90] =	vst v41  }
0x13f: {  	v63 =	vmul.f32 v37, v45;
	[tilespmem:s2+$0xFFFFFFA0] =	vst v42  }
0x140: {  	v3 =	vmul.f32 v30, v34;
	[tilespmem:s2+$0xC0] =	vst v1  }
0x141: {  	v2 =	vmul.f32 v31, v32;
	[tilespmem:s2+$0x70] =	vst v63  }
0x142: {  	v1 =	vmul.f32 v35, v36;
	[tilespmem:s2+$0xD0] =	vst v3  }
0x143: {  	[tilespmem:s2+$0xE0] =	vst v2  }
0x144: {  	[tilespmem:s2+$0xF0] =	vst v1  }
.LBB2_6:
0x145: {  	_ =	swait.ge [sflag:s26], $0x4800  }
0x146: {  	[sflag:s26] =	ssyncset.done $0x0  }
0x147: {  	[sflag:s26] =	ssyncadd.s32 $0xFFFFB800  }
0x148: {  	[tilespmem:s28], [sflag:$0x1] =	stream.indirect.gather [hbm4b:s6+s25], $0x10, s29, s25, $0xb8;
	[tilespmem:$0x1F910] =	vst v63  }
0x149: {  	_ =	swait.ge [sflag:s26], $0x800  }
0x14a: {  	s2 =	sshll.u32 s0, $0x1;
	[sflag:s26] =	ssyncset.done $0x0  }
0x14b: {  	s9 =	sadd.s32 s2, s17;
	[sflag:s26] =	ssyncadd.s32 $0xFFFFF800  }
0x14c: {  	[spmem:s3] =	stream.indirect.scatter.add.f32 [tilespmem:s23], [sflag:$0x2], $0x90, s25, s25, $0xb8;
	[tilespmem:$0x1F910] =	vst v63  }
0x14d: {  	s9 =	sshll.u32 s9, $0x4;
	_ =	swait.ge [sflag:s24], $0x4800  }
0x14e: {  	s9 =	sand.u32 $0x1FFFFFF0, s9;
	[sflag:s24] =	ssyncset.done $0x0  }
0x14f: {  	s10 =	sadd.s32 s1, s9;
	[sflag:s24] =	ssyncadd.s32 $0xFFFFB800  }
0x150: {  	[tilespmem:s4], [sflag:$0x2] =	stream.linear.gather [hbm4b:s10+s4], $0x80, $0x38;
	[tilespmem:$0x1F910] =	vst v63  }
0x151: {  	_ =	swait.ge [sflag:s24], $0x80  }
0x152: {  	[sflag:s24] =	ssyncset.done $0x0  }
0x153: {  	s9 =	sadd.s32 s5, s9;
	[sflag:s24] =	ssyncadd.s32 $0xFFFFFF80  }
0x154: {  	[tilespmem:s25], [sflag:$0x2] =	stream.linear.gather [hbm4b:s9+s4], $0x80, $0x38;
	[tilespmem:$0x1F910] =	vst v63  }
0x155: {  	_ =	swait.ge [sflag:s24], $0x80  }
0x156: {  	[sflag:s24] =	ssyncset.done $0x0  }
0x157: {  	s9 =	simm.s32 $0x52A0;
	[sflag:s24] =	ssyncadd.s32 $0xFFFFFF80  }
0x158: {  	[tilespmem:s23], [sflag:$0x1] =	stream.indirect.gather [hbm4b:s7+s25], $0x90, s4, s25, $0xb8;
	[tilespmem:$0x1F910] =	vst v63  }
0x159: {  	s10 =	simm.s32 $0x1A0;
	v1 =	vld [tilespmem:s9+$0x110]  }
0x15a: {  	v2 =	vld [tilespmem:s10+$0x10]  }
0x15b: {  	v3 =	vld [tilespmem:s10+$0xFFFFFFE0]  }
0x15c: {  	v4 =	vld [tilespmem:s9+$0xFFFFFFF0]  }
0x15d: {  	v6 =	vld [tilespmem:s10+$0xFFFFFFF0]  }
0x15e: {  	v8 =	vld [tilespmem:s9+$0x80]  }
0x15f: {  	v9 =	vld [tilespmem:s10+$0x0];
	v1 =	vadd.f32 v2, v1  }
0x160: {  	v35 =	vld [tilespmem:s9+$0xFFFFFEE0]  }
0x161: {  	v5 =	vld [tilespmem:s9+$0xFFFFFEF0];
	v7 =	vmul.f32 $2.000000030e-01, v1  }
0x162: {  	v2 =	vld [tilespmem:s9+$0xFFFFFF60]  }
0x163: {  	v11 =	vld [tilespmem:s9+$0xFFFFFF50];
	v4 =	vadd.f32 v6, v4;
	v1 =	vmax.f32 v1, v7  }
0x164: {  	v13 =	vld [tilespmem:s9+$0xFFFFFF80];
	v1 =	vmul.f32 $1.442695020e+00, v1  }
0x165: {  	v14 =	vld [tilespmem:s9+$0xFFFFFF90];
	v10 =	vmul.f32 $2.000000030e-01, v4  }
0x166: {  	v15 =	vld [tilespmem:s9+$0xFFFFFFA0];
	(erf) = vpow2.f32 v1  }
0x167: {  	v21 =	vld [tilespmem:s9+$0x100];
	v12 =	vadd.f32 v9, v8;
	v2 =	vadd.f32 v3, v2;
	v3 =	vmax.f32 v4, v10  }
0x168: {  	v17 =	vld [tilespmem:s9+$0xFFFFFFB0];
	v3 =	vmul.f32 $1.442695020e+00, v3  }
0x169: {  	v16 =	vld [tilespmem:s9+$0xFFFFFFC0];
	v4 =	vmul.f32 $2.000000030e-01, v12  }
0x16a: {  	v18 =	vld [tilespmem:s9+$0xFFFFFFD0];
	v1 =	vmul.f32 $2.000000030e-01, v2;
	(erf) = vpow2.f32 v3  }
0x16b: {  	v19 =	vld [tilespmem:s9+$0xFFFFFFE0];
	v4 =	vmax.f32 v12, v4  }
0x16c: {  	v20 =	vld [tilespmem:s9+$0x0];
	v1 =	vmax.f32 v2, v1;
	v2 =	vmul.f32 $1.442695020e+00, v4  }
0x16d: {  	v25 =	vld [tilespmem:s9+$0x30];
	v1 =	vmul.f32 $1.442695020e+00, v1  }
0x16e: {  	v26 =	vld [tilespmem:s9+$0x40];
	(erf) = vpow2.f32 v2  }
0x16f: {  	v33 =	vld [tilespmem:s9+$0x50];
	(erf) = vpow2.f32 v1;
	v36 =	vpop (erf)  }
0x170: {  	v29 =	vld [tilespmem:s9+$0x60];
	v3 =	vbroadcast v36, $0x0;
	v22 =	vbroadcast v36, $0x7  }
0x171: {  	v27 =	vld [tilespmem:s9+$0xA0];
	v4 =	vbroadcast v36, $0x1;
	v2 =	vbroadcast v36, $0x2  }
0x172: {  	v24 =	vld [tilespmem:s9+$0xB0];
	v1 =	vbroadcast v36, $0x3;
	v34 =	vbroadcast v36, $0x4  }
0x173: {  	v37 =	vld [tilespmem:s9+$0x70];
	v31 =	vpop (erf);
	[tilespmem:s9+$0x110] =	vst v36;
	v32 =	vbroadcast v36, $0x5;
	v36 =	vbroadcast v36, $0x6  }
0x174: {  	v28 =	vld [tilespmem:s9+$0xC0];
	v43 =	vbroadcast v31, $0x0;
	v40 =	vbroadcast v31, $0x1  }
0x175: {  	v6 =	vld [tilespmem:s9+$0xFFFFFF00];
	v42 =	vbroadcast v31, $0x2;
	v38 =	vbroadcast v31, $0x3  }
0x176: {  	v9 =	vld [tilespmem:s9+$0xFFFFFF20];
	v44 =	vbroadcast v31, $0x4;
	v39 =	vbroadcast v31, $0x5  }
0x177: {  	v8 =	vld [tilespmem:s9+$0xFFFFFF30];
	v54 =	vbroadcast v31, $0x6;
	v52 =	vbroadcast v31, $0x7;
	v41 =	vpop (erf)  }
0x178: {  	v7 =	vld [tilespmem:s9+$0xFFFFFF10];
	v23 =	vmul.f32 v21, v22;
	v53 =	vbroadcast v41, $0x0  }
0x179: {  	v10 =	vld [tilespmem:s9+$0xFFFFFF40];
	v50 =	vbroadcast v41, $0x1;
	v51 =	vbroadcast v41, $0x2  }
0x17a: {  	v12 =	vld [tilespmem:s9+$0xFFFFFF70];
	v49 =	vbroadcast v41, $0x3;
	v48 =	vbroadcast v41, $0x4  }
0x17b: {  	[tilespmem:s9+$0xFFFFFFF0] =	vst v31;
	v31 =	vld [tilespmem:s9+$0xE0];
	v30 =	vpop (erf);
	v47 =	vbroadcast v41, $0x5;
	v46 =	vbroadcast v41, $0x6  }
0x17c: {  	v21 =	vld [tilespmem:s9+$0x10];
	v62 =	vbroadcast v30, $0x0;
	v58 =	vbroadcast v30, $0x1  }
0x17d: {  	v22 =	vld [tilespmem:s9+$0x20];
	v61 =	vbroadcast v30, $0x2;
	v57 =	vbroadcast v30, $0x3  }
0x17e: {  	[tilespmem:s9+$0x100] =	vst v23;
	v23 =	vld [tilespmem:s9+$0x90];
	v60 =	vbroadcast v30, $0x4;
	v56 =	vbroadcast v30, $0x5  }
0x17f: {  	v59 =	vbroadcast v30, $0x6;
	v55 =	vbroadcast v30, $0x7;
	[tilespmem:s9+$0xFFFFFF60] =	vst v30;
	v30 =	vld [tilespmem:s9+$0xD0]  }
0x180: {  	s11 =	simm.s32 $0x0;
	s12 =	simm.s32 $0x54E0;
	v45 =	vbroadcast v41, $0x7;
	[tilespmem:s9+$0x80] =	vst v41;
	v41 =	vmul.f32 v62, v35;
	v35 =	vld [tilespmem:s9+$0xF0]  }
.LBB2_7:
0x181: {  	v62 =	vld [tilespmem:s12+$0x110];
	v5 =	vmul.f32 v58, v5;
	v6 =	vmul.f32 v61, v6;
	s10 =	sadd.s32 $0x40, s10  }
0x182: {  	s11 =	sadd.s32 $0x4, s11;
	v7 =	vmul.f32 v7, v57;
	v9 =	vmul.f32 v9, v60;
	v58 =	vld [tilespmem:s10+$0x10];
	[tilespmem:s9+$0xFFFFFEE0] =	vst v41  }
0x183: {  	p0 =	slt.u32 s11, $0x7C;
	v57 =	vld [tilespmem:s10+$0xFFFFFFE0];
	[tilespmem:s9+$0xFFFFFEF0] =	vst v5;
	v5 =	vmul.f32 v8, v56;
	v8 =	vmul.f32 v10, v59  }
0x184: {  	v10 =	vld [tilespmem:s12+$0xFFFFFFF0];
	[tilespmem:s9+$0xFFFFFF00] =	vst v6;
	v6 =	vmul.f32 v11, v55;
	v11 =	vmul.f32 v43, v12  }
0x185: {  	v12 =	vld [tilespmem:s10+$0xFFFFFFF0];
	[tilespmem:s9+$0xFFFFFF10] =	vst v7;
	v7 =	vmul.f32 v40, v13;
	v13 =	vmul.f32 v42, v14  }
0x186: {  	v15 =	vmul.f32 v15, v38;
	v17 =	vmul.f32 v17, v44;
	v14 =	vld [tilespmem:s12+$0x80];
	[tilespmem:s9+$0xFFFFFF20] =	vst v9  }
0x187: {  	v16 =	vmul.f32 v16, v39;
	v18 =	vmul.f32 v18, v54;
	v9 =	vld [tilespmem:s10+$0x0];
	v38 =	vadd.f32 v58, v62;
	[tilespmem:s9+$0xFFFFFF30] =	vst v5  }
0x188: {  	v19 =	vmul.f32 v19, v52;
	v20 =	vmul.f32 v53, v20;
	v39 =	vld [tilespmem:s12+$0xFFFFFF60];
	[tilespmem:s9+$0xFFFFFF40] =	vst v8  }
0x189: {  	v21 =	vmul.f32 v50, v21;
	v41 =	vld [tilespmem:s12+$0xFFFFFEE0];
	v8 =	vmul.f32 $2.000000030e-01, v38;
	[tilespmem:s9+$0xFFFFFF50] =	vst v6  }
0x18a: {  	v22 =	vmul.f32 v51, v22;
	v25 =	vmul.f32 v25, v49;
	v5 =	vld [tilespmem:s12+$0xFFFFFEF0];
	v10 =	vadd.f32 v12, v10;
	[tilespmem:s9+$0xFFFFFF70] =	vst v11  }
0x18b: {  	v26 =	vmul.f32 v26, v48;
	v33 =	vmul.f32 v33, v47;
	v6 =	vld [tilespmem:s12+$0xFFFFFF00];
	v8 =	vmax.f32 v38, v8;
	[tilespmem:s9+$0xFFFFFF80] =	vst v7  }
0x18c: {  	v7 =	vld [tilespmem:s12+$0xFFFFFF10];
	v11 =	vmul.f32 $2.000000030e-01, v10;
	v12 =	vadd.f32 v9, v14;
	v14 =	vmul.f32 $1.442695020e+00, v8;
	[tilespmem:s9+$0xFFFFFF90] =	vst v13  }
0x18d: {  	v29 =	vmul.f32 v29, v46;
	v37 =	vmul.f32 v37, v45;
	v13 =	vadd.f32 v57, v39;
	v9 =	vld [tilespmem:s12+$0xFFFFFF20];
	[tilespmem:s9+$0xFFFFFFA0] =	vst v15  }
0x18e: {  	v8 =	vld [tilespmem:s12+$0xFFFFFF30];
	v11 =	vmax.f32 v10, v11;
	v15 =	vmul.f32 $2.000000030e-01, v12;
	(erf) = vpow2.f32 v14;
	[tilespmem:s9+$0xFFFFFFB0] =	vst v17  }
0x18f: {  	v14 =	vmul.f32 $2.000000030e-01, v13;
	v10 =	vld [tilespmem:s12+$0xFFFFFF40];
	v17 =	vmul.f32 $1.442695020e+00, v11;
	[tilespmem:s9+$0xFFFFFFC0] =	vst v16  }
0x190: {  	v23 =	vmul.f32 v3, v23;
	v27 =	vmul.f32 v4, v27;
	v11 =	vld [tilespmem:s12+$0xFFFFFF50];
	v15 =	vmax.f32 v12, v15;
	[tilespmem:s9+$0xFFFFFFD0] =	vst v18  }
0x191: {  	v3 =	vmax.f32 v13, v14;
	v12 =	vld [tilespmem:s12+$0xFFFFFF70];
	v4 =	vmul.f32 $1.442695020e+00, v15;
	(erf) = vpow2.f32 v17;
	[tilespmem:s9+$0xFFFFFFE0] =	vst v19  }
0x192: {  	v24 =	vmul.f32 v2, v24;
	v3 =	vmul.f32 $1.442695020e+00, v3;
	v13 =	vld [tilespmem:s12+$0xFFFFFF80];
	[tilespmem:s9+$0x0] =	vst v20  }
0x193: {  	v28 =	vmul.f32 v28, v1;
	v14 =	vld [tilespmem:s12+$0xFFFFFF90];
	(erf) = vpow2.f32 v4;
	[tilespmem:s9+$0x10] =	vst v21  }
0x194: {  	v30 =	vmul.f32 v30, v34;
	v15 =	vld [tilespmem:s12+$0xFFFFFFA0];
	(erf) = vpow2.f32 v3;
	[tilespmem:s9+$0x20] =	vst v22  }
0x195: {  	v31 =	vmul.f32 v31, v32;
	v32 =	vmul.f32 v35, v36;
	v21 =	vld [tilespmem:s12+$0x100];
	[tilespmem:s9+$0x30] =	vst v25  }
0x196: {  	v17 =	vld [tilespmem:s12+$0xFFFFFFB0];
	[tilespmem:s9+$0x40] =	vst v26  }
0x197: {  	v16 =	vld [tilespmem:s12+$0xFFFFFFC0];
	v36 =	vpop (erf);
	[tilespmem:s9+$0x50] =	vst v33  }
0x198: {  	v18 =	vld [tilespmem:s12+$0xFFFFFFD0];
	v3 =	vbroadcast v36, $0x0;
	v22 =	vbroadcast v36, $0x7;
	[tilespmem:s9+$0x60] =	vst v29  }
0x199: {  	v4 =	vbroadcast v36, $0x1;
	v2 =	vbroadcast v36, $0x2;
	v19 =	vld [tilespmem:s12+$0xFFFFFFE0];
	[tilespmem:s9+$0x70] =	vst v37  }
0x19a: {  	v1 =	vbroadcast v36, $0x3;
	v20 =	vld [tilespmem:s12+$0x0];
	v25 =	vmul.f32 v21, v22;
	v34 =	vpop (erf);
	[tilespmem:s9+$0x90] =	vst v23  }
0x19b: {  	v43 =	vbroadcast v34, $0x0;
	v40 =	vbroadcast v34, $0x1;
	v21 =	vld [tilespmem:s12+$0x10];
	[tilespmem:s9+$0xA0] =	vst v27  }
0x19c: {  	v42 =	vbroadcast v34, $0x2;
	v38 =	vbroadcast v34, $0x3;
	v22 =	vld [tilespmem:s12+$0x20];
	[tilespmem:s12+$0x100] =	vst v25;
	v35 =	vpop (erf)  }
0x19d: {  	v44 =	vbroadcast v34, $0x4;
	v39 =	vbroadcast v34, $0x5;
	v25 =	vld [tilespmem:s12+$0x30];
	v23 =	vpop (erf);
	[tilespmem:s9+$0xB0] =	vst v24  }
0x19e: {  	v62 =	vbroadcast v23, $0x0;
	v58 =	vbroadcast v23, $0x1;
	v26 =	vld [tilespmem:s12+$0x40];
	[tilespmem:s9+$0xC0] =	vst v28  }
0x19f: {  	v61 =	vbroadcast v23, $0x2;
	v57 =	vbroadcast v23, $0x3;
	v33 =	vld [tilespmem:s12+$0x50];
	[tilespmem:s9+$0xD0] =	vst v30  }
0x1a0: {  	v60 =	vbroadcast v23, $0x4;
	v56 =	vbroadcast v23, $0x5;
	v29 =	vld [tilespmem:s12+$0x60];
	[tilespmem:s9+$0xE0] =	vst v31  }
0x1a1: {  	v59 =	vbroadcast v23, $0x6;
	v55 =	vbroadcast v23, $0x7;
	v37 =	vld [tilespmem:s12+$0x70];
	[tilespmem:s9+$0xF0] =	vst v32;
	s9 =	smov.u32 s12  }
0x1a2: {  	v54 =	vbroadcast v34, $0x6;
	v52 =	vbroadcast v34, $0x7;
	[tilespmem:s12+$0xFFFFFF60] =	vst v23;
	v23 =	vld [tilespmem:s12+$0x90]  }
0x1a3: {  	v53 =	vbroadcast v35, $0x0;
	v50 =	vbroadcast v35, $0x1;
	[tilespmem:s12+$0xFFFFFFF0] =	vst v34;
	v27 =	vld [tilespmem:s12+$0xA0]  }
.Ltmp2:
0x1a4: {  	v51 =	vbroadcast v35, $0x2;
	v49 =	vbroadcast v35, $0x3;
	[tilespmem:s12+$0x80] =	vst v35;
	v24 =	vld [tilespmem:s12+$0xB0];
	(pc) =	sbr.rel @p0 .LBB2_7-.Ltmp2, $4  }
0x1a5: {  	v48 =	vbroadcast v35, $0x4;
	v47 =	vbroadcast v35, $0x5;
	[tilespmem:s12+$0x110] =	vst v36;
	v28 =	vld [tilespmem:s12+$0xC0]  }
0x1a6: {  	v46 =	vbroadcast v35, $0x6;
	v45 =	vbroadcast v35, $0x7;
	v30 =	vld [tilespmem:s12+$0xD0]  }
0x1a7: {  	v32 =	vbroadcast v36, $0x5;
	v34 =	vbroadcast v36, $0x4;
	v31 =	vld [tilespmem:s12+$0xE0]  }
0x1a8: {  	v41 =	vmul.f32 v62, v41;
	v36 =	vbroadcast v36, $0x6;
	s12 =	sadd.s32 $0x240, s12;
	v35 =	vld [tilespmem:s9+$0xF0]  }
0x1a9: {  	v5 =	vmul.f32 v58, v5  }
0x1aa: {  	v6 =	vmul.f32 v61, v6;
	[tilespmem:s9+$0xFFFFFEE0] =	vst v41  }
0x1ab: {  	v7 =	vmul.f32 v7, v57;
	[tilespmem:s9+$0xFFFFFEF0] =	vst v5  }
0x1ac: {  	v3 =	vmul.f32 v3, v23;
	[tilespmem:s9+$0xFFFFFF00] =	vst v6  }
0x1ad: {  	v4 =	vmul.f32 v4, v27;
	[tilespmem:s9+$0xFFFFFF10] =	vst v7  }
0x1ae: {  	v2 =	vmul.f32 v2, v24;
	[tilespmem:s9+$0x90] =	vst v3  }
0x1af: {  	v1 =	vmul.f32 v28, v1;
	[tilespmem:s9+$0xA0] =	vst v4  }
0x1b0: {  	v5 =	vmul.f32 v9, v60;
	[tilespmem:s9+$0xB0] =	vst v2  }
0x1b1: {  	v6 =	vmul.f32 v8, v56;
	[tilespmem:s9+$0xC0] =	vst v1  }
0x1b2: {  	v7 =	vmul.f32 v10, v59;
	[tilespmem:s9+$0xFFFFFF20] =	vst v5  }
0x1b3: {  	v3 =	vmul.f32 v30, v34;
	[tilespmem:s9+$0xFFFFFF30] =	vst v6  }
0x1b4: {  	v2 =	vmul.f32 v31, v32;
	[tilespmem:s9+$0xFFFFFF40] =	vst v7  }
0x1b5: {  	v5 =	vmul.f32 v11, v55;
	[tilespmem:s9+$0xD0] =	vst v3  }
0x1b6: {  	v6 =	vmul.f32 v43, v12;
	[tilespmem:s9+$0xE0] =	vst v2  }
0x1b7: {  	v7 =	vmul.f32 v40, v13;
	[tilespmem:s9+$0xFFFFFF50] =	vst v5  }
0x1b8: {  	v1 =	vmul.f32 v35, v36;
	[tilespmem:s9+$0xFFFFFF70] =	vst v6  }
0x1b9: {  	v5 =	vmul.f32 v42, v14;
	[tilespmem:s9+$0xFFFFFF80] =	vst v7  }
0x1ba: {  	v6 =	vmul.f32 v15, v38;
	[tilespmem:s9+$0xF0] =	vst v1  }
0x1bb: {  	v7 =	vmul.f32 v17, v44;
	[tilespmem:s9+$0xFFFFFF90] =	vst v5  }
0x1bc: {  	v5 =	vmul.f32 v16, v39;
	[tilespmem:s9+$0xFFFFFFA0] =	vst v6  }
0x1bd: {  	v6 =	vmul.f32 v18, v54;
	[tilespmem:s9+$0xFFFFFFB0] =	vst v7  }
0x1be: {  	v7 =	vmul.f32 v19, v52;
	[tilespmem:s9+$0xFFFFFFC0] =	vst v5  }
0x1bf: {  	v5 =	vmul.f32 v53, v20;
	[tilespmem:s9+$0xFFFFFFD0] =	vst v6  }
0x1c0: {  	v6 =	vmul.f32 v50, v21;
	[tilespmem:s9+$0xFFFFFFE0] =	vst v7  }
0x1c1: {  	v7 =	vmul.f32 v51, v22;
	[tilespmem:s9+$0x0] =	vst v5  }
0x1c2: {  	v5 =	vmul.f32 v25, v49;
	[tilespmem:s9+$0x10] =	vst v6  }
0x1c3: {  	v6 =	vmul.f32 v26, v48;
	[tilespmem:s9+$0x20] =	vst v7  }
0x1c4: {  	v7 =	vmul.f32 v33, v47;
	[tilespmem:s9+$0x30] =	vst v5  }
0x1c5: {  	v5 =	vmul.f32 v29, v46;
	[tilespmem:s9+$0x40] =	vst v6  }
0x1c6: {  	v6 =	vmul.f32 v37, v45;
	[tilespmem:s9+$0x50] =	vst v7  }
0x1c7: {  	[tilespmem:s9+$0x60] =	vst v5  }
0x1c8: {  	[tilespmem:s9+$0x70] =	vst v6  }
0x1c9: {  	_ =	swait.ge [sflag:s26], $0x4800  }
0x1ca: {  	[sflag:s26] =	ssyncset.done $0x0  }
0x1cb: {  	[sflag:s26] =	ssyncadd.s32 $0xFFFFB800  }
0x1cc: {  	[tilespmem:s28], [sflag:$0x1] =	stream.indirect.gather [hbm4b:s6+s25], $0x10, s25, s25, $0xb8;
	[tilespmem:$0x1F910] =	vst v63  }
0x1cd: {  	_ =	swait.ge [sflag:s26], $0x800  }
0x1ce: {  	[sflag:s26] =	ssyncset.done $0x0  }
0x1cf: {  	s2 =	sadd.s32 s2, s18;
	[sflag:s26] =	ssyncadd.s32 $0xFFFFF800  }
0x1d0: {  	[spmem:s3] =	stream.indirect.scatter.add.f32 [tilespmem:s30], [sflag:$0x2], $0x90, s29, s25, $0xb8;
	[tilespmem:$0x1F910] =	vst v63  }
0x1d1: {  	s2 =	sshll.u32 s2, $0x4;
	_ =	swait.ge [sflag:s24], $0x4800  }
0x1d2: {  	s2 =	sand.u32 $0x1FFFFFF0, s2;
	[sflag:s24] =	ssyncset.done $0x0  }
0x1d3: {  	s12 =	sadd.s32 s1, s2;
	[sflag:s24] =	ssyncadd.s32 $0xFFFFB800  }
0x1d4: {  	[tilespmem:s4], [sflag:$0x2] =	stream.linear.gather [hbm4b:s12+s4], $0x80, $0x38;
	[tilespmem:$0x1F910] =	vst v63  }
0x1d5: {  	_ =	swait.ge [sflag:s24], $0x80  }
0x1d6: {  	[sflag:s24] =	ssyncset.done $0x0  }
0x1d7: {  	s2 =	sadd.s32 s5, s2;
	[sflag:s24] =	ssyncadd.s32 $0xFFFFFF80  }
0x1d8: {  	[tilespmem:s29], [sflag:$0x2] =	stream.linear.gather [hbm4b:s2+s4], $0x80, $0x38;
	[tilespmem:$0x1F910] =	vst v63  }
0x1d9: {  	_ =	swait.ge [sflag:s24], $0x80  }
0x1da: {  	[sflag:s24] =	ssyncset.done $0x0  }
0x1db: {  	s2 =	simm.s32 $0xAA0;
	[sflag:s24] =	ssyncadd.s32 $0xFFFFFF80  }
0x1dc: {  	[tilespmem:s30], [sflag:$0x1] =	stream.indirect.gather [hbm4b:s7+s25], $0x90, s4, s25, $0xb8;
	[tilespmem:$0x1F910] =	vst v63  }
0x1dd: {  	s9 =	simm.s32 $0x1A0;
	v1 =	vld [tilespmem:s2+$0x110]  }
0x1de: {  	v2 =	vld [tilespmem:s9+$0x10]  }
0x1df: {  	v3 =	vld [tilespmem:s9+$0xFFFFFFE0]  }
0x1e0: {  	v4 =	vld [tilespmem:s2+$0xFFFFFFF0]  }
0x1e1: {  	v6 =	vld [tilespmem:s9+$0xFFFFFFF0]  }
0x1e2: {  	v8 =	vld [tilespmem:s2+$0x80]  }
0x1e3: {  	v9 =	vld [tilespmem:s9+$0x0];
	v1 =	vadd.f32 v2, v1  }
0x1e4: {  	v35 =	vld [tilespmem:s2+$0xFFFFFEE0]  }
0x1e5: {  	v5 =	vld [tilespmem:s2+$0xFFFFFEF0];
	v7 =	vmul.f32 $2.000000030e-01, v1  }
0x1e6: {  	v2 =	vld [tilespmem:s2+$0xFFFFFF60]  }
0x1e7: {  	v11 =	vld [tilespmem:s2+$0xFFFFFF50];
	v4 =	vadd.f32 v6, v4;
	v1 =	vmax.f32 v1, v7  }
0x1e8: {  	v13 =	vld [tilespmem:s2+$0xFFFFFF80];
	v1 =	vmul.f32 $1.442695020e+00, v1  }
0x1e9: {  	v14 =	vld [tilespmem:s2+$0xFFFFFF90];
	v10 =	vmul.f32 $2.000000030e-01, v4  }
0x1ea: {  	v15 =	vld [tilespmem:s2+$0xFFFFFFA0];
	(erf) = vpow2.f32 v1  }
0x1eb: {  	v21 =	vld [tilespmem:s2+$0x100];
	v12 =	vadd.f32 v9, v8;
	v2 =	vadd.f32 v3, v2;
	v3 =	vmax.f32 v4, v10  }
0x1ec: {  	v17 =	vld [tilespmem:s2+$0xFFFFFFB0];
	v3 =	vmul.f32 $1.442695020e+00, v3  }
0x1ed: {  	v16 =	vld [tilespmem:s2+$0xFFFFFFC0];
	v4 =	vmul.f32 $2.000000030e-01, v12  }
0x1ee: {  	v18 =	vld [tilespmem:s2+$0xFFFFFFD0];
	v1 =	vmul.f32 $2.000000030e-01, v2;
	(erf) = vpow2.f32 v3  }
0x1ef: {  	v19 =	vld [tilespmem:s2+$0xFFFFFFE0];
	v4 =	vmax.f32 v12, v4  }
0x1f0: {  	v20 =	vld [tilespmem:s2+$0x0];
	v1 =	vmax.f32 v2, v1;
	v2 =	vmul.f32 $1.442695020e+00, v4  }
0x1f1: {  	v25 =	vld [tilespmem:s2+$0x30];
	v1 =	vmul.f32 $1.442695020e+00, v1  }
0x1f2: {  	v26 =	vld [tilespmem:s2+$0x40];
	(erf) = vpow2.f32 v2  }
0x1f3: {  	v33 =	vld [tilespmem:s2+$0x50];
	(erf) = vpow2.f32 v1;
	v36 =	vpop (erf)  }
0x1f4: {  	v29 =	vld [tilespmem:s2+$0x60];
	v3 =	vbroadcast v36, $0x0;
	v22 =	vbroadcast v36, $0x7  }
0x1f5: {  	v27 =	vld [tilespmem:s2+$0xA0];
	v4 =	vbroadcast v36, $0x1;
	v2 =	vbroadcast v36, $0x2  }
0x1f6: {  	v24 =	vld [tilespmem:s2+$0xB0];
	v1 =	vbroadcast v36, $0x3;
	v34 =	vbroadcast v36, $0x4  }
0x1f7: {  	v37 =	vld [tilespmem:s2+$0x70];
	v31 =	vpop (erf);
	[tilespmem:s2+$0x110] =	vst v36;
	v32 =	vbroadcast v36, $0x5;
	v36 =	vbroadcast v36, $0x6  }
0x1f8: {  	v28 =	vld [tilespmem:s2+$0xC0];
	v43 =	vbroadcast v31, $0x0;
	v40 =	vbroadcast v31, $0x1  }
0x1f9: {  	v6 =	vld [tilespmem:s2+$0xFFFFFF00];
	v42 =	vbroadcast v31, $0x2;
	v38 =	vbroadcast v31, $0x3  }
0x1fa: {  	v9 =	vld [tilespmem:s2+$0xFFFFFF20];
	v44 =	vbroadcast v31, $0x4;
	v39 =	vbroadcast v31, $0x5  }
0x1fb: {  	v8 =	vld [tilespmem:s2+$0xFFFFFF30];
	v54 =	vbroadcast v31, $0x6;
	v52 =	vbroadcast v31, $0x7;
	v41 =	vpop (erf)  }
0x1fc: {  	v7 =	vld [tilespmem:s2+$0xFFFFFF10];
	v23 =	vmul.f32 v21, v22;
	v53 =	vbroadcast v41, $0x0  }
0x1fd: {  	v10 =	vld [tilespmem:s2+$0xFFFFFF40];
	v50 =	vbroadcast v41, $0x1;
	v51 =	vbroadcast v41, $0x2  }
0x1fe: {  	v12 =	vld [tilespmem:s2+$0xFFFFFF70];
	v49 =	vbroadcast v41, $0x3;
	v48 =	vbroadcast v41, $0x4  }
0x1ff: {  	[tilespmem:s2+$0xFFFFFFF0] =	vst v31;
	v31 =	vld [tilespmem:s2+$0xE0];
	v30 =	vpop (erf);
	v47 =	vbroadcast v41, $0x5;
	v46 =	vbroadcast v41, $0x6  }
0x200: {  	v21 =	vld [tilespmem:s2+$0x10];
	v62 =	vbroadcast v30, $0x0;
	v58 =	vbroadcast v30, $0x1  }
0x201: {  	v22 =	vld [tilespmem:s2+$0x20];
	v61 =	vbroadcast v30, $0x2;
	v57 =	vbroadcast v30, $0x3  }
0x202: {  	[tilespmem:s2+$0x100] =	vst v23;
	v23 =	vld [tilespmem:s2+$0x90];
	v60 =	vbroadcast v30, $0x4;
	v56 =	vbroadcast v30, $0x5  }
0x203: {  	v59 =	vbroadcast v30, $0x6;
	v55 =	vbroadcast v30, $0x7;
	[tilespmem:s2+$0xFFFFFF60] =	vst v30;
	v30 =	vld [tilespmem:s2+$0xD0]  }
0x204: {  	s10 =	simm.s32 $0x0;
	s11 =	simm.s32 $0xCE0;
	v45 =	vbroadcast v41, $0x7;
	[tilespmem:s2+$0x80] =	vst v41;
	v41 =	vmul.f32 v62, v35;
	v35 =	vld [tilespmem:s2+$0xF0]  }
.LBB2_9:
0x205: {  	v62 =	vld [tilespmem:s11+$0x110];
	v5 =	vmul.f32 v58, v5;
	v6 =	vmul.f32 v61, v6;
	s9 =	sadd.s32 $0x40, s9  }
0x206: {  	s10 =	sadd.s32 $0x4, s10;
	v7 =	vmul.f32 v7, v57;
	v9 =	vmul.f32 v9, v60;
	v58 =	vld [tilespmem:s9+$0x10];
	[tilespmem:s2+$0xFFFFFEE0] =	vst v41  }
0x207: {  	p0 =	slt.u32 s10, $0x7C;
	v57 =	vld [tilespmem:s9+$0xFFFFFFE0];
	[tilespmem:s2+$0xFFFFFEF0] =	vst v5;
	v5 =	vmul.f32 v8, v56;
	v8 =	vmul.f32 v10, v59  }
0x208: {  	v10 =	vld [tilespmem:s11+$0xFFFFFFF0];
	[tilespmem:s2+$0xFFFFFF00] =	vst v6;
	v6 =	vmul.f32 v11, v55;
	v11 =	vmul.f32 v43, v12  }
0x209: {  	v12 =	vld [tilespmem:s9+$0xFFFFFFF0];
	[tilespmem:s2+$0xFFFFFF10] =	vst v7;
	v7 =	vmul.f32 v40, v13;
	v13 =	vmul.f32 v42, v14  }
0x20a: {  	v15 =	vmul.f32 v15, v38;
	v17 =	vmul.f32 v17, v44;
	v14 =	vld [tilespmem:s11+$0x80];
	[tilespmem:s2+$0xFFFFFF20] =	vst v9  }
0x20b: {  	v16 =	vmul.f32 v16, v39;
	v18 =	vmul.f32 v18, v54;
	v9 =	vld [tilespmem:s9+$0x0];
	v38 =	vadd.f32 v58, v62;
	[tilespmem:s2+$0xFFFFFF30] =	vst v5  }
0x20c: {  	v19 =	vmul.f32 v19, v52;
	v20 =	vmul.f32 v53, v20;
	v39 =	vld [tilespmem:s11+$0xFFFFFF60];
	[tilespmem:s2+$0xFFFFFF40] =	vst v8  }
0x20d: {  	v21 =	vmul.f32 v50, v21;
	v41 =	vld [tilespmem:s11+$0xFFFFFEE0];
	v8 =	vmul.f32 $2.000000030e-01, v38;
	[tilespmem:s2+$0xFFFFFF50] =	vst v6  }
0x20e: {  	v22 =	vmul.f32 v51, v22;
	v25 =	vmul.f32 v25, v49;
	v5 =	vld [tilespmem:s11+$0xFFFFFEF0];
	v10 =	vadd.f32 v12, v10;
	[tilespmem:s2+$0xFFFFFF70] =	vst v11  }
0x20f: {  	v26 =	vmul.f32 v26, v48;
	v33 =	vmul.f32 v33, v47;
	v6 =	vld [tilespmem:s11+$0xFFFFFF00];
	v8 =	vmax.f32 v38, v8;
	[tilespmem:s2+$0xFFFFFF80] =	vst v7  }
0x210: {  	v7 =	vld [tilespmem:s11+$0xFFFFFF10];
	v11 =	vmul.f32 $2.000000030e-01, v10;
	v12 =	vadd.f32 v9, v14;
	v14 =	vmul.f32 $1.442695020e+00, v8;
	[tilespmem:s2+$0xFFFFFF90] =	vst v13  }
0x211: {  	v29 =	vmul.f32 v29, v46;
	v37 =	vmul.f32 v37, v45;
	v13 =	vadd.f32 v57, v39;
	v9 =	vld [tilespmem:s11+$0xFFFFFF20];
	[tilespmem:s2+$0xFFFFFFA0] =	vst v15  }
0x212: {  	v8 =	vld [tilespmem:s11+$0xFFFFFF30];
	v11 =	vmax.f32 v10, v11;
	v15 =	vmul.f32 $2.000000030e-01, v12;
	(erf) = vpow2.f32 v14;
	[tilespmem:s2+$0xFFFFFFB0] =	vst v17  }
0x213: {  	v14 =	vmul.f32 $2.000000030e-01, v13;
	v10 =	vld [tilespmem:s11+$0xFFFFFF40];
	v17 =	vmul.f32 $1.442695020e+00, v11;
	[tilespmem:s2+$0xFFFFFFC0] =	vst v16  }
0x214: {  	v23 =	vmul.f32 v3, v23;
	v27 =	vmul.f32 v4, v27;
	v11 =	vld [tilespmem:s11+$0xFFFFFF50];
	v15 =	vmax.f32 v12, v15;
	[tilespmem:s2+$0xFFFFFFD0] =	vst v18  }
0x215: {  	v3 =	vmax.f32 v13, v14;
	v12 =	vld [tilespmem:s11+$0xFFFFFF70];
	v4 =	vmul.f32 $1.442695020e+00, v15;
	(erf) = vpow2.f32 v17;
	[tilespmem:s2+$0xFFFFFFE0] =	vst v19  }
0x216: {  	v24 =	vmul.f32 v2, v24;
	v3 =	vmul.f32 $1.442695020e+00, v3;
	v13 =	vld [tilespmem:s11+$0xFFFFFF80];
	[tilespmem:s2+$0x0] =	vst v20  }
0x217: {  	v28 =	vmul.f32 v28, v1;
	v14 =	vld [tilespmem:s11+$0xFFFFFF90];
	(erf) = vpow2.f32 v4;
	[tilespmem:s2+$0x10] =	vst v21  }
0x218: {  	v30 =	vmul.f32 v30, v34;
	v15 =	vld [tilespmem:s11+$0xFFFFFFA0];
	(erf) = vpow2.f32 v3;
	[tilespmem:s2+$0x20] =	vst v22  }
0x219: {  	v31 =	vmul.f32 v31, v32;
	v32 =	vmul.f32 v35, v36;
	v21 =	vld [tilespmem:s11+$0x100];
	[tilespmem:s2+$0x30] =	vst v25  }
0x21a: {  	v17 =	vld [tilespmem:s11+$0xFFFFFFB0];
	[tilespmem:s2+$0x40] =	vst v26  }
0x21b: {  	v16 =	vld [tilespmem:s11+$0xFFFFFFC0];
	v36 =	vpop (erf);
	[tilespmem:s2+$0x50] =	vst v33  }
0x21c: {  	v18 =	vld [tilespmem:s11+$0xFFFFFFD0];
	v3 =	vbroadcast v36, $0x0;
	v22 =	vbroadcast v36, $0x7;
	[tilespmem:s2+$0x60] =	vst v29  }
0x21d: {  	v4 =	vbroadcast v36, $0x1;
	v2 =	vbroadcast v36, $0x2;
	v19 =	vld [tilespmem:s11+$0xFFFFFFE0];
	[tilespmem:s2+$0x70] =	vst v37  }
0x21e: {  	v1 =	vbroadcast v36, $0x3;
	v20 =	vld [tilespmem:s11+$0x0];
	v25 =	vmul.f32 v21, v22;
	v34 =	vpop (erf);
	[tilespmem:s2+$0x90] =	vst v23  }
0x21f: {  	v43 =	vbroadcast v34, $0x0;
	v40 =	vbroadcast v34, $0x1;
	v21 =	vld [tilespmem:s11+$0x10];
	[tilespmem:s2+$0xA0] =	vst v27  }
0x220: {  	v42 =	vbroadcast v34, $0x2;
	v38 =	vbroadcast v34, $0x3;
	v22 =	vld [tilespmem:s11+$0x20];
	[tilespmem:s11+$0x100] =	vst v25;
	v35 =	vpop (erf)  }
0x221: {  	v44 =	vbroadcast v34, $0x4;
	v39 =	vbroadcast v34, $0x5;
	v25 =	vld [tilespmem:s11+$0x30];
	v23 =	vpop (erf);
	[tilespmem:s2+$0xB0] =	vst v24  }
0x222: {  	v62 =	vbroadcast v23, $0x0;
	v58 =	vbroadcast v23, $0x1;
	v26 =	vld [tilespmem:s11+$0x40];
	[tilespmem:s2+$0xC0] =	vst v28  }
0x223: {  	v61 =	vbroadcast v23, $0x2;
	v57 =	vbroadcast v23, $0x3;
	v33 =	vld [tilespmem:s11+$0x50];
	[tilespmem:s2+$0xD0] =	vst v30  }
0x224: {  	v60 =	vbroadcast v23, $0x4;
	v56 =	vbroadcast v23, $0x5;
	v29 =	vld [tilespmem:s11+$0x60];
	[tilespmem:s2+$0xE0] =	vst v31  }
0x225: {  	v59 =	vbroadcast v23, $0x6;
	v55 =	vbroadcast v23, $0x7;
	v37 =	vld [tilespmem:s11+$0x70];
	[tilespmem:s2+$0xF0] =	vst v32;
	s2 =	smov.u32 s11  }
0x226: {  	v54 =	vbroadcast v34, $0x6;
	v52 =	vbroadcast v34, $0x7;
	[tilespmem:s11+$0xFFFFFF60] =	vst v23;
	v23 =	vld [tilespmem:s11+$0x90]  }
0x227: {  	v53 =	vbroadcast v35, $0x0;
	v50 =	vbroadcast v35, $0x1;
	[tilespmem:s11+$0xFFFFFFF0] =	vst v34;
	v27 =	vld [tilespmem:s11+$0xA0]  }
.Ltmp3:
0x228: {  	v51 =	vbroadcast v35, $0x2;
	v49 =	vbroadcast v35, $0x3;
	[tilespmem:s11+$0x80] =	vst v35;
	v24 =	vld [tilespmem:s11+$0xB0];
	(pc) =	sbr.rel @p0 .LBB2_9-.Ltmp3, $4  }
0x229: {  	v48 =	vbroadcast v35, $0x4;
	v47 =	vbroadcast v35, $0x5;
	[tilespmem:s11+$0x110] =	vst v36;
	v28 =	vld [tilespmem:s11+$0xC0]  }
0x22a: {  	v46 =	vbroadcast v35, $0x6;
	v45 =	vbroadcast v35, $0x7;
	v30 =	vld [tilespmem:s11+$0xD0]  }
0x22b: {  	v32 =	vbroadcast v36, $0x5;
	v34 =	vbroadcast v36, $0x4;
	v31 =	vld [tilespmem:s11+$0xE0]  }
0x22c: {  	v41 =	vmul.f32 v62, v41;
	v36 =	vbroadcast v36, $0x6;
	s11 =	sadd.s32 $0x240, s11;
	v35 =	vld [tilespmem:s2+$0xF0]  }
0x22d: {  	v5 =	vmul.f32 v58, v5  }
0x22e: {  	v6 =	vmul.f32 v61, v6;
	[tilespmem:s2+$0xFFFFFEE0] =	vst v41  }
0x22f: {  	v7 =	vmul.f32 v7, v57;
	[tilespmem:s2+$0xFFFFFEF0] =	vst v5  }
0x230: {  	v63 =	vmul.f32 v9, v60;
	[tilespmem:s2+$0xFFFFFF00] =	vst v6  }
0x231: {  	v9 =	vmul.f32 v8, v56;
	[tilespmem:s2+$0xFFFFFF10] =	vst v7  }
0x232: {  	v10 =	vmul.f32 v10, v59;
	[tilespmem:s2+$0xFFFFFF20] =	vst v63  }
0x233: {  	v11 =	vmul.f32 v11, v55;
	[tilespmem:s2+$0xFFFFFF30] =	vst v9  }
0x234: {  	v12 =	vmul.f32 v43, v12;
	[tilespmem:s2+$0xFFFFFF40] =	vst v10  }
0x235: {  	v40 =	vmul.f32 v40, v13;
	[tilespmem:s2+$0xFFFFFF50] =	vst v11  }
0x236: {  	v43 =	vmul.f32 v17, v44;
	[tilespmem:s2+$0xFFFFFF70] =	vst v12  }
0x237: {  	v44 =	vmul.f32 v16, v39;
	[tilespmem:s2+$0xFFFFFF80] =	vst v40  }
0x238: {  	v54 =	vmul.f32 v18, v54;
	[tilespmem:s2+$0xFFFFFFB0] =	vst v43  }
0x239: {  	v55 =	vmul.f32 v19, v52;
	[tilespmem:s2+$0xFFFFFFC0] =	vst v44  }
0x23a: {  	v56 =	vmul.f32 v53, v20;
	[tilespmem:s2+$0xFFFFFFD0] =	vst v54  }
0x23b: {  	v57 =	vmul.f32 v50, v21;
	[tilespmem:s2+$0xFFFFFFE0] =	vst v55  }
0x23c: {  	v58 =	vmul.f32 v51, v22;
	[tilespmem:s2+$0x0] =	vst v56  }
0x23d: {  	v59 =	vmul.f32 v25, v49;
	[tilespmem:s2+$0x10] =	vst v57  }
0x23e: {  	v60 =	vmul.f32 v26, v48;
	[tilespmem:s2+$0x20] =	vst v58  }
0x23f: {  	v61 =	vmul.f32 v33, v47;
	[tilespmem:s2+$0x30] =	vst v59  }
0x240: {  	v62 =	vmul.f32 v29, v46;
	[tilespmem:s2+$0x40] =	vst v60  }
0x241: {  	v3 =	vmul.f32 v3, v23;
	[tilespmem:s2+$0x50] =	vst v61  }
0x242: {  	v4 =	vmul.f32 v4, v27;
	[tilespmem:s2+$0x60] =	vst v62  }
0x243: {  	v2 =	vmul.f32 v2, v24;
	[tilespmem:s2+$0x90] =	vst v3  }
0x244: {  	v41 =	vmul.f32 v42, v14;
	[tilespmem:s2+$0xA0] =	vst v4  }
0x245: {  	v42 =	vmul.f32 v15, v38;
	[tilespmem:s2+$0xB0] =	vst v2  }
0x246: {  	s0 =	sadd.s32 $0x1, s0;
	v1 =	vmul.f32 v28, v1;
	[tilespmem:s2+$0xFFFFFF90] =	vst v41  }
0x247: {  	p0 =	sne.s32 s0, $0x27;
	v63 =	vmul.f32 v37, v45;
	[tilespmem:s2+$0xFFFFFFA0] =	vst v42  }
.Ltmp4:
0x248: {  	v3 =	vmul.f32 v30, v34;
	[tilespmem:s2+$0xC0] =	vst v1;
	(pc) =	sbr.rel @p0 .LBB2_6-.Ltmp4, $4  }
0x249: {  	v2 =	vmul.f32 v31, v32;
	[tilespmem:s2+$0x70] =	vst v63  }
0x24a: {  	v1 =	vmul.f32 v35, v36;
	[tilespmem:s2+$0xD0] =	vst v3  }
0x24b: {  	[tilespmem:s2+$0xE0] =	vst v2  }
0x24c: {  	[tilespmem:s2+$0xF0] =	vst v1  }
0x24d: {  	_ =	swait.ge [sflag:s26], $0x4800  }
0x24e: {  	[sflag:s26] =	ssyncset.done $0x0  }
0x24f: {  	[sflag:s26] =	ssyncadd.s32 $0xFFFFB800  }
0x250: {  	[tilespmem:s28], [sflag:$0x1] =	stream.indirect.gather [hbm4b:s6+s25], $0x10, s29, s25, $0xb8;
	[tilespmem:$0x1F910] =	vst v63  }
0x251: {  	_ =	swait.ge [sflag:s26], $0x800  }
0x252: {  	[sflag:s26] =	ssyncset.done $0x0  }
0x253: {  	[sflag:s26] =	ssyncadd.s32 $0xFFFFF800  }
0x254: {  	[spmem:s3] =	stream.indirect.scatter.add.f32 [tilespmem:s23], [sflag:$0x2], $0x90, s25, s25, $0xb8;
	[tilespmem:$0x1F910] =	vst v63  }
0x255: {  	_ =	swait.ge [sflag:s24], $0x4800  }
0x256: {  	[sflag:s24] =	ssyncset.done $0x0  }
0x257: {  	[sflag:s24] =	ssyncadd.s32 $0xFFFFB800  }
0x258: {  	[tilespmem:s4], [sflag:$0x2] =	stream.linear.gather [hbm4b:s19+s4], $0x80, $0x38;
	[tilespmem:$0x1F910] =	vst v63  }
0x259: {  	_ =	swait.ge [sflag:s24], $0x80  }
0x25a: {  	[sflag:s24] =	ssyncset.done $0x0  }
0x25b: {  	[sflag:s24] =	ssyncadd.s32 $0xFFFFFF80  }
0x25c: {  	[tilespmem:s25], [sflag:$0x2] =	stream.linear.gather [hbm4b:s20+s4], $0x80, $0x38;
	[tilespmem:$0x1F910] =	vst v63  }
0x25d: {  	_ =	swait.ge [sflag:s24], $0x80  }
0x25e: {  	[sflag:s24] =	ssyncset.done $0x0  }
0x25f: {  	s0 =	simm.s32 $0x52A0;
	[sflag:s24] =	ssyncadd.s32 $0xFFFFFF80  }
0x260: {  	[tilespmem:s23], [sflag:$0x1] =	stream.indirect.gather [hbm4b:s7+s25], $0x90, s4, s25, $0xb8;
	[tilespmem:$0x1F910] =	vst v63  }
0x261: {  	s2 =	simm.s32 $0x1A0;
	v1 =	vld [tilespmem:s0+$0x110]  }
0x262: {  	v2 =	vld [tilespmem:s2+$0x10]  }
0x263: {  	v3 =	vld [tilespmem:s2+$0xFFFFFFE0]  }
0x264: {  	v4 =	vld [tilespmem:s0+$0xFFFFFFF0]  }
0x265: {  	v6 =	vld [tilespmem:s2+$0xFFFFFFF0]  }
0x266: {  	v8 =	vld [tilespmem:s0+$0x80]  }
0x267: {  	v9 =	vld [tilespmem:s2+$0x0];
	v1 =	vadd.f32 v2, v1  }
0x268: {  	v35 =	vld [tilespmem:s0+$0xFFFFFEE0]  }
0x269: {  	v5 =	vld [tilespmem:s0+$0xFFFFFEF0];
	v7 =	vmul.f32 $2.000000030e-01, v1  }
0x26a: {  	v2 =	vld [tilespmem:s0+$0xFFFFFF60]  }
0x26b: {  	v11 =	vld [tilespmem:s0+$0xFFFFFF50];
	v4 =	vadd.f32 v6, v4;
	v1 =	vmax.f32 v1, v7  }
0x26c: {  	v13 =	vld [tilespmem:s0+$0xFFFFFF80];
	v1 =	vmul.f32 $1.442695020e+00, v1  }
0x26d: {  	v14 =	vld [tilespmem:s0+$0xFFFFFF90];
	v10 =	vmul.f32 $2.000000030e-01, v4  }
0x26e: {  	v15 =	vld [tilespmem:s0+$0xFFFFFFA0];
	(erf) = vpow2.f32 v1  }
0x26f: {  	v21 =	vld [tilespmem:s0+$0x100];
	v12 =	vadd.f32 v9, v8;
	v2 =	vadd.f32 v3, v2;
	v3 =	vmax.f32 v4, v10  }
0x270: {  	v17 =	vld [tilespmem:s0+$0xFFFFFFB0];
	v3 =	vmul.f32 $1.442695020e+00, v3  }
0x271: {  	v16 =	vld [tilespmem:s0+$0xFFFFFFC0];
	v4 =	vmul.f32 $2.000000030e-01, v12  }
0x272: {  	v18 =	vld [tilespmem:s0+$0xFFFFFFD0];
	v1 =	vmul.f32 $2.000000030e-01, v2;
	(erf) = vpow2.f32 v3  }
0x273: {  	v19 =	vld [tilespmem:s0+$0xFFFFFFE0];
	v4 =	vmax.f32 v12, v4  }
0x274: {  	v20 =	vld [tilespmem:s0+$0x0];
	v1 =	vmax.f32 v2, v1;
	v2 =	vmul.f32 $1.442695020e+00, v4  }
0x275: {  	v25 =	vld [tilespmem:s0+$0x30];
	v1 =	vmul.f32 $1.442695020e+00, v1  }
0x276: {  	v26 =	vld [tilespmem:s0+$0x40];
	(erf) = vpow2.f32 v2  }
0x277: {  	v33 =	vld [tilespmem:s0+$0x50];
	(erf) = vpow2.f32 v1;
	v36 =	vpop (erf)  }
0x278: {  	v29 =	vld [tilespmem:s0+$0x60];
	v3 =	vbroadcast v36, $0x0;
	v22 =	vbroadcast v36, $0x7  }
0x279: {  	v27 =	vld [tilespmem:s0+$0xA0];
	v4 =	vbroadcast v36, $0x1;
	v2 =	vbroadcast v36, $0x2  }
0x27a: {  	v24 =	vld [tilespmem:s0+$0xB0];
	v1 =	vbroadcast v36, $0x3;
	v34 =	vbroadcast v36, $0x4  }
0x27b: {  	v37 =	vld [tilespmem:s0+$0x70];
	v31 =	vpop (erf);
	[tilespmem:s0+$0x110] =	vst v36;
	v32 =	vbroadcast v36, $0x5;
	v36 =	vbroadcast v36, $0x6  }
0x27c: {  	v28 =	vld [tilespmem:s0+$0xC0];
	v43 =	vbroadcast v31, $0x0;
	v40 =	vbroadcast v31, $0x1  }
0x27d: {  	v6 =	vld [tilespmem:s0+$0xFFFFFF00];
	v42 =	vbroadcast v31, $0x2;
	v38 =	vbroadcast v31, $0x3  }
0x27e: {  	v9 =	vld [tilespmem:s0+$0xFFFFFF20];
	v44 =	vbroadcast v31, $0x4;
	v39 =	vbroadcast v31, $0x5  }
0x27f: {  	v8 =	vld [tilespmem:s0+$0xFFFFFF30];
	v54 =	vbroadcast v31, $0x6;
	v52 =	vbroadcast v31, $0x7;
	v41 =	vpop (erf)  }
0x280: {  	v7 =	vld [tilespmem:s0+$0xFFFFFF10];
	v23 =	vmul.f32 v21, v22;
	v53 =	vbroadcast v41, $0x0  }
0x281: {  	v10 =	vld [tilespmem:s0+$0xFFFFFF40];
	v50 =	vbroadcast v41, $0x1;
	v51 =	vbroadcast v41, $0x2  }
0x282: {  	v12 =	vld [tilespmem:s0+$0xFFFFFF70];
	v49 =	vbroadcast v41, $0x3;
	v48 =	vbroadcast v41, $0x4  }
0x283: {  	[tilespmem:s0+$0xFFFFFFF0] =	vst v31;
	v31 =	vld [tilespmem:s0+$0xE0];
	v30 =	vpop (erf);
	v47 =	vbroadcast v41, $0x5;
	v46 =	vbroadcast v41, $0x6  }
0x284: {  	v21 =	vld [tilespmem:s0+$0x10];
	v62 =	vbroadcast v30, $0x0;
	v58 =	vbroadcast v30, $0x1  }
0x285: {  	v22 =	vld [tilespmem:s0+$0x20];
	v61 =	vbroadcast v30, $0x2;
	v57 =	vbroadcast v30, $0x3  }
0x286: {  	[tilespmem:s0+$0x100] =	vst v23;
	v23 =	vld [tilespmem:s0+$0x90];
	v60 =	vbroadcast v30, $0x4;
	v56 =	vbroadcast v30, $0x5  }
0x287: {  	v59 =	vbroadcast v30, $0x6;
	v55 =	vbroadcast v30, $0x7;
	[tilespmem:s0+$0xFFFFFF60] =	vst v30;
	v30 =	vld [tilespmem:s0+$0xD0]  }
0x288: {  	s9 =	simm.s32 $0x0;
	s10 =	simm.s32 $0x54E0;
	v45 =	vbroadcast v41, $0x7;
	[tilespmem:s0+$0x80] =	vst v41;
	v41 =	vmul.f32 v62, v35;
	v35 =	vld [tilespmem:s0+$0xF0]  }
.LBB2_12:
0x289: {  	v62 =	vld [tilespmem:s10+$0x110];
	v5 =	vmul.f32 v58, v5;
	v6 =	vmul.f32 v61, v6;
	s2 =	sadd.s32 $0x40, s2  }
0x28a: {  	s9 =	sadd.s32 $0x4, s9;
	v7 =	vmul.f32 v7, v57;
	v9 =	vmul.f32 v9, v60;
	v58 =	vld [tilespmem:s2+$0x10];
	[tilespmem:s0+$0xFFFFFEE0] =	vst v41  }
0x28b: {  	p0 =	slt.u32 s9, $0x7C;
	v57 =	vld [tilespmem:s2+$0xFFFFFFE0];
	[tilespmem:s0+$0xFFFFFEF0] =	vst v5;
	v5 =	vmul.f32 v8, v56;
	v8 =	vmul.f32 v10, v59  }
0x28c: {  	v10 =	vld [tilespmem:s10+$0xFFFFFFF0];
	[tilespmem:s0+$0xFFFFFF00] =	vst v6;
	v6 =	vmul.f32 v11, v55;
	v11 =	vmul.f32 v43, v12  }
0x28d: {  	v12 =	vld [tilespmem:s2+$0xFFFFFFF0];
	[tilespmem:s0+$0xFFFFFF10] =	vst v7;
	v7 =	vmul.f32 v40, v13;
	v13 =	vmul.f32 v42, v14  }
0x28e: {  	v15 =	vmul.f32 v15, v38;
	v17 =	vmul.f32 v17, v44;
	v14 =	vld [tilespmem:s10+$0x80];
	[tilespmem:s0+$0xFFFFFF20] =	vst v9  }
0x28f: {  	v16 =	vmul.f32 v16, v39;
	v18 =	vmul.f32 v18, v54;
	v9 =	vld [tilespmem:s2+$0x0];
	v38 =	vadd.f32 v58, v62;
	[tilespmem:s0+$0xFFFFFF30] =	vst v5  }
0x290: {  	v19 =	vmul.f32 v19, v52;
	v20 =	vmul.f32 v53, v20;
	v39 =	vld [tilespmem:s10+$0xFFFFFF60];
	[tilespmem:s0+$0xFFFFFF40] =	vst v8  }
0x291: {  	v21 =	vmul.f32 v50, v21;
	v41 =	vld [tilespmem:s10+$0xFFFFFEE0];
	v8 =	vmul.f32 $2.000000030e-01, v38;
	[tilespmem:s0+$0xFFFFFF50] =	vst v6  }
0x292: {  	v22 =	vmul.f32 v51, v22;
	v25 =	vmul.f32 v25, v49;
	v5 =	vld [tilespmem:s10+$0xFFFFFEF0];
	v10 =	vadd.f32 v12, v10;
	[tilespmem:s0+$0xFFFFFF70] =	vst v11  }
0x293: {  	v26 =	vmul.f32 v26, v48;
	v33 =	vmul.f32 v33, v47;
	v6 =	vld [tilespmem:s10+$0xFFFFFF00];
	v8 =	vmax.f32 v38, v8;
	[tilespmem:s0+$0xFFFFFF80] =	vst v7  }
0x294: {  	v7 =	vld [tilespmem:s10+$0xFFFFFF10];
	v11 =	vmul.f32 $2.000000030e-01, v10;
	v12 =	vadd.f32 v9, v14;
	v14 =	vmul.f32 $1.442695020e+00, v8;
	[tilespmem:s0+$0xFFFFFF90] =	vst v13  }
0x295: {  	v29 =	vmul.f32 v29, v46;
	v37 =	vmul.f32 v37, v45;
	v13 =	vadd.f32 v57, v39;
	v9 =	vld [tilespmem:s10+$0xFFFFFF20];
	[tilespmem:s0+$0xFFFFFFA0] =	vst v15  }
0x296: {  	v8 =	vld [tilespmem:s10+$0xFFFFFF30];
	v11 =	vmax.f32 v10, v11;
	v15 =	vmul.f32 $2.000000030e-01, v12;
	(erf) = vpow2.f32 v14;
	[tilespmem:s0+$0xFFFFFFB0] =	vst v17  }
0x297: {  	v14 =	vmul.f32 $2.000000030e-01, v13;
	v10 =	vld [tilespmem:s10+$0xFFFFFF40];
	v17 =	vmul.f32 $1.442695020e+00, v11;
	[tilespmem:s0+$0xFFFFFFC0] =	vst v16  }
0x298: {  	v23 =	vmul.f32 v3, v23;
	v27 =	vmul.f32 v4, v27;
	v11 =	vld [tilespmem:s10+$0xFFFFFF50];
	v15 =	vmax.f32 v12, v15;
	[tilespmem:s0+$0xFFFFFFD0] =	vst v18  }
0x299: {  	v3 =	vmax.f32 v13, v14;
	v12 =	vld [tilespmem:s10+$0xFFFFFF70];
	v4 =	vmul.f32 $1.442695020e+00, v15;
	(erf) = vpow2.f32 v17;
	[tilespmem:s0+$0xFFFFFFE0] =	vst v19  }
0x29a: {  	v24 =	vmul.f32 v2, v24;
	v3 =	vmul.f32 $1.442695020e+00, v3;
	v13 =	vld [tilespmem:s10+$0xFFFFFF80];
	[tilespmem:s0+$0x0] =	vst v20  }
0x29b: {  	v28 =	vmul.f32 v28, v1;
	v14 =	vld [tilespmem:s10+$0xFFFFFF90];
	(erf) = vpow2.f32 v4;
	[tilespmem:s0+$0x10] =	vst v21  }
0x29c: {  	v30 =	vmul.f32 v30, v34;
	v15 =	vld [tilespmem:s10+$0xFFFFFFA0];
	(erf) = vpow2.f32 v3;
	[tilespmem:s0+$0x20] =	vst v22  }
0x29d: {  	v31 =	vmul.f32 v31, v32;
	v32 =	vmul.f32 v35, v36;
	v21 =	vld [tilespmem:s10+$0x100];
	[tilespmem:s0+$0x30] =	vst v25  }
0x29e: {  	v17 =	vld [tilespmem:s10+$0xFFFFFFB0];
	[tilespmem:s0+$0x40] =	vst v26  }
0x29f: {  	v16 =	vld [tilespmem:s10+$0xFFFFFFC0];
	v36 =	vpop (erf);
	[tilespmem:s0+$0x50] =	vst v33  }
0x2a0: {  	v18 =	vld [tilespmem:s10+$0xFFFFFFD0];
	v3 =	vbroadcast v36, $0x0;
	v22 =	vbroadcast v36, $0x7;
	[tilespmem:s0+$0x60] =	vst v29  }
0x2a1: {  	v4 =	vbroadcast v36, $0x1;
	v2 =	vbroadcast v36, $0x2;
	v19 =	vld [tilespmem:s10+$0xFFFFFFE0];
	[tilespmem:s0+$0x70] =	vst v37  }
0x2a2: {  	v1 =	vbroadcast v36, $0x3;
	v20 =	vld [tilespmem:s10+$0x0];
	v25 =	vmul.f32 v21, v22;
	v34 =	vpop (erf);
	[tilespmem:s0+$0x90] =	vst v23  }
0x2a3: {  	v43 =	vbroadcast v34, $0x0;
	v40 =	vbroadcast v34, $0x1;
	v21 =	vld [tilespmem:s10+$0x10];
	[tilespmem:s0+$0xA0] =	vst v27  }
0x2a4: {  	v42 =	vbroadcast v34, $0x2;
	v38 =	vbroadcast v34, $0x3;
	v22 =	vld [tilespmem:s10+$0x20];
	[tilespmem:s10+$0x100] =	vst v25;
	v35 =	vpop (erf)  }
0x2a5: {  	v44 =	vbroadcast v34, $0x4;
	v39 =	vbroadcast v34, $0x5;
	v25 =	vld [tilespmem:s10+$0x30];
	v23 =	vpop (erf);
	[tilespmem:s0+$0xB0] =	vst v24  }
0x2a6: {  	v62 =	vbroadcast v23, $0x0;
	v58 =	vbroadcast v23, $0x1;
	v26 =	vld [tilespmem:s10+$0x40];
	[tilespmem:s0+$0xC0] =	vst v28  }
0x2a7: {  	v61 =	vbroadcast v23, $0x2;
	v57 =	vbroadcast v23, $0x3;
	v33 =	vld [tilespmem:s10+$0x50];
	[tilespmem:s0+$0xD0] =	vst v30  }
0x2a8: {  	v60 =	vbroadcast v23, $0x4;
	v56 =	vbroadcast v23, $0x5;
	v29 =	vld [tilespmem:s10+$0x60];
	[tilespmem:s0+$0xE0] =	vst v31  }
0x2a9: {  	v59 =	vbroadcast v23, $0x6;
	v55 =	vbroadcast v23, $0x7;
	v37 =	vld [tilespmem:s10+$0x70];
	[tilespmem:s0+$0xF0] =	vst v32;
	s0 =	smov.u32 s10  }
0x2aa: {  	v54 =	vbroadcast v34, $0x6;
	v52 =	vbroadcast v34, $0x7;
	[tilespmem:s10+$0xFFFFFF60] =	vst v23;
	v23 =	vld [tilespmem:s10+$0x90]  }
0x2ab: {  	v53 =	vbroadcast v35, $0x0;
	v50 =	vbroadcast v35, $0x1;
	[tilespmem:s10+$0xFFFFFFF0] =	vst v34;
	v27 =	vld [tilespmem:s10+$0xA0]  }
.Ltmp5:
0x2ac: {  	v51 =	vbroadcast v35, $0x2;
	v49 =	vbroadcast v35, $0x3;
	[tilespmem:s10+$0x80] =	vst v35;
	v24 =	vld [tilespmem:s10+$0xB0];
	(pc) =	sbr.rel @p0 .LBB2_12-.Ltmp5, $4  }
0x2ad: {  	v48 =	vbroadcast v35, $0x4;
	v47 =	vbroadcast v35, $0x5;
	[tilespmem:s10+$0x110] =	vst v36;
	v28 =	vld [tilespmem:s10+$0xC0]  }
0x2ae: {  	v46 =	vbroadcast v35, $0x6;
	v45 =	vbroadcast v35, $0x7;
	v30 =	vld [tilespmem:s10+$0xD0]  }
0x2af: {  	v32 =	vbroadcast v36, $0x5;
	v34 =	vbroadcast v36, $0x4;
	v31 =	vld [tilespmem:s10+$0xE0]  }
0x2b0: {  	v41 =	vmul.f32 v62, v41;
	v36 =	vbroadcast v36, $0x6;
	s10 =	sadd.s32 $0x240, s10;
	v35 =	vld [tilespmem:s0+$0xF0]  }
0x2b1: {  	v5 =	vmul.f32 v58, v5  }
0x2b2: {  	v6 =	vmul.f32 v61, v6;
	[tilespmem:s0+$0xFFFFFEE0] =	vst v41  }
0x2b3: {  	v7 =	vmul.f32 v7, v57;
	[tilespmem:s0+$0xFFFFFEF0] =	vst v5  }
0x2b4: {  	v3 =	vmul.f32 v3, v23;
	[tilespmem:s0+$0xFFFFFF00] =	vst v6  }
0x2b5: {  	v4 =	vmul.f32 v4, v27;
	[tilespmem:s0+$0xFFFFFF10] =	vst v7  }
0x2b6: {  	v2 =	vmul.f32 v2, v24;
	[tilespmem:s0+$0x90] =	vst v3  }
0x2b7: {  	v1 =	vmul.f32 v28, v1;
	[tilespmem:s0+$0xA0] =	vst v4  }
0x2b8: {  	v5 =	vmul.f32 v9, v60;
	[tilespmem:s0+$0xB0] =	vst v2  }
0x2b9: {  	v6 =	vmul.f32 v8, v56;
	[tilespmem:s0+$0xC0] =	vst v1  }
0x2ba: {  	v7 =	vmul.f32 v10, v59;
	[tilespmem:s0+$0xFFFFFF20] =	vst v5  }
0x2bb: {  	v3 =	vmul.f32 v30, v34;
	[tilespmem:s0+$0xFFFFFF30] =	vst v6  }
0x2bc: {  	v2 =	vmul.f32 v31, v32;
	[tilespmem:s0+$0xFFFFFF40] =	vst v7  }
0x2bd: {  	v5 =	vmul.f32 v11, v55;
	[tilespmem:s0+$0xD0] =	vst v3  }
0x2be: {  	v6 =	vmul.f32 v43, v12;
	[tilespmem:s0+$0xE0] =	vst v2  }
0x2bf: {  	v7 =	vmul.f32 v40, v13;
	[tilespmem:s0+$0xFFFFFF50] =	vst v5  }
0x2c0: {  	v1 =	vmul.f32 v35, v36;
	[tilespmem:s0+$0xFFFFFF70] =	vst v6  }
0x2c1: {  	v5 =	vmul.f32 v42, v14;
	[tilespmem:s0+$0xFFFFFF80] =	vst v7  }
0x2c2: {  	v6 =	vmul.f32 v15, v38;
	[tilespmem:s0+$0xF0] =	vst v1  }
0x2c3: {  	v7 =	vmul.f32 v17, v44;
	[tilespmem:s0+$0xFFFFFF90] =	vst v5  }
0x2c4: {  	v5 =	vmul.f32 v16, v39;
	[tilespmem:s0+$0xFFFFFFA0] =	vst v6  }
0x2c5: {  	v6 =	vmul.f32 v18, v54;
	[tilespmem:s0+$0xFFFFFFB0] =	vst v7  }
0x2c6: {  	v7 =	vmul.f32 v19, v52;
	[tilespmem:s0+$0xFFFFFFC0] =	vst v5  }
0x2c7: {  	v5 =	vmul.f32 v53, v20;
	[tilespmem:s0+$0xFFFFFFD0] =	vst v6  }
0x2c8: {  	v6 =	vmul.f32 v50, v21;
	[tilespmem:s0+$0xFFFFFFE0] =	vst v7  }
0x2c9: {  	v7 =	vmul.f32 v51, v22;
	[tilespmem:s0+$0x0] =	vst v5  }
0x2ca: {  	v5 =	vmul.f32 v25, v49;
	[tilespmem:s0+$0x10] =	vst v6  }
0x2cb: {  	v6 =	vmul.f32 v26, v48;
	[tilespmem:s0+$0x20] =	vst v7  }
0x2cc: {  	v7 =	vmul.f32 v33, v47;
	[tilespmem:s0+$0x30] =	vst v5  }
0x2cd: {  	v5 =	vmul.f32 v29, v46;
	[tilespmem:s0+$0x40] =	vst v6  }
0x2ce: {  	v6 =	vmul.f32 v37, v45;
	[tilespmem:s0+$0x50] =	vst v7  }
0x2cf: {  	[tilespmem:s0+$0x60] =	vst v5  }
0x2d0: {  	[tilespmem:s0+$0x70] =	vst v6  }
0x2d1: {  	_ =	swait.ge [sflag:s26], $0x4800  }
0x2d2: {  	[sflag:s26] =	ssyncset.done $0x0  }
0x2d3: {  	[sflag:s26] =	ssyncadd.s32 $0xFFFFB800  }
0x2d4: {  	[tilespmem:s28], [sflag:$0x1] =	stream.indirect.gather [hbm4b:s6+s25], $0x10, s25, s25, $0xb8;
	[tilespmem:$0x1F910] =	vst v63  }
0x2d5: {  	_ =	swait.ge [sflag:s26], $0x800  }
0x2d6: {  	[sflag:s26] =	ssyncset.done $0x0  }
0x2d7: {  	[sflag:s26] =	ssyncadd.s32 $0xFFFFF800  }
0x2d8: {  	[spmem:s3] =	stream.indirect.scatter.add.f32 [tilespmem:s30], [sflag:$0x2], $0x90, s29, s25, $0xb8;
	[tilespmem:$0x1F910] =	vst v63  }
0x2d9: {  	_ =	swait.ge [sflag:s24], $0x4800  }
0x2da: {  	[sflag:s24] =	ssyncset.done $0x0  }
0x2db: {  	s0 =	simm.s32 $0xAA0;
	[sflag:s24] =	ssyncadd.s32 $0xFFFFB800  }
0x2dc: {  	s2 =	simm.s32 $0x1A0;
	v1 =	vld [tilespmem:s0+$0x110]  }
0x2dd: {  	v2 =	vld [tilespmem:s2+$0x10]  }
0x2de: {  	v3 =	vld [tilespmem:s2+$0xFFFFFFE0]  }
0x2df: {  	v4 =	vld [tilespmem:s0+$0xFFFFFFF0]  }
0x2e0: {  	v6 =	vld [tilespmem:s2+$0xFFFFFFF0]  }
0x2e1: {  	v8 =	vld [tilespmem:s0+$0x80]  }
0x2e2: {  	v9 =	vld [tilespmem:s2+$0x0];
	v1 =	vadd.f32 v2, v1  }
0x2e3: {  	v35 =	vld [tilespmem:s0+$0xFFFFFEE0]  }
0x2e4: {  	v5 =	vld [tilespmem:s0+$0xFFFFFEF0];
	v7 =	vmul.f32 $2.000000030e-01, v1  }
0x2e5: {  	v2 =	vld [tilespmem:s0+$0xFFFFFF60]  }
0x2e6: {  	v11 =	vld [tilespmem:s0+$0xFFFFFF50];
	v4 =	vadd.f32 v6, v4;
	v1 =	vmax.f32 v1, v7  }
0x2e7: {  	v13 =	vld [tilespmem:s0+$0xFFFFFF80];
	v1 =	vmul.f32 $1.442695020e+00, v1  }
0x2e8: {  	v14 =	vld [tilespmem:s0+$0xFFFFFF90];
	v10 =	vmul.f32 $2.000000030e-01, v4  }
0x2e9: {  	v15 =	vld [tilespmem:s0+$0xFFFFFFA0];
	(erf) = vpow2.f32 v1  }
0x2ea: {  	v21 =	vld [tilespmem:s0+$0x100];
	v12 =	vadd.f32 v9, v8;
	v2 =	vadd.f32 v3, v2;
	v3 =	vmax.f32 v4, v10  }
0x2eb: {  	v17 =	vld [tilespmem:s0+$0xFFFFFFB0];
	v3 =	vmul.f32 $1.442695020e+00, v3  }
0x2ec: {  	v16 =	vld [tilespmem:s0+$0xFFFFFFC0];
	v4 =	vmul.f32 $2.000000030e-01, v12  }
0x2ed: {  	v18 =	vld [tilespmem:s0+$0xFFFFFFD0];
	v1 =	vmul.f32 $2.000000030e-01, v2;
	(erf) = vpow2.f32 v3  }
0x2ee: {  	v19 =	vld [tilespmem:s0+$0xFFFFFFE0];
	v4 =	vmax.f32 v12, v4  }
0x2ef: {  	v20 =	vld [tilespmem:s0+$0x0];
	v1 =	vmax.f32 v2, v1;
	v2 =	vmul.f32 $1.442695020e+00, v4  }
0x2f0: {  	v25 =	vld [tilespmem:s0+$0x30];
	v1 =	vmul.f32 $1.442695020e+00, v1  }
0x2f1: {  	v26 =	vld [tilespmem:s0+$0x40];
	(erf) = vpow2.f32 v2  }
0x2f2: {  	v33 =	vld [tilespmem:s0+$0x50];
	(erf) = vpow2.f32 v1;
	v36 =	vpop (erf)  }
0x2f3: {  	v29 =	vld [tilespmem:s0+$0x60];
	v3 =	vbroadcast v36, $0x0;
	v22 =	vbroadcast v36, $0x7  }
0x2f4: {  	v27 =	vld [tilespmem:s0+$0xA0];
	v4 =	vbroadcast v36, $0x1;
	v2 =	vbroadcast v36, $0x2  }
0x2f5: {  	v24 =	vld [tilespmem:s0+$0xB0];
	v1 =	vbroadcast v36, $0x3;
	v34 =	vbroadcast v36, $0x4  }
0x2f6: {  	v37 =	vld [tilespmem:s0+$0x70];
	v31 =	vpop (erf);
	[tilespmem:s0+$0x110] =	vst v36;
	v32 =	vbroadcast v36, $0x5;
	v36 =	vbroadcast v36, $0x6  }
0x2f7: {  	v28 =	vld [tilespmem:s0+$0xC0];
	v43 =	vbroadcast v31, $0x0;
	v40 =	vbroadcast v31, $0x1  }
0x2f8: {  	v6 =	vld [tilespmem:s0+$0xFFFFFF00];
	v42 =	vbroadcast v31, $0x2;
	v38 =	vbroadcast v31, $0x3  }
0x2f9: {  	v9 =	vld [tilespmem:s0+$0xFFFFFF20];
	v44 =	vbroadcast v31, $0x4;
	v39 =	vbroadcast v31, $0x5  }
0x2fa: {  	v8 =	vld [tilespmem:s0+$0xFFFFFF30];
	v54 =	vbroadcast v31, $0x6;
	v52 =	vbroadcast v31, $0x7;
	v41 =	vpop (erf)  }
0x2fb: {  	v7 =	vld [tilespmem:s0+$0xFFFFFF10];
	v23 =	vmul.f32 v21, v22;
	v53 =	vbroadcast v41, $0x0  }
0x2fc: {  	v10 =	vld [tilespmem:s0+$0xFFFFFF40];
	v50 =	vbroadcast v41, $0x1;
	v51 =	vbroadcast v41, $0x2  }
0x2fd: {  	v12 =	vld [tilespmem:s0+$0xFFFFFF70];
	v49 =	vbroadcast v41, $0x3;
	v48 =	vbroadcast v41, $0x4  }
0x2fe: {  	[tilespmem:s0+$0xFFFFFFF0] =	vst v31;
	v31 =	vld [tilespmem:s0+$0xE0];
	v30 =	vpop (erf);
	v47 =	vbroadcast v41, $0x5;
	v46 =	vbroadcast v41, $0x6  }
0x2ff: {  	v21 =	vld [tilespmem:s0+$0x10];
	v62 =	vbroadcast v30, $0x0;
	v58 =	vbroadcast v30, $0x1  }
0x300: {  	v22 =	vld [tilespmem:s0+$0x20];
	v61 =	vbroadcast v30, $0x2;
	v57 =	vbroadcast v30, $0x3  }
0x301: {  	[tilespmem:s0+$0x100] =	vst v23;
	v23 =	vld [tilespmem:s0+$0x90];
	v60 =	vbroadcast v30, $0x4;
	v56 =	vbroadcast v30, $0x5  }
0x302: {  	v59 =	vbroadcast v30, $0x6;
	v55 =	vbroadcast v30, $0x7;
	[tilespmem:s0+$0xFFFFFF60] =	vst v30;
	v30 =	vld [tilespmem:s0+$0xD0]  }
0x303: {  	s9 =	simm.s32 $0x0;
	s10 =	simm.s32 $0xCE0;
	v45 =	vbroadcast v41, $0x7;
	[tilespmem:s0+$0x80] =	vst v41;
	v41 =	vmul.f32 v62, v35;
	v35 =	vld [tilespmem:s0+$0xF0]  }
.LBB2_14:
0x304: {  	v62 =	vld [tilespmem:s10+$0x110];
	v5 =	vmul.f32 v58, v5;
	v6 =	vmul.f32 v61, v6;
	s2 =	sadd.s32 $0x40, s2  }
0x305: {  	s9 =	sadd.s32 $0x4, s9;
	v7 =	vmul.f32 v7, v57;
	v9 =	vmul.f32 v9, v60;
	v58 =	vld [tilespmem:s2+$0x10];
	[tilespmem:s0+$0xFFFFFEE0] =	vst v41  }
0x306: {  	p0 =	slt.u32 s9, $0x7C;
	v57 =	vld [tilespmem:s2+$0xFFFFFFE0];
	[tilespmem:s0+$0xFFFFFEF0] =	vst v5;
	v5 =	vmul.f32 v8, v56;
	v8 =	vmul.f32 v10, v59  }
0x307: {  	v10 =	vld [tilespmem:s10+$0xFFFFFFF0];
	[tilespmem:s0+$0xFFFFFF00] =	vst v6;
	v6 =	vmul.f32 v11, v55;
	v11 =	vmul.f32 v43, v12  }
0x308: {  	v12 =	vld [tilespmem:s2+$0xFFFFFFF0];
	[tilespmem:s0+$0xFFFFFF10] =	vst v7;
	v7 =	vmul.f32 v40, v13;
	v13 =	vmul.f32 v42, v14  }
0x309: {  	v15 =	vmul.f32 v15, v38;
	v17 =	vmul.f32 v17, v44;
	v14 =	vld [tilespmem:s10+$0x80];
	[tilespmem:s0+$0xFFFFFF20] =	vst v9  }
0x30a: {  	v16 =	vmul.f32 v16, v39;
	v18 =	vmul.f32 v18, v54;
	v9 =	vld [tilespmem:s2+$0x0];
	v38 =	vadd.f32 v58, v62;
	[tilespmem:s0+$0xFFFFFF30] =	vst v5  }
0x30b: {  	v19 =	vmul.f32 v19, v52;
	v20 =	vmul.f32 v53, v20;
	v39 =	vld [tilespmem:s10+$0xFFFFFF60];
	[tilespmem:s0+$0xFFFFFF40] =	vst v8  }
0x30c: {  	v21 =	vmul.f32 v50, v21;
	v41 =	vld [tilespmem:s10+$0xFFFFFEE0];
	v8 =	vmul.f32 $2.000000030e-01, v38;
	[tilespmem:s0+$0xFFFFFF50] =	vst v6  }
0x30d: {  	v22 =	vmul.f32 v51, v22;
	v25 =	vmul.f32 v25, v49;
	v5 =	vld [tilespmem:s10+$0xFFFFFEF0];
	v10 =	vadd.f32 v12, v10;
	[tilespmem:s0+$0xFFFFFF70] =	vst v11  }
0x30e: {  	v26 =	vmul.f32 v26, v48;
	v33 =	vmul.f32 v33, v47;
	v6 =	vld [tilespmem:s10+$0xFFFFFF00];
	v8 =	vmax.f32 v38, v8;
	[tilespmem:s0+$0xFFFFFF80] =	vst v7  }
0x30f: {  	v7 =	vld [tilespmem:s10+$0xFFFFFF10];
	v11 =	vmul.f32 $2.000000030e-01, v10;
	v12 =	vadd.f32 v9, v14;
	v14 =	vmul.f32 $1.442695020e+00, v8;
	[tilespmem:s0+$0xFFFFFF90] =	vst v13  }
0x310: {  	v29 =	vmul.f32 v29, v46;
	v37 =	vmul.f32 v37, v45;
	v13 =	vadd.f32 v57, v39;
	v9 =	vld [tilespmem:s10+$0xFFFFFF20];
	[tilespmem:s0+$0xFFFFFFA0] =	vst v15  }
0x311: {  	v8 =	vld [tilespmem:s10+$0xFFFFFF30];
	v11 =	vmax.f32 v10, v11;
	v15 =	vmul.f32 $2.000000030e-01, v12;
	(erf) = vpow2.f32 v14;
	[tilespmem:s0+$0xFFFFFFB0] =	vst v17  }
0x312: {  	v14 =	vmul.f32 $2.000000030e-01, v13;
	v10 =	vld [tilespmem:s10+$0xFFFFFF40];
	v17 =	vmul.f32 $1.442695020e+00, v11;
	[tilespmem:s0+$0xFFFFFFC0] =	vst v16  }
0x313: {  	v23 =	vmul.f32 v3, v23;
	v27 =	vmul.f32 v4, v27;
	v11 =	vld [tilespmem:s10+$0xFFFFFF50];
	v15 =	vmax.f32 v12, v15;
	[tilespmem:s0+$0xFFFFFFD0] =	vst v18  }
0x314: {  	v3 =	vmax.f32 v13, v14;
	v12 =	vld [tilespmem:s10+$0xFFFFFF70];
	v4 =	vmul.f32 $1.442695020e+00, v15;
	(erf) = vpow2.f32 v17;
	[tilespmem:s0+$0xFFFFFFE0] =	vst v19  }
0x315: {  	v24 =	vmul.f32 v2, v24;
	v3 =	vmul.f32 $1.442695020e+00, v3;
	v13 =	vld [tilespmem:s10+$0xFFFFFF80];
	[tilespmem:s0+$0x0] =	vst v20  }
0x316: {  	v28 =	vmul.f32 v28, v1;
	v14 =	vld [tilespmem:s10+$0xFFFFFF90];
	(erf) = vpow2.f32 v4;
	[tilespmem:s0+$0x10] =	vst v21  }
0x317: {  	v30 =	vmul.f32 v30, v34;
	v15 =	vld [tilespmem:s10+$0xFFFFFFA0];
	(erf) = vpow2.f32 v3;
	[tilespmem:s0+$0x20] =	vst v22  }
0x318: {  	v31 =	vmul.f32 v31, v32;
	v32 =	vmul.f32 v35, v36;
	v21 =	vld [tilespmem:s10+$0x100];
	[tilespmem:s0+$0x30] =	vst v25  }
0x319: {  	v17 =	vld [tilespmem:s10+$0xFFFFFFB0];
	[tilespmem:s0+$0x40] =	vst v26  }
0x31a: {  	v16 =	vld [tilespmem:s10+$0xFFFFFFC0];
	v36 =	vpop (erf);
	[tilespmem:s0+$0x50] =	vst v33  }
0x31b: {  	v18 =	vld [tilespmem:s10+$0xFFFFFFD0];
	v3 =	vbroadcast v36, $0x0;
	v22 =	vbroadcast v36, $0x7;
	[tilespmem:s0+$0x60] =	vst v29  }
0x31c: {  	v4 =	vbroadcast v36, $0x1;
	v2 =	vbroadcast v36, $0x2;
	v19 =	vld [tilespmem:s10+$0xFFFFFFE0];
	[tilespmem:s0+$0x70] =	vst v37  }
0x31d: {  	v1 =	vbroadcast v36, $0x3;
	v20 =	vld [tilespmem:s10+$0x0];
	v25 =	vmul.f32 v21, v22;
	v34 =	vpop (erf);
	[tilespmem:s0+$0x90] =	vst v23  }
0x31e: {  	v43 =	vbroadcast v34, $0x0;
	v40 =	vbroadcast v34, $0x1;
	v21 =	vld [tilespmem:s10+$0x10];
	[tilespmem:s0+$0xA0] =	vst v27  }
0x31f: {  	v42 =	vbroadcast v34, $0x2;
	v38 =	vbroadcast v34, $0x3;
	v22 =	vld [tilespmem:s10+$0x20];
	[tilespmem:s10+$0x100] =	vst v25;
	v35 =	vpop (erf)  }
0x320: {  	v44 =	vbroadcast v34, $0x4;
	v39 =	vbroadcast v34, $0x5;
	v25 =	vld [tilespmem:s10+$0x30];
	v23 =	vpop (erf);
	[tilespmem:s0+$0xB0] =	vst v24  }
0x321: {  	v62 =	vbroadcast v23, $0x0;
	v58 =	vbroadcast v23, $0x1;
	v26 =	vld [tilespmem:s10+$0x40];
	[tilespmem:s0+$0xC0] =	vst v28  }
0x322: {  	v61 =	vbroadcast v23, $0x2;
	v57 =	vbroadcast v23, $0x3;
	v33 =	vld [tilespmem:s10+$0x50];
	[tilespmem:s0+$0xD0] =	vst v30  }
0x323: {  	v60 =	vbroadcast v23, $0x4;
	v56 =	vbroadcast v23, $0x5;
	v29 =	vld [tilespmem:s10+$0x60];
	[tilespmem:s0+$0xE0] =	vst v31  }
0x324: {  	v59 =	vbroadcast v23, $0x6;
	v55 =	vbroadcast v23, $0x7;
	v37 =	vld [tilespmem:s10+$0x70];
	[tilespmem:s0+$0xF0] =	vst v32;
	s0 =	smov.u32 s10  }
0x325: {  	v54 =	vbroadcast v34, $0x6;
	v52 =	vbroadcast v34, $0x7;
	[tilespmem:s10+$0xFFFFFF60] =	vst v23;
	v23 =	vld [tilespmem:s10+$0x90]  }
0x326: {  	v53 =	vbroadcast v35, $0x0;
	v50 =	vbroadcast v35, $0x1;
	[tilespmem:s10+$0xFFFFFFF0] =	vst v34;
	v27 =	vld [tilespmem:s10+$0xA0]  }
.Ltmp6:
0x327: {  	v51 =	vbroadcast v35, $0x2;
	v49 =	vbroadcast v35, $0x3;
	[tilespmem:s10+$0x80] =	vst v35;
	v24 =	vld [tilespmem:s10+$0xB0];
	(pc) =	sbr.rel @p0 .LBB2_14-.Ltmp6, $4  }
0x328: {  	v48 =	vbroadcast v35, $0x4;
	v47 =	vbroadcast v35, $0x5;
	[tilespmem:s10+$0x110] =	vst v36;
	v28 =	vld [tilespmem:s10+$0xC0]  }
0x329: {  	v46 =	vbroadcast v35, $0x6;
	v45 =	vbroadcast v35, $0x7;
	v30 =	vld [tilespmem:s10+$0xD0]  }
0x32a: {  	v32 =	vbroadcast v36, $0x5;
	v34 =	vbroadcast v36, $0x4;
	v31 =	vld [tilespmem:s10+$0xE0]  }
0x32b: {  	v41 =	vmul.f32 v62, v41;
	v36 =	vbroadcast v36, $0x6;
	s10 =	sadd.s32 $0x240, s10;
	v35 =	vld [tilespmem:s0+$0xF0]  }
0x32c: {  	v5 =	vmul.f32 v58, v5  }
0x32d: {  	v6 =	vmul.f32 v61, v6;
	[tilespmem:s0+$0xFFFFFEE0] =	vst v41  }
0x32e: {  	v7 =	vmul.f32 v7, v57;
	[tilespmem:s0+$0xFFFFFEF0] =	vst v5  }
0x32f: {  	v63 =	vmul.f32 v9, v60;
	[tilespmem:s0+$0xFFFFFF00] =	vst v6  }
0x330: {  	v9 =	vmul.f32 v8, v56;
	[tilespmem:s0+$0xFFFFFF10] =	vst v7  }
0x331: {  	v10 =	vmul.f32 v10, v59;
	[tilespmem:s0+$0xFFFFFF20] =	vst v63  }
0x332: {  	v11 =	vmul.f32 v11, v55;
	[tilespmem:s0+$0xFFFFFF30] =	vst v9  }
0x333: {  	v12 =	vmul.f32 v43, v12;
	[tilespmem:s0+$0xFFFFFF40] =	vst v10  }
0x334: {  	v40 =	vmul.f32 v40, v13;
	[tilespmem:s0+$0xFFFFFF50] =	vst v11  }
0x335: {  	v43 =	vmul.f32 v17, v44;
	[tilespmem:s0+$0xFFFFFF70] =	vst v12  }
0x336: {  	v44 =	vmul.f32 v16, v39;
	[tilespmem:s0+$0xFFFFFF80] =	vst v40  }
0x337: {  	v54 =	vmul.f32 v18, v54;
	[tilespmem:s0+$0xFFFFFFB0] =	vst v43  }
0x338: {  	v55 =	vmul.f32 v19, v52;
	[tilespmem:s0+$0xFFFFFFC0] =	vst v44  }
0x339: {  	v56 =	vmul.f32 v53, v20;
	[tilespmem:s0+$0xFFFFFFD0] =	vst v54  }
0x33a: {  	v57 =	vmul.f32 v50, v21;
	[tilespmem:s0+$0xFFFFFFE0] =	vst v55  }
0x33b: {  	v58 =	vmul.f32 v51, v22;
	[tilespmem:s0+$0x0] =	vst v56  }
0x33c: {  	v59 =	vmul.f32 v25, v49;
	[tilespmem:s0+$0x10] =	vst v57  }
0x33d: {  	v60 =	vmul.f32 v26, v48;
	[tilespmem:s0+$0x20] =	vst v58  }
0x33e: {  	v61 =	vmul.f32 v33, v47;
	[tilespmem:s0+$0x30] =	vst v59  }
0x33f: {  	v62 =	vmul.f32 v29, v46;
	[tilespmem:s0+$0x40] =	vst v60  }
0x340: {  	v3 =	vmul.f32 v3, v23;
	[tilespmem:s0+$0x50] =	vst v61  }
0x341: {  	v4 =	vmul.f32 v4, v27;
	[tilespmem:s0+$0x60] =	vst v62  }
0x342: {  	v2 =	vmul.f32 v2, v24;
	[tilespmem:s0+$0x90] =	vst v3  }
0x343: {  	v41 =	vmul.f32 v42, v14;
	[tilespmem:s0+$0xA0] =	vst v4  }
0x344: {  	v42 =	vmul.f32 v15, v38;
	[tilespmem:s0+$0xB0] =	vst v2  }
0x345: {  	v1 =	vmul.f32 v28, v1;
	[tilespmem:s0+$0xFFFFFF90] =	vst v41  }
0x346: {  	v63 =	vmul.f32 v37, v45;
	[tilespmem:s0+$0xFFFFFFA0] =	vst v42  }
0x347: {  	v3 =	vmul.f32 v30, v34;
	[tilespmem:s0+$0xC0] =	vst v1  }
0x348: {  	v2 =	vmul.f32 v31, v32;
	[tilespmem:s0+$0x70] =	vst v63  }
0x349: {  	v1 =	vmul.f32 v35, v36;
	[tilespmem:s0+$0xD0] =	vst v3  }
0x34a: {  	[tilespmem:s0+$0xE0] =	vst v2  }
0x34b: {  	[tilespmem:s0+$0xF0] =	vst v1  }
0x34c: {  	[spmem:s3] =	stream.indirect.scatter.add.f32 [tilespmem:s23], [sflag:$0x2], $0x90, s25, s25, $0xb8;
	[tilespmem:$0x1F910] =	vst v63  }
0x34d: {  	s12 =	stileid.u32;
	_ =	swait.ge [sflag:s24], $0x4800  }
0x34e: {  	s2 =	sshrl.u32 s8, $0x3;
	s31 =	sadd.s32 $0x1, s31;
	[sflag:s24] =	ssyncset.done $0x0  }
0x34f: {  	p0 =	sne.s32 s31, s22;
	s0 =	sshll.u32 s12, $0x6;
	[sflag:s24] =	ssyncadd.s32 $0xFFFFB800  }
.Ltmp7:
0x350: {  	s0 =	sor.u32 $0x1C02, s0;
	[bflag:$0x0] =	sbarrier.arrive $0xFFFF;
	(pc) =	sbr.rel @p0 .LBB2_1-.Ltmp7, $4  }
0x351: {  	[hbm:s21], [sflag:s0] =	dma.local [spmem:s2], $0x2BF2  }
0x352: {  	_ =	swait.ge [sflag:s24], $0x2BF2  }
0x353: {  	[sflag:s24] =	ssyncset.done $0x0  }
0x354: {  	[sflag:s24] =	ssyncadd.s32 $0xFFFFD40E  }
0x355: {  	_ =	sfence.sel $0x180000  }
0x356: {  	[bflag:$0x0] =	sbarrier.arrive $0xFFFF  }
0x357: {  	_ =	strace $0x90000047  }
0x358: {  	s0 =	stileid.u32;
	[bflag:$0x2] =	sbarrier.arrive $0xFFFF  }
0x359: {  	p0 =	sne.s32 s0, $0x0;
	s0 =	rddreg [dreg:$0x3]  }
0x35a: {  	s0 =	sadd.s32 @!p0 $0x100000, s0  }
0x35b: {  	[sflag:s0] =	ssyncadd.tile.s32 @!p0 $0x1;
	_ =	shalt  }
.Lfunc_end2:
_tile_overlayer_lowered:
.L_overlay_start_2:
0x35c: {  	(tag) =	ssettag $0x2  }
0x35d: {  	s0 =	rddreg [dreg:$0x0];
	s2 =	stileid.u32  }
0x35e: {  	s1 =	rddreg [dreg:$0x1];
	p0 =	sne.s32 s2, $0x0  }
0x35f: {  	s3 =	rddreg [dreg:$0x2];
	[bflag:$0x3] =	sbarrier.arrive $0xFFFF;
	s2 =	simm.s32 @!p0 $0x1C02  }
0x360: {  	[timem:s3], [sflag:s2] =	dma.local @!p0 [hbm:s0], s1  }
0x361: {  	s0 =	simm.s32 @!p0 $0x2  }
0x362: {  	_ =	swait.ge @!p0 [sflag:s0], s1  }
0x363: {  	s1 =	ssub.s32 @!p0 $0x0, s1;
	[sflag:s0] =	ssyncset.done @!p0 $0x0  }
0x364: {  	[sflag:s0] =	ssyncadd.s32 @!p0 s1  }
0x365: {  	[bflag:$0x3] =	sbarrier.arrive $0xFFFF  }
0x366: {  	_ =	shalt  }

</sc_bundles>
